<compile_context>
chip_gen: v7x
topology: tpu7x:2x2x1
jax: 0.10.2.dev20260603
libtpu: 0.0.44.dev20260713+nightly
codegen_flags: <defaults>
</compile_context>

<pallas_src>
import functools

import jax
import jax.numpy as jnp
from jax import lax
from jax.experimental import pallas as pl
from jax.experimental.pallas import tpu as pltpu
from jax.experimental.pallas import tpu_sc as plsc

_N = 10000
_E = 320000
_D = 128

_NC = 2
_NS = 16
_NW = _NC * _NS

_NPAD = 10240
_RPT = _NPAD // _NS
_CHUNK = 128
_NCH = 80
_EPT = _NCH * _CHUNK
_EPAD = _EPT * _NW
_PAD_IDX = 10048

_mesh = plsc.VectorSubcoreMesh(core_axis_name="c", subcore_axis_name="s")



@functools.partial(
    pl.kernel,
    out_type=jax.ShapeDtypeStruct((_NW, _NPAD), jnp.float32),
    mesh=_mesh,
    compiler_params=pltpu.CompilerParams(needs_layout_passes=False),
    scratch_types=[
        pltpu.VMEM((_NPAD,), jnp.float32),
        pltpu.VMEM((_CHUNK,), jnp.int32),
    ],
)
def _deg_kernel(dst_hbm, parts_hbm, hist, didx):
    c = lax.axis_index("c")
    s = lax.axis_index("s")
    wid = c * _NS + s
    zeros = jnp.zeros((16,), jnp.float32)

    def zero_body(i, carry):
        hist[pl.ds(i * 16, 16)] = zeros
        return carry

    lax.fori_loop(0, _NPAD // 16, zero_body, 0)

    ones = jnp.ones((16,), jnp.float32)
    base = wid * _EPT

    def edge_body(k, carry):
        pltpu.sync_copy(dst_hbm.at[pl.ds(base + k * _CHUNK, _CHUNK)], didx)
        for grp in range(_CHUNK // 16):
            idx = didx[pl.ds(grp * 16, 16)]
            plsc.addupdate_scatter(hist, [idx], ones)
        return carry

    lax.fori_loop(0, _EPT // _CHUNK, edge_body, 0)
    pltpu.sync_copy(hist, parts_hbm.at[wid])


@functools.partial(
    pl.kernel,
    out_type=jax.ShapeDtypeStruct((_NC * _NPAD, _D), jnp.float32),
    mesh=_mesh,
    scratch_types=[
        pltpu.VMEM_SHARED((_NPAD, _D), jnp.float32),
        pltpu.VMEM((_CHUNK, _D), jnp.float32),
        pltpu.VMEM((_CHUNK, _D), jnp.float32),
        pltpu.VMEM((_CHUNK,), jnp.int32),
        pltpu.VMEM((_CHUNK,), jnp.int32),
        pltpu.VMEM((_CHUNK,), jnp.int32),
        pltpu.VMEM((_CHUNK,), jnp.int32),
        pltpu.SemaphoreType.DMA,
        pltpu.SemaphoreType.DMA,
        pltpu.SemaphoreType.DMA,
        pltpu.SemaphoreType.DMA,
    ],
)
def _mp_kernel(g_hbm, src_hbm, dst_hbm, acc_hbm, acc_sh, rows0, rows1,
               sidx0, didx0, sidx1, didx1, sem_a, sem_b, sem_ia, sem_ib):
    c = lax.axis_index("c")
    s = lax.axis_index("s")
    wid = c * _NS + s
    zeros = jnp.zeros((16,), jnp.float32)

    def zero_body(r, carry):
        for col in range(_D // 16):
            rows0[r, pl.ds(col * 16, 16)] = zeros
        return carry

    lax.fori_loop(0, _CHUNK, zero_body, 0)

    row0 = s * _RPT
    for k in range(_RPT // _CHUNK):
        pltpu.sync_copy(rows0, acc_sh.at[pl.ds(row0 + k * _CHUNK, _CHUNK)])
    plsc.subcore_barrier()

    base = wid * _EPT

    def idx_load(k, si, di, sem):
        off = base + k * _CHUNK
        pltpu.async_copy(src_hbm.at[pl.ds(off, _CHUNK)], si, sem)
        pltpu.async_copy(dst_hbm.at[pl.ds(off, _CHUNK)], di, sem)

    def idx_wait(si, di, sem):
        pltpu.make_async_copy(src_hbm.at[pl.ds(base, _CHUNK)], si, sem).wait()
        pltpu.make_async_copy(dst_hbm.at[pl.ds(base, _CHUNK)], di, sem).wait()

    pltpu.sync_copy(src_hbm.at[pl.ds(base, _CHUNK)], sidx0)
    pltpu.sync_copy(dst_hbm.at[pl.ds(base, _CHUNK)], didx0)
    pltpu.async_copy(g_hbm.at[sidx0], rows0, sem_a)

    def edge_body(j, carry):
        k = 2 * j
        idx_load(k + 1, sidx1, didx1, sem_ib)
        pltpu.make_async_copy(g_hbm.at[sidx0], rows0, sem_a).wait()
        idx_wait(sidx1, didx1, sem_ib)
        pltpu.async_copy(g_hbm.at[sidx1], rows1, sem_b)
        pltpu.sync_copy(rows0, acc_sh.at[didx0], add=True)
        idx_load((k + 2) % _NCH, sidx0, didx0, sem_ia)
        pltpu.make_async_copy(g_hbm.at[sidx1], rows1, sem_b).wait()
        idx_wait(sidx0, didx0, sem_ia)
        pltpu.async_copy(g_hbm.at[sidx0], rows0, sem_a)
        pltpu.sync_copy(rows1, acc_sh.at[didx1], add=True)
        return carry

    lax.fori_loop(0, _NCH // 2, edge_body, 0)
    pltpu.make_async_copy(g_hbm.at[sidx0], rows0, sem_a).wait()
    plsc.subcore_barrier()

    for k in range(_RPT // _CHUNK):
        r0 = row0 + k * _CHUNK
        pltpu.sync_copy(acc_sh.at[pl.ds(r0, _CHUNK)], rows0)
        pltpu.sync_copy(rows0, acc_hbm.at[pl.ds(c * _NPAD + r0, _CHUNK)])



_RB = 1000
_NG = _N // _RB


def _mm_body(x_ref, w_ref, h_ref):
    h_ref[...] = jnp.dot(x_ref[...], w_ref[...],
                         preferred_element_type=jnp.float32)


def _mm_call(x, w):
    return pl.pallas_call(
        _mm_body,
        grid=(_NG,),
        in_specs=[
            pl.BlockSpec((_RB, _D), lambda i: (i, 0)),
            pl.BlockSpec((_D, _D), lambda i: (0, 0)),
        ],
        out_specs=pl.BlockSpec((_RB, _D), lambda i: (i, 0)),
        out_shape=jax.ShapeDtypeStruct((_N, _D), jnp.float32),
    )(x, w)


def _sc_body(parts_ref, h_ref, g_ref, d_ref):
    deg = jnp.sum(parts_ref[...], axis=1, keepdims=True) + 1.0
    dinv = lax.rsqrt(deg)
    g_ref[...] = h_ref[...] * dinv
    d_ref[...] = dinv


def _sc_call(parts_t, h):
    return pl.pallas_call(
        _sc_body,
        grid=(_NG,),
        in_specs=[
            pl.BlockSpec((_RB, _NW), lambda i: (i, 0)),
            pl.BlockSpec((_RB, _D), lambda i: (i, 0)),
        ],
        out_specs=[
            pl.BlockSpec((_RB, _D), lambda i: (i, 0)),
            pl.BlockSpec((_RB, 1), lambda i: (i, 0)),
        ],
        out_shape=[
            jax.ShapeDtypeStruct((_N, _D), jnp.float32),
            jax.ShapeDtypeStruct((_N, 1), jnp.float32),
        ],
    )(parts_t, h)


def _cb_body(a0_ref, a1_ref, g_ref, d_ref, b_ref, w_ref, o_ref):
    acc = a0_ref[0] + a1_ref[0] + g_ref[...]
    p = jnp.maximum(acc * d_ref[...] + b_ref[...], 0.0)
    o_ref[...] = jnp.dot(p, w_ref[...], preferred_element_type=jnp.float32) * d_ref[...]


def _cb_call(acc3, g, dinv_col, bias_row, w):
    return pl.pallas_call(
        _cb_body,
        grid=(_NG,),
        in_specs=[
            pl.BlockSpec((1, _RB, _D), lambda i: (0, i, 0)),
            pl.BlockSpec((1, _RB, _D), lambda i: (1, i, 0)),
            pl.BlockSpec((_RB, _D), lambda i: (i, 0)),
            pl.BlockSpec((_RB, 1), lambda i: (i, 0)),
            pl.BlockSpec((1, _D), lambda i: (0, 0)),
            pl.BlockSpec((_D, _D), lambda i: (0, 0)),
        ],
        out_specs=pl.BlockSpec((_RB, _D), lambda i: (i, 0)),
        out_shape=jax.ShapeDtypeStruct((_N, _D), jnp.float32),
    )(acc3, acc3, g, dinv_col, bias_row, w)


def _fin_body(a0_ref, a1_ref, g_ref, d_ref, b_ref, o_ref):
    acc = a0_ref[0] + a1_ref[0] + g_ref[...]
    o_ref[...] = acc * d_ref[...] + b_ref[...]


def _fin_call(acc3, g, dinv_col, bias_row):
    return pl.pallas_call(
        _fin_body,
        grid=(_NG,),
        in_specs=[
            pl.BlockSpec((1, _RB, _D), lambda i: (0, i, 0)),
            pl.BlockSpec((1, _RB, _D), lambda i: (1, i, 0)),
            pl.BlockSpec((_RB, _D), lambda i: (i, 0)),
            pl.BlockSpec((_RB, 1), lambda i: (i, 0)),
            pl.BlockSpec((1, _D), lambda i: (0, 0)),
        ],
        out_specs=pl.BlockSpec((_RB, _D), lambda i: (i, 0)),
        out_shape=jax.ShapeDtypeStruct((_N, _D), jnp.float32),
    )(acc3, acc3, g, dinv_col, bias_row)



def kernel(x, edge_index, W1, b1, W2, b2, W3, b3):
    npad = _EPAD - _E
    pad_src = jnp.arange(npad, dtype=jnp.int32) % _N
    pad_dst = _N + jnp.arange(npad, dtype=jnp.int32) % (_NPAD - _N)
    src = jnp.concatenate([edge_index[0].astype(jnp.int32), pad_src])
    dst = jnp.concatenate([edge_index[1].astype(jnp.int32), pad_dst])

    h1 = _mm_call(x, W1)
    parts_t = _deg_kernel(dst).T

    g1, dinv_col = _sc_call(parts_t, h1)
    a1 = _mp_kernel(g1, src, dst).reshape(_NC, _NPAD, _D)
    g2 = _cb_call(a1, g1, dinv_col, b1.reshape(1, _D), W2)
    a2 = _mp_kernel(g2, src, dst).reshape(_NC, _NPAD, _D)
    g3 = _cb_call(a2, g2, dinv_col, b2.reshape(1, _D), W3)
    a3 = _mp_kernel(g3, src, dst).reshape(_NC, _NPAD, _D)
    return _fin_call(a3, g3, dinv_col, b3.reshape(1, _D))

# --- scband reference (transcript-rebuilt; emitter-appended) ---
"""Pipeline reference for scband-model-drop-edge-87033217286854 (READ-ONLY COPY).

The authoritative reference and input builder live on the scoring server;
editing this copy changes nothing except your own understanding.
"""

import jax, jax.numpy as jnp
import numpy as np

N = 10000
E = 320000
D_IN = 128
D_HID = 128
D_OUT = 128


def gcn_conv(x, edge_index, W, b):
    n = x.shape[0]
    loop = jnp.arange(n, dtype=edge_index.dtype)
    src = jnp.concatenate([edge_index[0], loop])
    dst = jnp.concatenate([edge_index[1], loop])
    h = x @ W
    deg = jnp.zeros((n,), dtype=h.dtype).at[dst].add(1.0)
    dinv = jnp.where(deg > 0, jax.lax.rsqrt(deg), 0.0)
    norm = dinv[src] * dinv[dst]
    msg = h[src] * norm[:, None]
    out = jnp.zeros((n, h.shape[1]), dtype=h.dtype).at[dst].add(msg)
    return out + b


def setup_inputs(seed: int = 0):
    key = jax.random.key(seed)
    ks = jax.random.split(key, 8)
    x = jax.random.normal(ks[0], (N, D_IN), dtype=jnp.float32)
    edge_index = jax.random.randint(ks[1], (2, E), 0, N, dtype=jnp.int32)
    s1 = 1.0 / np.sqrt(D_IN)
    s2 = 1.0 / np.sqrt(D_HID)
    W1 = jax.random.uniform(ks[2], (D_IN, D_HID), dtype=jnp.float32, minval=-s1, maxval=s1)
    b1 = jnp.zeros((D_HID,), dtype=jnp.float32)
    W2 = jax.random.uniform(ks[3], (D_HID, D_HID), dtype=jnp.float32, minval=-s2, maxval=s2)
    b2 = jnp.zeros((D_HID,), dtype=jnp.float32)
    W3 = jax.random.uniform(ks[4], (D_HID, D_OUT), dtype=jnp.float32, minval=-s2, maxval=s2)
    b3 = jnp.zeros((D_OUT,), dtype=jnp.float32)
    return {"x": x, "edge_index": edge_index, "W1": W1, "b1": b1, "W2": W2, "b2": b2, "W3": W3, "b3": b3}


def reference(x, edge_index, W1, b1, W2, b2, W3, b3):
    # drop_rate=0 (default): dropout_edge keeps all edges, deterministic
    h = gcn_conv(x, edge_index, W1, b1)
    h = jax.nn.relu(h)
    h = gcn_conv(h, edge_index, W2, b2)
    h = jax.nn.relu(h)
    out = gcn_conv(h, edge_index, W3, b3)
    return out

if __name__ == "__main__":
    import jax
    _d = setup_inputs()
    print(jax.jit(kernel)(*tuple(_d.values())))

</pallas_src>

<mosaic_0001>
#map = affine_map<(d0, d1) -> (0)>
#map1 = affine_map<(d0, d1) -> (0, 0)>
module attributes {stable_mosaic.version = 14 : i64} {
  func.func @_deg_kernel(%arg0: i32, %arg1: i32, %arg2: memref<327680xi32, #tpu.memory_space<hbm>>, %arg3: memref<32x10240xf32, #tpu.memory_space<hbm>>, %arg4: memref<10240xf32, #tpu.memory_space<vmem>>, %arg5: memref<128xi32, #tpu.memory_space<vmem>>) attributes {dimension_semantics = [#tpu.dimension_semantics<core_parallel>, #tpu.dimension_semantics<subcore_parallel>], iteration_bounds = array<i64: 2, 16>, scalar_prefetch = 0 : i64, scratch_operands = 2 : i64, tpu.core_type = #tpu.core_type<sc_vector_subcore>, window_params = [{transform_indices = #map}, {transform_indices = #map1}]} {
    %mul3A = arith.constant 16 : i32
    %mul3A_0 = arith.muli %arg0, %mul3A : i32
    %add3A = arith.addi %mul3A_0, %arg1 : i32
    %broadcast_in_dim3A = arith.constant 0.000000e+00 : f32
    %broadcast_in_dim3A_1 = vector.broadcast %broadcast_in_dim3A : f32 to vector<16xf32>
    %scan3A = arith.constant 0 : i32
    %scan3A_2 = arith.constant 0 : i32
    %scan3A_3 = arith.constant 640 : i32
    %scan3A_4 = arith.addi %scan3A_2, %scan3A_3 : i32
    %scan3A_5 = arith.constant 1 : i32
    scf.for %scan3A_17 = %scan3A_2 to %scan3A_4 step %scan3A_5  : i32 {
      %mul3A_18 = arith.constant 16 : i32
      %mul3A_19 = arith.muli %scan3A_17, %mul3A_18 : i32
      %swap3A = arith.index_cast %mul3A_19 : i32 to index
      %swap3A_20 = tpu.vector_load %arg4[%swap3A] {strides = array<i32>} : memref<10240xf32, #tpu.memory_space<vmem>>, vector<16xf32>,
      tpu.vector_store %arg4[%swap3A], %broadcast_in_dim3A_1 {strides = array<i32>} : memref<10240xf32, #tpu.memory_space<vmem>>, vector<16xf32>,
    }
    %scan3A_6 = arith.constant 640 : i32
    %broadcast_in_dim3A_7 = arith.constant 1.000000e+00 : f32
    %broadcast_in_dim3A_8 = vector.broadcast %broadcast_in_dim3A_7 : f32 to vector<16xf32>
    %mul3A_9 = arith.constant 10240 : i32
    %mul3A_10 = arith.muli %add3A, %mul3A_9 : i32
    %scan3A_11 = arith.constant 0 : i32
    %scan3A_12 = arith.constant 0 : i32
    %scan3A_13 = arith.constant 80 : i32
    %scan3A_14 = arith.addi %scan3A_12, %scan3A_13 : i32
    %scan3A_15 = arith.constant 1 : i32
    scf.for %scan3A_17 = %scan3A_12 to %scan3A_14 step %scan3A_15  : i32 {
      %mul3A_18 = arith.constant 128 : i32
      %mul3A_19 = arith.muli %scan3A_17, %mul3A_18 : i32
      %add3A_20 = arith.addi %mul3A_10, %mul3A_19 : i32
      "tpu.region"() ({
        %run_scoped3A = tpu.sem_alloc : memref<!tpu.dma_semaphore, #tpu.memory_space<semaphore_mem>>
        %dma_start3A = tpu.memref_slice %arg2[%add3A_20] : memref<327680xi32, #tpu.memory_space<hbm>> -> memref<128xi32, #tpu.memory_space<hbm>>
        %dma_start3A_36 = tpu.memref_slice %arg2[%add3A_20] : memref<327680xi32, #tpu.memory_space<hbm>> -> memref<128xi32, #tpu.memory_space<hbm>>
        tpu.enqueue_dma source(%dma_start3A_36 : memref<128xi32, #tpu.memory_space<hbm>>) target(%arg5 : memref<128xi32, #tpu.memory_space<vmem>>) target_semaphore(%run_scoped3A : memref<!tpu.dma_semaphore, #tpu.memory_space<semaphore_mem>>)
        %dma_wait3A = tpu.memref_slice %arg2[%add3A_20] : memref<327680xi32, #tpu.memory_space<hbm>> -> memref<128xi32, #tpu.memory_space<hbm>>
        %dma_wait3A_37 = tpu.memref_slice %arg2[%add3A_20] : memref<327680xi32, #tpu.memory_space<hbm>> -> memref<128xi32, #tpu.memory_space<hbm>>
        tpu.wait_dma2 semaphore(%run_scoped3A : memref<!tpu.dma_semaphore, #tpu.memory_space<semaphore_mem>>) src(%dma_wait3A_37 : memref<128xi32, #tpu.memory_space<hbm>>) dst(%arg5 : memref<128xi32, #tpu.memory_space<vmem>>)
        tpu.yield
      }) : () -> ()
      %get3A = arith.constant 0 : index
      %get3A_21 = tpu.vector_load %arg5[%get3A] {strides = array<i32>} : memref<128xi32, #tpu.memory_space<vmem>>, vector<16xi32>,
      tpu.vector_store_idx %arg4[%get3A_21], %broadcast_in_dim3A_8 {add = true} : memref<10240xf32, #tpu.memory_space<vmem>>[vector<16xi32>], vector<16xf32>,
      %get3A_22 = arith.constant 16 : index
      %get3A_23 = tpu.vector_load %arg5[%get3A_22] {strides = array<i32>} : memref<128xi32, #tpu.memory_space<vmem>>, vector<16xi32>,
      tpu.vector_store_idx %arg4[%get3A_23], %broadcast_in_dim3A_8 {add = true} : memref<10240xf32, #tpu.memory_space<vmem>>[vector<16xi32>], vector<16xf32>,
      %get3A_24 = arith.constant 32 : index
      %get3A_25 = tpu.vector_load %arg5[%get3A_24] {strides = array<i32>} : memref<128xi32, #tpu.memory_space<vmem>>, vector<16xi32>,
      tpu.vector_store_idx %arg4[%get3A_25], %broadcast_in_dim3A_8 {add = true} : memref<10240xf32, #tpu.memory_space<vmem>>[vector<16xi32>], vector<16xf32>,
      %get3A_26 = arith.constant 48 : index
      %get3A_27 = tpu.vector_load %arg5[%get3A_26] {strides = array<i32>} : memref<128xi32, #tpu.memory_space<vmem>>, vector<16xi32>,
      tpu.vector_store_idx %arg4[%get3A_27], %broadcast_in_dim3A_8 {add = true} : memref<10240xf32, #tpu.memory_space<vmem>>[vector<16xi32>], vector<16xf32>,
      %get3A_28 = arith.constant 64 : index
      %get3A_29 = tpu.vector_load %arg5[%get3A_28] {strides = array<i32>} : memref<128xi32, #tpu.memory_space<vmem>>, vector<16xi32>,
      tpu.vector_store_idx %arg4[%get3A_29], %broadcast_in_dim3A_8 {add = true} : memref<10240xf32, #tpu.memory_space<vmem>>[vector<16xi32>], vector<16xf32>,
      %get3A_30 = arith.constant 80 : index
      %get3A_31 = tpu.vector_load %arg5[%get3A_30] {strides = array<i32>} : memref<128xi32, #tpu.memory_space<vmem>>, vector<16xi32>,
      tpu.vector_store_idx %arg4[%get3A_31], %broadcast_in_dim3A_8 {add = true} : memref<10240xf32, #tpu.memory_space<vmem>>[vector<16xi32>], vector<16xf32>,
      %get3A_32 = arith.constant 96 : index
      %get3A_33 = tpu.vector_load %arg5[%get3A_32] {strides = array<i32>} : memref<128xi32, #tpu.memory_space<vmem>>, vector<16xi32>,
      tpu.vector_store_idx %arg4[%get3A_33], %broadcast_in_dim3A_8 {add = true} : memref<10240xf32, #tpu.memory_space<vmem>>[vector<16xi32>], vector<16xf32>,
      %get3A_34 = arith.constant 112 : index
      %get3A_35 = tpu.vector_load %arg5[%get3A_34] {strides = array<i32>} : memref<128xi32, #tpu.memory_space<vmem>>, vector<16xi32>,
      tpu.vector_store_idx %arg4[%get3A_35], %broadcast_in_dim3A_8 {add = true} : memref<10240xf32, #tpu.memory_space<vmem>>[vector<16xi32>], vector<16xf32>,
    }
    %scan3A_16 = arith.constant 80 : i32
    "tpu.region"() ({
      %run_scoped3A = tpu.sem_alloc : memref<!tpu.dma_semaphore, #tpu.memory_space<semaphore_mem>>
      %dma_start3A = arith.constant 0 : i32
      %dma_start3A_17 = tpu.memref_slice %arg3[%add3A, %dma_start3A] : memref<32x10240xf32, #tpu.memory_space<hbm>> -> memref<1x10240xf32, #tpu.memory_space<hbm>>
      %dma_start3A_18 = tpu.memref_squeeze %dma_start3A_17 : memref<1x10240xf32, #tpu.memory_space<hbm>> -> memref<10240xf32, #tpu.memory_space<hbm>>
      %dma_start3A_19 = arith.constant 0 : i32
      %dma_start3A_20 = tpu.memref_slice %arg3[%add3A, %dma_start3A_19] : memref<32x10240xf32, #tpu.memory_space<hbm>> -> memref<1x10240xf32, #tpu.memory_space<hbm>>
      %dma_start3A_21 = tpu.memref_squeeze %dma_start3A_20 : memref<1x10240xf32, #tpu.memory_space<hbm>> -> memref<10240xf32, #tpu.memory_space<hbm>>
      tpu.enqueue_dma source(%arg4 : memref<10240xf32, #tpu.memory_space<vmem>>) target(%dma_start3A_21 : memref<10240xf32, #tpu.memory_space<hbm>>) target_semaphore(%run_scoped3A : memref<!tpu.dma_semaphore, #tpu.memory_space<semaphore_mem>>)
      %dma_wait3A = arith.constant 0 : i32
      %dma_wait3A_22 = tpu.memref_slice %arg3[%add3A, %dma_wait3A] : memref<32x10240xf32, #tpu.memory_space<hbm>> -> memref<1x10240xf32, #tpu.memory_space<hbm>>
      %dma_wait3A_23 = tpu.memref_squeeze %dma_wait3A_22 : memref<1x10240xf32, #tpu.memory_space<hbm>> -> memref<10240xf32, #tpu.memory_space<hbm>>
      %dma_wait3A_24 = arith.constant 0 : i32
      %dma_wait3A_25 = tpu.memref_slice %arg3[%add3A, %dma_wait3A_24] : memref<32x10240xf32, #tpu.memory_space<hbm>> -> memref<1x10240xf32, #tpu.memory_space<hbm>>
      %dma_wait3A_26 = tpu.memref_squeeze %dma_wait3A_25 : memref<1x10240xf32, #tpu.memory_space<hbm>> -> memref<10240xf32, #tpu.memory_space<hbm>>
      tpu.wait_dma2 semaphore(%run_scoped3A : memref<!tpu.dma_semaphore, #tpu.memory_space<semaphore_mem>>) src(%arg4 : memref<10240xf32, #tpu.memory_space<vmem>>) dst(%dma_wait3A_26 : memref<10240xf32, #tpu.memory_space<hbm>>)
      tpu.yield
    }) : () -> ()
    return
  }
}

#map = affine_map<(d0, d1) -> (0, 0)>
#map1 = affine_map<(d0, d1) -> (0)>
module attributes {stable_mosaic.version = 14 : i64} {
  func.func @_mp_kernel(%arg0: i32, %arg1: i32, %arg2: memref<10000x128xf32, #tpu.memory_space<hbm>>, %arg3: memref<327680xi32, #tpu.memory_space<hbm>>, %arg4: memref<327680xi32, #tpu.memory_space<hbm>>, %arg5: memref<20480x128xf32, #tpu.memory_space<hbm>>, %arg6: memref<10240x128xf32, #tpu.memory_space<vmem_shared>>, %arg7: memref<128x128xf32, #tpu.memory_space<vmem>>, %arg8: memref<128x128xf32, #tpu.memory_space<vmem>>, %arg9: memref<128xi32, #tpu.memory_space<vmem>>, %arg10: memref<128xi32, #tpu.memory_space<vmem>>, %arg11: memref<128xi32, #tpu.memory_space<vmem>>, %arg12: memref<128xi32, #tpu.memory_space<vmem>>, %arg13: memref<!tpu.dma_semaphore, #tpu.memory_space<semaphore_mem>>, %arg14: memref<!tpu.dma_semaphore, #tpu.memory_space<semaphore_mem>>, %arg15: memref<!tpu.dma_semaphore, #tpu.memory_space<semaphore_mem>>, %arg16: memref<!tpu.dma_semaphore, #tpu.memory_space<semaphore_mem>>) attributes {dimension_semantics = [#tpu.dimension_semantics<core_parallel>, #tpu.dimension_semantics<subcore_parallel>], iteration_bounds = array<i64: 2, 16>, scalar_prefetch = 0 : i64, scratch_operands = 11 : i64, tpu.core_type = #tpu.core_type<sc_vector_subcore>, window_params = [{transform_indices = #map}, {transform_indices = #map1}, {transform_indices = #map1}, {transform_indices = #map}]} {
    %mul3A = arith.constant 16 : i32
    %mul3A_0 = arith.muli %arg0, %mul3A : i32
    %add3A = arith.addi %mul3A_0, %arg1 : i32
    %broadcast_in_dim3A = arith.constant 0.000000e+00 : f32
    %broadcast_in_dim3A_1 = vector.broadcast %broadcast_in_dim3A : f32 to vector<16xf32>
    %scan3A = arith.constant 0 : i32
    %scan3A_2 = arith.constant 0 : i32
    %scan3A_3 = arith.constant 128 : i32
    %scan3A_4 = arith.addi %scan3A_2, %scan3A_3 : i32
    %scan3A_5 = arith.constant 1 : i32
    scf.for %scan3A_57 = %scan3A_2 to %scan3A_4 step %scan3A_5  : i32 {
      %swap3A = arith.index_cast %scan3A_57 : i32 to index
      %swap3A_58 = arith.constant 0 : index
      %swap3A_59 = tpu.vector_load %arg7[%swap3A, %swap3A_58] {strides = array<i32>} : memref<128x128xf32, #tpu.memory_space<vmem>>, vector<1x16xf32>,
      %swap3A_60 = vector.shape_cast %swap3A_59 : vector<1x16xf32> to vector<16xf32>
      %swap3A_61 = vector.shape_cast %broadcast_in_dim3A_1 : vector<16xf32> to vector<1x16xf32>
      tpu.vector_store %arg7[%swap3A, %swap3A_58], %swap3A_61 {strides = array<i32>} : memref<128x128xf32, #tpu.memory_space<vmem>>, vector<1x16xf32>,
      %swap3A_62 = arith.index_cast %scan3A_57 : i32 to index
      %swap3A_63 = arith.constant 16 : index
      %swap3A_64 = tpu.vector_load %arg7[%swap3A_62, %swap3A_63] {strides = array<i32>} : memref<128x128xf32, #tpu.memory_space<vmem>>, vector<1x16xf32>,
      %swap3A_65 = vector.shape_cast %swap3A_64 : vector<1x16xf32> to vector<16xf32>
      %swap3A_66 = vector.shape_cast %broadcast_in_dim3A_1 : vector<16xf32> to vector<1x16xf32>
      tpu.vector_store %arg7[%swap3A_62, %swap3A_63], %swap3A_66 {strides = array<i32>} : memref<128x128xf32, #tpu.memory_space<vmem>>, vector<1x16xf32>,
      %swap3A_67 = arith.index_cast %scan3A_57 : i32 to index
      %swap3A_68 = arith.constant 32 : index
      %swap3A_69 = tpu.vector_load %arg7[%swap3A_67, %swap3A_68] {strides = array<i32>} : memref<128x128xf32, #tpu.memory_space<vmem>>, vector<1x16xf32>,
      %swap3A_70 = vector.shape_cast %swap3A_69 : vector<1x16xf32> to vector<16xf32>
      %swap3A_71 = vector.shape_cast %broadcast_in_dim3A_1 : vector<16xf32> to vector<1x16xf32>
      tpu.vector_store %arg7[%swap3A_67, %swap3A_68], %swap3A_71 {strides = array<i32>} : memref<128x128xf32, #tpu.memory_space<vmem>>, vector<1x16xf32>,
      %swap3A_72 = arith.index_cast %scan3A_57 : i32 to index
      %swap3A_73 = arith.constant 48 : index
      %swap3A_74 = tpu.vector_load %arg7[%swap3A_72, %swap3A_73] {strides = array<i32>} : memref<128x128xf32, #tpu.memory_space<vmem>>, vector<1x16xf32>,
      %swap3A_75 = vector.shape_cast %swap3A_74 : vector<1x16xf32> to vector<16xf32>
      %swap3A_76 = vector.shape_cast %broadcast_in_dim3A_1 : vector<16xf32> to vector<1x16xf32>
      tpu.vector_store %arg7[%swap3A_72, %swap3A_73], %swap3A_76 {strides = array<i32>} : memref<128x128xf32, #tpu.memory_space<vmem>>, vector<1x16xf32>,
      %swap3A_77 = arith.index_cast %scan3A_57 : i32 to index
      %swap3A_78 = arith.constant 64 : index
      %swap3A_79 = tpu.vector_load %arg7[%swap3A_77, %swap3A_78] {strides = array<i32>} : memref<128x128xf32, #tpu.memory_space<vmem>>, vector<1x16xf32>,
      %swap3A_80 = vector.shape_cast %swap3A_79 : vector<1x16xf32> to vector<16xf32>
      %swap3A_81 = vector.shape_cast %broadcast_in_dim3A_1 : vector<16xf32> to vector<1x16xf32>
      tpu.vector_store %arg7[%swap3A_77, %swap3A_78], %swap3A_81 {strides = array<i32>} : memref<128x128xf32, #tpu.memory_space<vmem>>, vector<1x16xf32>,
      %swap3A_82 = arith.index_cast %scan3A_57 : i32 to index
      %swap3A_83 = arith.constant 80 : index
      %swap3A_84 = tpu.vector_load %arg7[%swap3A_82, %swap3A_83] {strides = array<i32>} : memref<128x128xf32, #tpu.memory_space<vmem>>, vector<1x16xf32>,
      %swap3A_85 = vector.shape_cast %swap3A_84 : vector<1x16xf32> to vector<16xf32>
      %swap3A_86 = vector.shape_cast %broadcast_in_dim3A_1 : vector<16xf32> to vector<1x16xf32>
      tpu.vector_store %arg7[%swap3A_82, %swap3A_83], %swap3A_86 {strides = array<i32>} : memref<128x128xf32, #tpu.memory_space<vmem>>, vector<1x16xf32>,
      %swap3A_87 = arith.index_cast %scan3A_57 : i32 to index
      %swap3A_88 = arith.constant 96 : index
      %swap3A_89 = tpu.vector_load %arg7[%swap3A_87, %swap3A_88] {strides = array<i32>} : memref<128x128xf32, #tpu.memory_space<vmem>>, vector<1x16xf32>,
      %swap3A_90 = vector.shape_cast %swap3A_89 : vector<1x16xf32> to vector<16xf32>
      %swap3A_91 = vector.shape_cast %broadcast_in_dim3A_1 : vector<16xf32> to vector<1x16xf32>
      tpu.vector_store %arg7[%swap3A_87, %swap3A_88], %swap3A_91 {strides = array<i32>} : memref<128x128xf32, #tpu.memory_space<vmem>>, vector<1x16xf32>,
      %swap3A_92 = arith.index_cast %scan3A_57 : i32 to index
      %swap3A_93 = arith.constant 112 : index
      %swap3A_94 = tpu.vector_load %arg7[%swap3A_92, %swap3A_93] {strides = array<i32>} : memref<128x128xf32, #tpu.memory_space<vmem>>, vector<1x16xf32>,
      %swap3A_95 = vector.shape_cast %swap3A_94 : vector<1x16xf32> to vector<16xf32>
      %swap3A_96 = vector.shape_cast %broadcast_in_dim3A_1 : vector<16xf32> to vector<1x16xf32>
      tpu.vector_store %arg7[%swap3A_92, %swap3A_93], %swap3A_96 {strides = array<i32>} : memref<128x128xf32, #tpu.memory_space<vmem>>, vector<1x16xf32>,
    }
    %scan3A_6 = arith.constant 128 : i32
    %mul3A_7 = arith.constant 640 : i32
    %mul3A_8 = arith.muli %arg1, %mul3A_7 : i32
    %add3A_9 = arith.constant 0 : i32
    %add3A_10 = arith.addi %mul3A_8, %add3A_9 : i32
    "tpu.region"() ({
      %run_scoped3A = tpu.sem_alloc : memref<!tpu.dma_semaphore, #tpu.memory_space<semaphore_mem>>
      %dma_start3A_57 = arith.constant 0 : i32
      %dma_start3A_58 = tpu.memref_slice %arg6[%add3A_10, %dma_start3A_57] : memref<10240x128xf32, #tpu.memory_space<vmem_shared>> -> memref<128x128xf32, #tpu.memory_space<vmem_shared>>
      %dma_start3A_59 = arith.constant 0 : i32
      %dma_start3A_60 = tpu.memref_slice %arg6[%add3A_10, %dma_start3A_59] : memref<10240x128xf32, #tpu.memory_space<vmem_shared>> -> memref<128x128xf32, #tpu.memory_space<vmem_shared>>
      tpu.enqueue_dma source(%arg7 : memref<128x128xf32, #tpu.memory_space<vmem>>) target(%dma_start3A_60 : memref<128x128xf32, #tpu.memory_space<vmem_shared>>) target_semaphore(%run_scoped3A : memref<!tpu.dma_semaphore, #tpu.memory_space<semaphore_mem>>)
      %dma_wait3A_61 = arith.constant 0 : i32
      %dma_wait3A_62 = tpu.memref_slice %arg6[%add3A_10, %dma_wait3A_61] : memref<10240x128xf32, #tpu.memory_space<vmem_shared>> -> memref<128x128xf32, #tpu.memory_space<vmem_shared>>
      %dma_wait3A_63 = arith.constant 0 : i32
      %dma_wait3A_64 = tpu.memref_slice %arg6[%add3A_10, %dma_wait3A_63] : memref<10240x128xf32, #tpu.memory_space<vmem_shared>> -> memref<128x128xf32, #tpu.memory_space<vmem_shared>>
      tpu.wait_dma2 semaphore(%run_scoped3A : memref<!tpu.dma_semaphore, #tpu.memory_space<semaphore_mem>>) src(%arg7 : memref<128x128xf32, #tpu.memory_space<vmem>>) dst(%dma_wait3A_64 : memref<128x128xf32, #tpu.memory_space<vmem_shared>>)
      tpu.yield
    }) : () -> ()
    %add3A_11 = arith.constant 128 : i32
    %add3A_12 = arith.addi %mul3A_8, %add3A_11 : i32
    "tpu.region"() ({
      %run_scoped3A = tpu.sem_alloc : memref<!tpu.dma_semaphore, #tpu.memory_space<semaphore_mem>>
      %dma_start3A_57 = arith.constant 0 : i32
      %dma_start3A_58 = tpu.memref_slice %arg6[%add3A_12, %dma_start3A_57] : memref<10240x128xf32, #tpu.memory_space<vmem_shared>> -> memref<128x128xf32, #tpu.memory_space<vmem_shared>>
      %dma_start3A_59 = arith.constant 0 : i32
      %dma_start3A_60 = tpu.memref_slice %arg6[%add3A_12, %dma_start3A_59] : memref<10240x128xf32, #tpu.memory_space<vmem_shared>> -> memref<128x128xf32, #tpu.memory_space<vmem_shared>>
      tpu.enqueue_dma source(%arg7 : memref<128x128xf32, #tpu.memory_space<vmem>>) target(%dma_start3A_60 : memref<128x128xf32, #tpu.memory_space<vmem_shared>>) target_semaphore(%run_scoped3A : memref<!tpu.dma_semaphore, #tpu.memory_space<semaphore_mem>>)
      %dma_wait3A_61 = arith.constant 0 : i32
      %dma_wait3A_62 = tpu.memref_slice %arg6[%add3A_12, %dma_wait3A_61] : memref<10240x128xf32, #tpu.memory_space<vmem_shared>> -> memref<128x128xf32, #tpu.memory_space<vmem_shared>>
      %dma_wait3A_63 = arith.constant 0 : i32
      %dma_wait3A_64 = tpu.memref_slice %arg6[%add3A_12, %dma_wait3A_63] : memref<10240x128xf32, #tpu.memory_space<vmem_shared>> -> memref<128x128xf32, #tpu.memory_space<vmem_shared>>
      tpu.wait_dma2 semaphore(%run_scoped3A : memref<!tpu.dma_semaphore, #tpu.memory_space<semaphore_mem>>) src(%arg7 : memref<128x128xf32, #tpu.memory_space<vmem>>) dst(%dma_wait3A_64 : memref<128x128xf32, #tpu.memory_space<vmem_shared>>)
      tpu.yield
    }) : () -> ()
    %add3A_13 = arith.constant 256 : i32
    %add3A_14 = arith.addi %mul3A_8, %add3A_13 : i32
    "tpu.region"() ({
      %run_scoped3A = tpu.sem_alloc : memref<!tpu.dma_semaphore, #tpu.memory_space<semaphore_mem>>
      %dma_start3A_57 = arith.constant 0 : i32
      %dma_start3A_58 = tpu.memref_slice %arg6[%add3A_14, %dma_start3A_57] : memref<10240x128xf32, #tpu.memory_space<vmem_shared>> -> memref<128x128xf32, #tpu.memory_space<vmem_shared>>
      %dma_start3A_59 = arith.constant 0 : i32
      %dma_start3A_60 = tpu.memref_slice %arg6[%add3A_14, %dma_start3A_59] : memref<10240x128xf32, #tpu.memory_space<vmem_shared>> -> memref<128x128xf32, #tpu.memory_space<vmem_shared>>
      tpu.enqueue_dma source(%arg7 : memref<128x128xf32, #tpu.memory_space<vmem>>) target(%dma_start3A_60 : memref<128x128xf32, #tpu.memory_space<vmem_shared>>) target_semaphore(%run_scoped3A : memref<!tpu.dma_semaphore, #tpu.memory_space<semaphore_mem>>)
      %dma_wait3A_61 = arith.constant 0 : i32
      %dma_wait3A_62 = tpu.memref_slice %arg6[%add3A_14, %dma_wait3A_61] : memref<10240x128xf32, #tpu.memory_space<vmem_shared>> -> memref<128x128xf32, #tpu.memory_space<vmem_shared>>
      %dma_wait3A_63 = arith.constant 0 : i32
      %dma_wait3A_64 = tpu.memref_slice %arg6[%add3A_14, %dma_wait3A_63] : memref<10240x128xf32, #tpu.memory_space<vmem_shared>> -> memref<128x128xf32, #tpu.memory_space<vmem_shared>>
      tpu.wait_dma2 semaphore(%run_scoped3A : memref<!tpu.dma_semaphore, #tpu.memory_space<semaphore_mem>>) src(%arg7 : memref<128x128xf32, #tpu.memory_space<vmem>>) dst(%dma_wait3A_64 : memref<128x128xf32, #tpu.memory_space<vmem_shared>>)
      tpu.yield
    }) : () -> ()
    %add3A_15 = arith.constant 384 : i32
    %add3A_16 = arith.addi %mul3A_8, %add3A_15 : i32
    "tpu.region"() ({
      %run_scoped3A = tpu.sem_alloc : memref<!tpu.dma_semaphore, #tpu.memory_space<semaphore_mem>>
      %dma_start3A_57 = arith.constant 0 : i32
      %dma_start3A_58 = tpu.memref_slice %arg6[%add3A_16, %dma_start3A_57] : memref<10240x128xf32, #tpu.memory_space<vmem_shared>> -> memref<128x128xf32, #tpu.memory_space<vmem_shared>>
      %dma_start3A_59 = arith.constant 0 : i32
      %dma_start3A_60 = tpu.memref_slice %arg6[%add3A_16, %dma_start3A_59] : memref<10240x128xf32, #tpu.memory_space<vmem_shared>> -> memref<128x128xf32, #tpu.memory_space<vmem_shared>>
      tpu.enqueue_dma source(%arg7 : memref<128x128xf32, #tpu.memory_space<vmem>>) target(%dma_start3A_60 : memref<128x128xf32, #tpu.memory_space<vmem_shared>>) target_semaphore(%run_scoped3A : memref<!tpu.dma_semaphore, #tpu.memory_space<semaphore_mem>>)
      %dma_wait3A_61 = arith.constant 0 : i32
      %dma_wait3A_62 = tpu.memref_slice %arg6[%add3A_16, %dma_wait3A_61] : memref<10240x128xf32, #tpu.memory_space<vmem_shared>> -> memref<128x128xf32, #tpu.memory_space<vmem_shared>>
      %dma_wait3A_63 = arith.constant 0 : i32
      %dma_wait3A_64 = tpu.memref_slice %arg6[%add3A_16, %dma_wait3A_63] : memref<10240x128xf32, #tpu.memory_space<vmem_shared>> -> memref<128x128xf32, #tpu.memory_space<vmem_shared>>
      tpu.wait_dma2 semaphore(%run_scoped3A : memref<!tpu.dma_semaphore, #tpu.memory_space<semaphore_mem>>) src(%arg7 : memref<128x128xf32, #tpu.memory_space<vmem>>) dst(%dma_wait3A_64 : memref<128x128xf32, #tpu.memory_space<vmem_shared>>)
      tpu.yield
    }) : () -> ()
    %add3A_17 = arith.constant 512 : i32
    %add3A_18 = arith.addi %mul3A_8, %add3A_17 : i32
    "tpu.region"() ({
      %run_scoped3A = tpu.sem_alloc : memref<!tpu.dma_semaphore, #tpu.memory_space<semaphore_mem>>
      %dma_start3A_57 = arith.constant 0 : i32
      %dma_start3A_58 = tpu.memref_slice %arg6[%add3A_18, %dma_start3A_57] : memref<10240x128xf32, #tpu.memory_space<vmem_shared>> -> memref<128x128xf32, #tpu.memory_space<vmem_shared>>
      %dma_start3A_59 = arith.constant 0 : i32
      %dma_start3A_60 = tpu.memref_slice %arg6[%add3A_18, %dma_start3A_59] : memref<10240x128xf32, #tpu.memory_space<vmem_shared>> -> memref<128x128xf32, #tpu.memory_space<vmem_shared>>
      tpu.enqueue_dma source(%arg7 : memref<128x128xf32, #tpu.memory_space<vmem>>) target(%dma_start3A_60 : memref<128x128xf32, #tpu.memory_space<vmem_shared>>) target_semaphore(%run_scoped3A : memref<!tpu.dma_semaphore, #tpu.memory_space<semaphore_mem>>)
      %dma_wait3A_61 = arith.constant 0 : i32
      %dma_wait3A_62 = tpu.memref_slice %arg6[%add3A_18, %dma_wait3A_61] : memref<10240x128xf32, #tpu.memory_space<vmem_shared>> -> memref<128x128xf32, #tpu.memory_space<vmem_shared>>
      %dma_wait3A_63 = arith.constant 0 : i32
      %dma_wait3A_64 = tpu.memref_slice %arg6[%add3A_18, %dma_wait3A_63] : memref<10240x128xf32, #tpu.memory_space<vmem_shared>> -> memref<128x128xf32, #tpu.memory_space<vmem_shared>>
      tpu.wait_dma2 semaphore(%run_scoped3A : memref<!tpu.dma_semaphore, #tpu.memory_space<semaphore_mem>>) src(%arg7 : memref<128x128xf32, #tpu.memory_space<vmem>>) dst(%dma_wait3A_64 : memref<128x128xf32, #tpu.memory_space<vmem_shared>>)
      tpu.yield
    }) : () -> ()
    %barrier3A = arith.constant 0 : index
    tpu.barrier barrier_id(%barrier3A)
    %mul3A_19 = arith.constant 10240 : i32
    %mul3A_20 = arith.muli %add3A, %mul3A_19 : i32
    "tpu.region"() ({
      %run_scoped3A = tpu.sem_alloc : memref<!tpu.dma_semaphore, #tpu.memory_space<semaphore_mem>>
      %dma_start3A_57 = tpu.memref_slice %arg3[%mul3A_20] : memref<327680xi32, #tpu.memory_space<hbm>> -> memref<128xi32, #tpu.memory_space<hbm>>
      %dma_start3A_58 = tpu.memref_slice %arg3[%mul3A_20] : memref<327680xi32, #tpu.memory_space<hbm>> -> memref<128xi32, #tpu.memory_space<hbm>>
      tpu.enqueue_dma source(%dma_start3A_58 : memref<128xi32, #tpu.memory_space<hbm>>) target(%arg9 : memref<128xi32, #tpu.memory_space<vmem>>) target_semaphore(%run_scoped3A : memref<!tpu.dma_semaphore, #tpu.memory_space<semaphore_mem>>)
      %dma_wait3A_59 = tpu.memref_slice %arg3[%mul3A_20] : memref<327680xi32, #tpu.memory_space<hbm>> -> memref<128xi32, #tpu.memory_space<hbm>>
      %dma_wait3A_60 = tpu.memref_slice %arg3[%mul3A_20] : memref<327680xi32, #tpu.memory_space<hbm>> -> memref<128xi32, #tpu.memory_space<hbm>>
      tpu.wait_dma2 semaphore(%run_scoped3A : memref<!tpu.dma_semaphore, #tpu.memory_space<semaphore_mem>>) src(%dma_wait3A_60 : memref<128xi32, #tpu.memory_space<hbm>>) dst(%arg9 : memref<128xi32, #tpu.memory_space<vmem>>)
      tpu.yield
    }) : () -> ()
    "tpu.region"() ({
      %run_scoped3A = tpu.sem_alloc : memref<!tpu.dma_semaphore, #tpu.memory_space<semaphore_mem>>
      %dma_start3A_57 = tpu.memref_slice %arg4[%mul3A_20] : memref<327680xi32, #tpu.memory_space<hbm>> -> memref<128xi32, #tpu.memory_space<hbm>>
      %dma_start3A_58 = tpu.memref_slice %arg4[%mul3A_20] : memref<327680xi32, #tpu.memory_space<hbm>> -> memref<128xi32, #tpu.memory_space<hbm>>
      tpu.enqueue_dma source(%dma_start3A_58 : memref<128xi32, #tpu.memory_space<hbm>>) target(%arg10 : memref<128xi32, #tpu.memory_space<vmem>>) target_semaphore(%run_scoped3A : memref<!tpu.dma_semaphore, #tpu.memory_space<semaphore_mem>>)
      %dma_wait3A_59 = tpu.memref_slice %arg4[%mul3A_20] : memref<327680xi32, #tpu.memory_space<hbm>> -> memref<128xi32, #tpu.memory_space<hbm>>
      %dma_wait3A_60 = tpu.memref_slice %arg4[%mul3A_20] : memref<327680xi32, #tpu.memory_space<hbm>> -> memref<128xi32, #tpu.memory_space<hbm>>
      tpu.wait_dma2 semaphore(%run_scoped3A : memref<!tpu.dma_semaphore, #tpu.memory_space<semaphore_mem>>) src(%dma_wait3A_60 : memref<128xi32, #tpu.memory_space<hbm>>) dst(%arg10 : memref<128xi32, #tpu.memory_space<vmem>>)
      tpu.yield
    }) : () -> ()
    %dma_start3A = arith.constant 0 : i32
    %dma_start3A_21 = arith.constant 0 : i32
    %dma_start3A_22 = tpu.memref_slice %arg2[%dma_start3A, %dma_start3A_21] : memref<10000x128xf32, #tpu.memory_space<hbm>> -> memref<10000x128xf32, #tpu.memory_space<hbm>>
    tpu.enqueue_indirect_dma source(%dma_start3A_22 : memref<10000x128xf32, #tpu.memory_space<hbm>>) target(%arg7 : memref<128x128xf32, #tpu.memory_space<vmem>>) offsets(%arg9 : memref<128xi32, #tpu.memory_space<vmem>>) semaphore(%arg13 : memref<!tpu.dma_semaphore, #tpu.memory_space<semaphore_mem>>)
    %scan3A_23 = arith.constant 0 : i32
    %scan3A_24 = arith.constant 0 : i32
    %scan3A_25 = arith.constant 40 : i32
    %scan3A_26 = arith.addi %scan3A_24, %scan3A_25 : i32
    %scan3A_27 = arith.constant 1 : i32
    scf.for %scan3A_57 = %scan3A_24 to %scan3A_26 step %scan3A_27  : i32 {
      %mul3A_58 = arith.constant 2 : i32
      %mul3A_59 = arith.muli %mul3A_58, %scan3A_57 : i32
      %add3A_60 = arith.constant 1 : i32
      %add3A_61 = arith.addi %mul3A_59, %add3A_60 : i32
      %mul3A_62 = arith.constant 128 : i32
      %mul3A_63 = arith.muli %add3A_61, %mul3A_62 : i32
      %add3A_64 = arith.addi %mul3A_20, %mul3A_63 : i32
      %dma_start3A_65 = tpu.memref_slice %arg3[%add3A_64] : memref<327680xi32, #tpu.memory_space<hbm>> -> memref<128xi32, #tpu.memory_space<hbm>>
      %dma_start3A_66 = tpu.memref_slice %arg3[%add3A_64] : memref<327680xi32, #tpu.memory_space<hbm>> -> memref<128xi32, #tpu.memory_space<hbm>>
      tpu.enqueue_dma source(%dma_start3A_66 : memref<128xi32, #tpu.memory_space<hbm>>) target(%arg11 : memref<128xi32, #tpu.memory_space<vmem>>) target_semaphore(%arg16 : memref<!tpu.dma_semaphore, #tpu.memory_space<semaphore_mem>>)
      %dma_start3A_67 = tpu.memref_slice %arg4[%add3A_64] : memref<327680xi32, #tpu.memory_space<hbm>> -> memref<128xi32, #tpu.memory_space<hbm>>
      %dma_start3A_68 = tpu.memref_slice %arg4[%add3A_64] : memref<327680xi32, #tpu.memory_space<hbm>> -> memref<128xi32, #tpu.memory_space<hbm>>
      tpu.enqueue_dma source(%dma_start3A_68 : memref<128xi32, #tpu.memory_space<hbm>>) target(%arg12 : memref<128xi32, #tpu.memory_space<vmem>>) target_semaphore(%arg16 : memref<!tpu.dma_semaphore, #tpu.memory_space<semaphore_mem>>)
      %dma_wait3A_69 = arith.constant 0 : i32
      %dma_wait3A_70 = arith.constant 0 : i32
      %dma_wait3A_71 = tpu.memref_slice %arg2[%dma_wait3A_69, %dma_wait3A_70] : memref<10000x128xf32, #tpu.memory_space<hbm>> -> memref<10000x128xf32, #tpu.memory_space<hbm>>
      tpu.wait_indirect_dma semaphore(%arg13 : memref<!tpu.dma_semaphore, #tpu.memory_space<semaphore_mem>>) src(%dma_wait3A_71 : memref<10000x128xf32, #tpu.memory_space<hbm>>) dst(%arg7 : memref<128x128xf32, #tpu.memory_space<vmem>>)
      %dma_wait3A_72 = tpu.memref_slice %arg3[%mul3A_20] : memref<327680xi32, #tpu.memory_space<hbm>> -> memref<128xi32, #tpu.memory_space<hbm>>
      %dma_wait3A_73 = tpu.memref_slice %arg3[%mul3A_20] : memref<327680xi32, #tpu.memory_space<hbm>> -> memref<128xi32, #tpu.memory_space<hbm>>
      tpu.wait_dma2 semaphore(%arg16 : memref<!tpu.dma_semaphore, #tpu.memory_space<semaphore_mem>>) src(%dma_wait3A_73 : memref<128xi32, #tpu.memory_space<hbm>>) dst(%arg11 : memref<128xi32, #tpu.memory_space<vmem>>)
      %dma_wait3A_74 = tpu.memref_slice %arg4[%mul3A_20] : memref<327680xi32, #tpu.memory_space<hbm>> -> memref<128xi32, #tpu.memory_space<hbm>>
      %dma_wait3A_75 = tpu.memref_slice %arg4[%mul3A_20] : memref<327680xi32, #tpu.memory_space<hbm>> -> memref<128xi32, #tpu.memory_space<hbm>>
      tpu.wait_dma2 semaphore(%arg16 : memref<!tpu.dma_semaphore, #tpu.memory_space<semaphore_mem>>) src(%dma_wait3A_75 : memref<128xi32, #tpu.memory_space<hbm>>) dst(%arg12 : memref<128xi32, #tpu.memory_space<vmem>>)
      %dma_start3A_76 = arith.constant 0 : i32
      %dma_start3A_77 = arith.constant 0 : i32
      %dma_start3A_78 = tpu.memref_slice %arg2[%dma_start3A_76, %dma_start3A_77] : memref<10000x128xf32, #tpu.memory_space<hbm>> -> memref<10000x128xf32, #tpu.memory_space<hbm>>
      tpu.enqueue_indirect_dma source(%dma_start3A_78 : memref<10000x128xf32, #tpu.memory_space<hbm>>) target(%arg8 : memref<128x128xf32, #tpu.memory_space<vmem>>) offsets(%arg11 : memref<128xi32, #tpu.memory_space<vmem>>) semaphore(%arg14 : memref<!tpu.dma_semaphore, #tpu.memory_space<semaphore_mem>>)
      "tpu.region"() ({
        %run_scoped3A = tpu.sem_alloc : memref<!tpu.dma_semaphore, #tpu.memory_space<semaphore_mem>>
        %dma_start3A_107 = arith.constant 0 : i32
        %dma_start3A_108 = arith.constant 0 : i32
        %dma_start3A_109 = tpu.memref_slice %arg6[%dma_start3A_107, %dma_start3A_108] : memref<10240x128xf32, #tpu.memory_space<vmem_shared>> -> memref<10240x128xf32, #tpu.memory_space<vmem_shared>>
        tpu.enqueue_indirect_dma source(%arg7 : memref<128x128xf32, #tpu.memory_space<vmem>>) target(%dma_start3A_109 : memref<10240x128xf32, #tpu.memory_space<vmem_shared>>) offsets(%arg10 : memref<128xi32, #tpu.memory_space<vmem>>) semaphore(%run_scoped3A : memref<!tpu.dma_semaphore, #tpu.memory_space<semaphore_mem>>) {add = true}
        %dma_wait3A_110 = arith.constant 0 : i32
        %dma_wait3A_111 = arith.constant 0 : i32
        %dma_wait3A_112 = tpu.memref_slice %arg6[%dma_wait3A_110, %dma_wait3A_111] : memref<10240x128xf32, #tpu.memory_space<vmem_shared>> -> memref<10240x128xf32, #tpu.memory_space<vmem_shared>>
        tpu.wait_indirect_dma semaphore(%run_scoped3A : memref<!tpu.dma_semaphore, #tpu.memory_space<semaphore_mem>>) src(%arg7 : memref<128x128xf32, #tpu.memory_space<vmem>>) dst(%dma_wait3A_112 : memref<10240x128xf32, #tpu.memory_space<vmem_shared>>)
        tpu.yield
      }) : () -> ()
      %add3A_79 = arith.constant 2 : i32
      %add3A_80 = arith.addi %mul3A_59, %add3A_79 : i32
      %jit3A = arith.constant 80 : i32
      %eq3A = arith.constant 0 : i32
      %eq3A_81 = arith.cmpi eq, %jit3A, %eq3A : i32
      %jit3A_82 = arith.constant 1 : i32
      %select_n3A = arith.select %eq3A_81, %jit3A_82, %jit3A : i32
      %rem3A = arith.remsi %add3A_80, %select_n3A : i32
      %ne3A = arith.constant 0 : i32
      %ne3A_83 = arith.cmpi ne, %rem3A, %ne3A : i32
      %lt3A = arith.constant 0 : i32
      %lt3A_84 = arith.cmpi slt, %rem3A, %lt3A : i32
      %lt3A_85 = arith.constant 0 : i32
      %lt3A_86 = arith.cmpi slt, %select_n3A, %lt3A_85 : i32
      %ne3A_87 = arith.xori %lt3A_84, %lt3A_86 : i1
      %and3A = arith.andi %ne3A_87, %ne3A_83 : i1
      %add3A_88 = arith.addi %rem3A, %select_n3A : i32
      %select_n3A_89 = arith.select %and3A, %add3A_88, %rem3A : i32
      %mul3A_90 = arith.constant 128 : i32
      %mul3A_91 = arith.muli %select_n3A_89, %mul3A_90 : i32
      %add3A_92 = arith.addi %mul3A_20, %mul3A_91 : i32
      %dma_start3A_93 = tpu.memref_slice %arg3[%add3A_92] : memref<327680xi32, #tpu.memory_space<hbm>> -> memref<128xi32, #tpu.memory_space<hbm>>
      %dma_start3A_94 = tpu.memref_slice %arg3[%add3A_92] : memref<327680xi32, #tpu.memory_space<hbm>> -> memref<128xi32, #tpu.memory_space<hbm>>
      tpu.enqueue_dma source(%dma_start3A_94 : memref<128xi32, #tpu.memory_space<hbm>>) target(%arg9 : memref<128xi32, #tpu.memory_space<vmem>>) target_semaphore(%arg15 : memref<!tpu.dma_semaphore, #tpu.memory_space<semaphore_mem>>)
      %dma_start3A_95 = tpu.memref_slice %arg4[%add3A_92] : memref<327680xi32, #tpu.memory_space<hbm>> -> memref<128xi32, #tpu.memory_space<hbm>>
      %dma_start3A_96 = tpu.memref_slice %arg4[%add3A_92] : memref<327680xi32, #tpu.memory_space<hbm>> -> memref<128xi32, #tpu.memory_space<hbm>>
      tpu.enqueue_dma source(%dma_start3A_96 : memref<128xi32, #tpu.memory_space<hbm>>) target(%arg10 : memref<128xi32, #tpu.memory_space<vmem>>) target_semaphore(%arg15 : memref<!tpu.dma_semaphore, #tpu.memory_space<semaphore_mem>>)
      %dma_wait3A_97 = arith.constant 0 : i32
      %dma_wait3A_98 = arith.constant 0 : i32
      %dma_wait3A_99 = tpu.memref_slice %arg2[%dma_wait3A_97, %dma_wait3A_98] : memref<10000x128xf32, #tpu.memory_space<hbm>> -> memref<10000x128xf32, #tpu.memory_space<hbm>>
      tpu.wait_indirect_dma semaphore(%arg14 : memref<!tpu.dma_semaphore, #tpu.memory_space<semaphore_mem>>) src(%dma_wait3A_99 : memref<10000x128xf32, #tpu.memory_space<hbm>>) dst(%arg8 : memref<128x128xf32, #tpu.memory_space<vmem>>)
      %dma_wait3A_100 = tpu.memref_slice %arg3[%mul3A_20] : memref<327680xi32, #tpu.memory_space<hbm>> -> memref<128xi32, #tpu.memory_space<hbm>>
      %dma_wait3A_101 = tpu.memref_slice %arg3[%mul3A_20] : memref<327680xi32, #tpu.memory_space<hbm>> -> memref<128xi32, #tpu.memory_space<hbm>>
      tpu.wait_dma2 semaphore(%arg15 : memref<!tpu.dma_semaphore, #tpu.memory_space<semaphore_mem>>) src(%dma_wait3A_101 : memref<128xi32, #tpu.memory_space<hbm>>) dst(%arg9 : memref<128xi32, #tpu.memory_space<vmem>>)
      %dma_wait3A_102 = tpu.memref_slice %arg4[%mul3A_20] : memref<327680xi32, #tpu.memory_space<hbm>> -> memref<128xi32, #tpu.memory_space<hbm>>
      %dma_wait3A_103 = tpu.memref_slice %arg4[%mul3A_20] : memref<327680xi32, #tpu.memory_space<hbm>> -> memref<128xi32, #tpu.memory_space<hbm>>
      tpu.wait_dma2 semaphore(%arg15 : memref<!tpu.dma_semaphore, #tpu.memory_space<semaphore_mem>>) src(%dma_wait3A_103 : memref<128xi32, #tpu.memory_space<hbm>>) dst(%arg10 : memref<128xi32, #tpu.memory_space<vmem>>)
      %dma_start3A_104 = arith.constant 0 : i32
      %dma_start3A_105 = arith.constant 0 : i32
      %dma_start3A_106 = tpu.memref_slice %arg2[%dma_start3A_104, %dma_start3A_105] : memref<10000x128xf32, #tpu.memory_space<hbm>> -> memref<10000x128xf32, #tpu.memory_space<hbm>>
      tpu.enqueue_indirect_dma source(%dma_start3A_106 : memref<10000x128xf32, #tpu.memory_space<hbm>>) target(%arg7 : memref<128x128xf32, #tpu.memory_space<vmem>>) offsets(%arg9 : memref<128xi32, #tpu.memory_space<vmem>>) semaphore(%arg13 : memref<!tpu.dma_semaphore, #tpu.memory_space<semaphore_mem>>)
      "tpu.region"() ({
        %run_scoped3A = tpu.sem_alloc : memref<!tpu.dma_semaphore, #tpu.memory_space<semaphore_mem>>
        %dma_start3A_107 = arith.constant 0 : i32
        %dma_start3A_108 = arith.constant 0 : i32
        %dma_start3A_109 = tpu.memref_slice %arg6[%dma_start3A_107, %dma_start3A_108] : memref<10240x128xf32, #tpu.memory_space<vmem_shared>> -> memref<10240x128xf32, #tpu.memory_space<vmem_shared>>
        tpu.enqueue_indirect_dma source(%arg8 : memref<128x128xf32, #tpu.memory_space<vmem>>) target(%dma_start3A_109 : memref<10240x128xf32, #tpu.memory_space<vmem_shared>>) offsets(%arg12 : memref<128xi32, #tpu.memory_space<vmem>>) semaphore(%run_scoped3A : memref<!tpu.dma_semaphore, #tpu.memory_space<semaphore_mem>>) {add = true}
        %dma_wait3A_110 = arith.constant 0 : i32
        %dma_wait3A_111 = arith.constant 0 : i32
        %dma_wait3A_112 = tpu.memref_slice %arg6[%dma_wait3A_110, %dma_wait3A_111] : memref<10240x128xf32, #tpu.memory_space<vmem_shared>> -> memref<10240x128xf32, #tpu.memory_space<vmem_shared>>
        tpu.wait_indirect_dma semaphore(%run_scoped3A : memref<!tpu.dma_semaphore, #tpu.memory_space<semaphore_mem>>) src(%arg8 : memref<128x128xf32, #tpu.memory_space<vmem>>) dst(%dma_wait3A_112 : memref<10240x128xf32, #tpu.memory_space<vmem_shared>>)
        tpu.yield
      }) : () -> ()
    }
    %scan3A_28 = arith.constant 40 : i32
    %dma_wait3A = arith.constant 0 : i32
    %dma_wait3A_29 = arith.constant 0 : i32
    %dma_wait3A_30 = tpu.memref_slice %arg2[%dma_wait3A, %dma_wait3A_29] : memref<10000x128xf32, #tpu.memory_space<hbm>> -> memref<10000x128xf32, #tpu.memory_space<hbm>>
    tpu.wait_indirect_dma semaphore(%arg13 : memref<!tpu.dma_semaphore, #tpu.memory_space<semaphore_mem>>) src(%dma_wait3A_30 : memref<10000x128xf32, #tpu.memory_space<hbm>>) dst(%arg7 : memref<128x128xf32, #tpu.memory_space<vmem>>)
    %barrier3A_31 = arith.constant 0 : index
    tpu.barrier barrier_id(%barrier3A_31)
    %add3A_32 = arith.constant 0 : i32
    %add3A_33 = arith.addi %mul3A_8, %add3A_32 : i32
    "tpu.region"() ({
      %run_scoped3A = tpu.sem_alloc : memref<!tpu.dma_semaphore, #tpu.memory_space<semaphore_mem>>
      %dma_start3A_57 = arith.constant 0 : i32
      %dma_start3A_58 = tpu.memref_slice %arg6[%add3A_33, %dma_start3A_57] : memref<10240x128xf32, #tpu.memory_space<vmem_shared>> -> memref<128x128xf32, #tpu.memory_space<vmem_shared>>
      %dma_start3A_59 = arith.constant 0 : i32
      %dma_start3A_60 = tpu.memref_slice %arg6[%add3A_33, %dma_start3A_59] : memref<10240x128xf32, #tpu.memory_space<vmem_shared>> -> memref<128x128xf32, #tpu.memory_space<vmem_shared>>
      tpu.enqueue_dma source(%dma_start3A_60 : memref<128x128xf32, #tpu.memory_space<vmem_shared>>) target(%arg7 : memref<128x128xf32, #tpu.memory_space<vmem>>) target_semaphore(%run_scoped3A : memref<!tpu.dma_semaphore, #tpu.memory_space<semaphore_mem>>)
      %dma_wait3A_61 = arith.constant 0 : i32
      %dma_wait3A_62 = tpu.memref_slice %arg6[%add3A_33, %dma_wait3A_61] : memref<10240x128xf32, #tpu.memory_space<vmem_shared>> -> memref<128x128xf32, #tpu.memory_space<vmem_shared>>
      %dma_wait3A_63 = arith.constant 0 : i32
      %dma_wait3A_64 = tpu.memref_slice %arg6[%add3A_33, %dma_wait3A_63] : memref<10240x128xf32, #tpu.memory_space<vmem_shared>> -> memref<128x128xf32, #tpu.memory_space<vmem_shared>>
      tpu.wait_dma2 semaphore(%run_scoped3A : memref<!tpu.dma_semaphore, #tpu.memory_space<semaphore_mem>>) src(%dma_wait3A_64 : memref<128x128xf32, #tpu.memory_space<vmem_shared>>) dst(%arg7 : memref<128x128xf32, #tpu.memory_space<vmem>>)
      tpu.yield
    }) : () -> ()
    %mul3A_34 = arith.constant 10240 : i32
    %mul3A_35 = arith.muli %arg0, %mul3A_34 : i32
    %add3A_36 = arith.addi %mul3A_35, %add3A_33 : i32
    "tpu.region"() ({
      %run_scoped3A = tpu.sem_alloc : memref<!tpu.dma_semaphore, #tpu.memory_space<semaphore_mem>>
      %dma_start3A_57 = arith.constant 0 : i32
      %dma_start3A_58 = tpu.memref_slice %arg5[%add3A_36, %dma_start3A_57] : memref<20480x128xf32, #tpu.memory_space<hbm>> -> memref<128x128xf32, #tpu.memory_space<hbm>>
      %dma_start3A_59 = arith.constant 0 : i32
      %dma_start3A_60 = tpu.memref_slice %arg5[%add3A_36, %dma_start3A_59] : memref<20480x128xf32, #tpu.memory_space<hbm>> -> memref<128x128xf32, #tpu.memory_space<hbm>>
      tpu.enqueue_dma source(%arg7 : memref<128x128xf32, #tpu.memory_space<vmem>>) target(%dma_start3A_60 : memref<128x128xf32, #tpu.memory_space<hbm>>) target_semaphore(%run_scoped3A : memref<!tpu.dma_semaphore, #tpu.memory_space<semaphore_mem>>)
      %dma_wait3A_61 = arith.constant 0 : i32
      %dma_wait3A_62 = tpu.memref_slice %arg5[%add3A_36, %dma_wait3A_61] : memref<20480x128xf32, #tpu.memory_space<hbm>> -> memref<128x128xf32, #tpu.memory_space<hbm>>
      %dma_wait3A_63 = arith.constant 0 : i32
      %dma_wait3A_64 = tpu.memref_slice %arg5[%add3A_36, %dma_wait3A_63] : memref<20480x128xf32, #tpu.memory_space<hbm>> -> memref<128x128xf32, #tpu.memory_space<hbm>>
      tpu.wait_dma2 semaphore(%run_scoped3A : memref<!tpu.dma_semaphore, #tpu.memory_space<semaphore_mem>>) src(%arg7 : memref<128x128xf32, #tpu.memory_space<vmem>>) dst(%dma_wait3A_64 : memref<128x128xf32, #tpu.memory_space<hbm>>)
      tpu.yield
    }) : () -> ()
    %add3A_37 = arith.constant 128 : i32
    %add3A_38 = arith.addi %mul3A_8, %add3A_37 : i32
    "tpu.region"() ({
      %run_scoped3A = tpu.sem_alloc : memref<!tpu.dma_semaphore, #tpu.memory_space<semaphore_mem>>
      %dma_start3A_57 = arith.constant 0 : i32
      %dma_start3A_58 = tpu.memref_slice %arg6[%add3A_38, %dma_start3A_57] : memref<10240x128xf32, #tpu.memory_space<vmem_shared>> -> memref<128x128xf32, #tpu.memory_space<vmem_shared>>
      %dma_start3A_59 = arith.constant 0 : i32
      %dma_start3A_60 = tpu.memref_slice %arg6[%add3A_38, %dma_start3A_59] : memref<10240x128xf32, #tpu.memory_space<vmem_shared>> -> memref<128x128xf32, #tpu.memory_space<vmem_shared>>
      tpu.enqueue_dma source(%dma_start3A_60 : memref<128x128xf32, #tpu.memory_space<vmem_shared>>) target(%arg7 : memref<128x128xf32, #tpu.memory_space<vmem>>) target_semaphore(%run_scoped3A : memref<!tpu.dma_semaphore, #tpu.memory_space<semaphore_mem>>)
      %dma_wait3A_61 = arith.constant 0 : i32
      %dma_wait3A_62 = tpu.memref_slice %arg6[%add3A_38, %dma_wait3A_61] : memref<10240x128xf32, #tpu.memory_space<vmem_shared>> -> memref<128x128xf32, #tpu.memory_space<vmem_shared>>
      %dma_wait3A_63 = arith.constant 0 : i32
      %dma_wait3A_64 = tpu.memref_slice %arg6[%add3A_38, %dma_wait3A_63] : memref<10240x128xf32, #tpu.memory_space<vmem_shared>> -> memref<128x128xf32, #tpu.memory_space<vmem_shared>>
      tpu.wait_dma2 semaphore(%run_scoped3A : memref<!tpu.dma_semaphore, #tpu.memory_space<semaphore_mem>>) src(%dma_wait3A_64 : memref<128x128xf32, #tpu.memory_space<vmem_shared>>) dst(%arg7 : memref<128x128xf32, #tpu.memory_space<vmem>>)
      tpu.yield
    }) : () -> ()
    %mul3A_39 = arith.constant 10240 : i32
    %mul3A_40 = arith.muli %arg0, %mul3A_39 : i32
    %add3A_41 = arith.addi %mul3A_40, %add3A_38 : i32
    "tpu.region"() ({
      %run_scoped3A = tpu.sem_alloc : memref<!tpu.dma_semaphore, #tpu.memory_space<semaphore_mem>>
      %dma_start3A_57 = arith.constant 0 : i32
      %dma_start3A_58 = tpu.memref_slice %arg5[%add3A_41, %dma_start3A_57] : memref<20480x128xf32, #tpu.memory_space<hbm>> -> memref<128x128xf32, #tpu.memory_space<hbm>>
      %dma_start3A_59 = arith.constant 0 : i32
      %dma_start3A_60 = tpu.memref_slice %arg5[%add3A_41, %dma_start3A_59] : memref<20480x128xf32, #tpu.memory_space<hbm>> -> memref<128x128xf32, #tpu.memory_space<hbm>>
      tpu.enqueue_dma source(%arg7 : memref<128x128xf32, #tpu.memory_space<vmem>>) target(%dma_start3A_60 : memref<128x128xf32, #tpu.memory_space<hbm>>) target_semaphore(%run_scoped3A : memref<!tpu.dma_semaphore, #tpu.memory_space<semaphore_mem>>)
      %dma_wait3A_61 = arith.constant 0 : i32
      %dma_wait3A_62 = tpu.memref_slice %arg5[%add3A_41, %dma_wait3A_61] : memref<20480x128xf32, #tpu.memory_space<hbm>> -> memref<128x128xf32, #tpu.memory_space<hbm>>
      %dma_wait3A_63 = arith.constant 0 : i32
      %dma_wait3A_64 = tpu.memref_slice %arg5[%add3A_41, %dma_wait3A_63] : memref<20480x128xf32, #tpu.memory_space<hbm>> -> memref<128x128xf32, #tpu.memory_space<hbm>>
      tpu.wait_dma2 semaphore(%run_scoped3A : memref<!tpu.dma_semaphore, #tpu.memory_space<semaphore_mem>>) src(%arg7 : memref<128x128xf32, #tpu.memory_space<vmem>>) dst(%dma_wait3A_64 : memref<128x128xf32, #tpu.memory_space<hbm>>)
      tpu.yield
    }) : () -> ()
    %add3A_42 = arith.constant 256 : i32
    %add3A_43 = arith.addi %mul3A_8, %add3A_42 : i32
    "tpu.region"() ({
      %run_scoped3A = tpu.sem_alloc : memref<!tpu.dma_semaphore, #tpu.memory_space<semaphore_mem>>
      %dma_start3A_57 = arith.constant 0 : i32
      %dma_start3A_58 = tpu.memref_slice %arg6[%add3A_43, %dma_start3A_57] : memref<10240x128xf32, #tpu.memory_space<vmem_shared>> -> memref<128x128xf32, #tpu.memory_space<vmem_shared>>
      %dma_start3A_59 = arith.constant 0 : i32
      %dma_start3A_60 = tpu.memref_slice %arg6[%add3A_43, %dma_start3A_59] : memref<10240x128xf32, #tpu.memory_space<vmem_shared>> -> memref<128x128xf32, #tpu.memory_space<vmem_shared>>
      tpu.enqueue_dma source(%dma_start3A_60 : memref<128x128xf32, #tpu.memory_space<vmem_shared>>) target(%arg7 : memref<128x128xf32, #tpu.memory_space<vmem>>) target_semaphore(%run_scoped3A : memref<!tpu.dma_semaphore, #tpu.memory_space<semaphore_mem>>)
      %dma_wait3A_61 = arith.constant 0 : i32
      %dma_wait3A_62 = tpu.memref_slice %arg6[%add3A_43, %dma_wait3A_61] : memref<10240x128xf32, #tpu.memory_space<vmem_shared>> -> memref<128x128xf32, #tpu.memory_space<vmem_shared>>
      %dma_wait3A_63 = arith.constant 0 : i32
      %dma_wait3A_64 = tpu.memref_slice %arg6[%add3A_43, %dma_wait3A_63] : memref<10240x128xf32, #tpu.memory_space<vmem_shared>> -> memref<128x128xf32, #tpu.memory_space<vmem_shared>>
      tpu.wait_dma2 semaphore(%run_scoped3A : memref<!tpu.dma_semaphore, #tpu.memory_space<semaphore_mem>>) src(%dma_wait3A_64 : memref<128x128xf32, #tpu.memory_space<vmem_shared>>) dst(%arg7 : memref<128x128xf32, #tpu.memory_space<vmem>>)
      tpu.yield
    }) : () -> ()
    %mul3A_44 = arith.constant 10240 : i32
    %mul3A_45 = arith.muli %arg0, %mul3A_44 : i32
    %add3A_46 = arith.addi %mul3A_45, %add3A_43 : i32
    "tpu.region"() ({
      %run_scoped3A = tpu.sem_alloc : memref<!tpu.dma_semaphore, #tpu.memory_space<semaphore_mem>>
      %dma_start3A_57 = arith.constant 0 : i32
      %dma_start3A_58 = tpu.memref_slice %arg5[%add3A_46, %dma_start3A_57] : memref<20480x128xf32, #tpu.memory_space<hbm>> -> memref<128x128xf32, #tpu.memory_space<hbm>>
      %dma_start3A_59 = arith.constant 0 : i32
      %dma_start3A_60 = tpu.memref_slice %arg5[%add3A_46, %dma_start3A_59] : memref<20480x128xf32, #tpu.memory_space<hbm>> -> memref<128x128xf32, #tpu.memory_space<hbm>>
      tpu.enqueue_dma source(%arg7 : memref<128x128xf32, #tpu.memory_space<vmem>>) target(%dma_start3A_60 : memref<128x128xf32, #tpu.memory_space<hbm>>) target_semaphore(%run_scoped3A : memref<!tpu.dma_semaphore, #tpu.memory_space<semaphore_mem>>)
      %dma_wait3A_61 = arith.constant 0 : i32
      %dma_wait3A_62 = tpu.memref_slice %arg5[%add3A_46, %dma_wait3A_61] : memref<20480x128xf32, #tpu.memory_space<hbm>> -> memref<128x128xf32, #tpu.memory_space<hbm>>
      %dma_wait3A_63 = arith.constant 0 : i32
      %dma_wait3A_64 = tpu.memref_slice %arg5[%add3A_46, %dma_wait3A_63] : memref<20480x128xf32, #tpu.memory_space<hbm>> -> memref<128x128xf32, #tpu.memory_space<hbm>>
      tpu.wait_dma2 semaphore(%run_scoped3A : memref<!tpu.dma_semaphore, #tpu.memory_space<semaphore_mem>>) src(%arg7 : memref<128x128xf32, #tpu.memory_space<vmem>>) dst(%dma_wait3A_64 : memref<128x128xf32, #tpu.memory_space<hbm>>)
      tpu.yield
    }) : () -> ()
    %add3A_47 = arith.constant 384 : i32
    %add3A_48 = arith.addi %mul3A_8, %add3A_47 : i32
    "tpu.region"() ({
      %run_scoped3A = tpu.sem_alloc : memref<!tpu.dma_semaphore, #tpu.memory_space<semaphore_mem>>
      %dma_start3A_57 = arith.constant 0 : i32
      %dma_start3A_58 = tpu.memref_slice %arg6[%add3A_48, %dma_start3A_57] : memref<10240x128xf32, #tpu.memory_space<vmem_shared>> -> memref<128x128xf32, #tpu.memory_space<vmem_shared>>
      %dma_start3A_59 = arith.constant 0 : i32
      %dma_start3A_60 = tpu.memref_slice %arg6[%add3A_48, %dma_start3A_59] : memref<10240x128xf32, #tpu.memory_space<vmem_shared>> -> memref<128x128xf32, #tpu.memory_space<vmem_shared>>
      tpu.enqueue_dma source(%dma_start3A_60 : memref<128x128xf32, #tpu.memory_space<vmem_shared>>) target(%arg7 : memref<128x128xf32, #tpu.memory_space<vmem>>) target_semaphore(%run_scoped3A : memref<!tpu.dma_semaphore, #tpu.memory_space<semaphore_mem>>)
      %dma_wait3A_61 = arith.constant 0 : i32
      %dma_wait3A_62 = tpu.memref_slice %arg6[%add3A_48, %dma_wait3A_61] : memref<10240x128xf32, #tpu.memory_space<vmem_shared>> -> memref<128x128xf32, #tpu.memory_space<vmem_shared>>
      %dma_wait3A_63 = arith.constant 0 : i32
      %dma_wait3A_64 = tpu.memref_slice %arg6[%add3A_48, %dma_wait3A_63] : memref<10240x128xf32, #tpu.memory_space<vmem_shared>> -> memref<128x128xf32, #tpu.memory_space<vmem_shared>>
      tpu.wait_dma2 semaphore(%run_scoped3A : memref<!tpu.dma_semaphore, #tpu.memory_space<semaphore_mem>>) src(%dma_wait3A_64 : memref<128x128xf32, #tpu.memory_space<vmem_shared>>) dst(%arg7 : memref<128x128xf32, #tpu.memory_space<vmem>>)
      tpu.yield
    }) : () -> ()
    %mul3A_49 = arith.constant 10240 : i32
    %mul3A_50 = arith.muli %arg0, %mul3A_49 : i32
    %add3A_51 = arith.addi %mul3A_50, %add3A_48 : i32
    "tpu.region"() ({
      %run_scoped3A = tpu.sem_alloc : memref<!tpu.dma_semaphore, #tpu.memory_space<semaphore_mem>>
      %dma_start3A_57 = arith.constant 0 : i32
      %dma_start3A_58 = tpu.memref_slice %arg5[%add3A_51, %dma_start3A_57] : memref<20480x128xf32, #tpu.memory_space<hbm>> -> memref<128x128xf32, #tpu.memory_space<hbm>>
      %dma_start3A_59 = arith.constant 0 : i32
      %dma_start3A_60 = tpu.memref_slice %arg5[%add3A_51, %dma_start3A_59] : memref<20480x128xf32, #tpu.memory_space<hbm>> -> memref<128x128xf32, #tpu.memory_space<hbm>>
      tpu.enqueue_dma source(%arg7 : memref<128x128xf32, #tpu.memory_space<vmem>>) target(%dma_start3A_60 : memref<128x128xf32, #tpu.memory_space<hbm>>) target_semaphore(%run_scoped3A : memref<!tpu.dma_semaphore, #tpu.memory_space<semaphore_mem>>)
      %dma_wait3A_61 = arith.constant 0 : i32
      %dma_wait3A_62 = tpu.memref_slice %arg5[%add3A_51, %dma_wait3A_61] : memref<20480x128xf32, #tpu.memory_space<hbm>> -> memref<128x128xf32, #tpu.memory_space<hbm>>
      %dma_wait3A_63 = arith.constant 0 : i32
      %dma_wait3A_64 = tpu.memref_slice %arg5[%add3A_51, %dma_wait3A_63] : memref<20480x128xf32, #tpu.memory_space<hbm>> -> memref<128x128xf32, #tpu.memory_space<hbm>>
      tpu.wait_dma2 semaphore(%run_scoped3A : memref<!tpu.dma_semaphore, #tpu.memory_space<semaphore_mem>>) src(%arg7 : memref<128x128xf32, #tpu.memory_space<vmem>>) dst(%dma_wait3A_64 : memref<128x128xf32, #tpu.memory_space<hbm>>)
      tpu.yield
    }) : () -> ()
    %add3A_52 = arith.constant 512 : i32
    %add3A_53 = arith.addi %mul3A_8, %add3A_52 : i32
    "tpu.region"() ({
      %run_scoped3A = tpu.sem_alloc : memref<!tpu.dma_semaphore, #tpu.memory_space<semaphore_mem>>
      %dma_start3A_57 = arith.constant 0 : i32
      %dma_start3A_58 = tpu.memref_slice %arg6[%add3A_53, %dma_start3A_57] : memref<10240x128xf32, #tpu.memory_space<vmem_shared>> -> memref<128x128xf32, #tpu.memory_space<vmem_shared>>
      %dma_start3A_59 = arith.constant 0 : i32
      %dma_start3A_60 = tpu.memref_slice %arg6[%add3A_53, %dma_start3A_59] : memref<10240x128xf32, #tpu.memory_space<vmem_shared>> -> memref<128x128xf32, #tpu.memory_space<vmem_shared>>
      tpu.enqueue_dma source(%dma_start3A_60 : memref<128x128xf32, #tpu.memory_space<vmem_shared>>) target(%arg7 : memref<128x128xf32, #tpu.memory_space<vmem>>) target_semaphore(%run_scoped3A : memref<!tpu.dma_semaphore, #tpu.memory_space<semaphore_mem>>)
      %dma_wait3A_61 = arith.constant 0 : i32
      %dma_wait3A_62 = tpu.memref_slice %arg6[%add3A_53, %dma_wait3A_61] : memref<10240x128xf32, #tpu.memory_space<vmem_shared>> -> memref<128x128xf32, #tpu.memory_space<vmem_shared>>
      %dma_wait3A_63 = arith.constant 0 : i32
      %dma_wait3A_64 = tpu.memref_slice %arg6[%add3A_53, %dma_wait3A_63] : memref<10240x128xf32, #tpu.memory_space<vmem_shared>> -> memref<128x128xf32, #tpu.memory_space<vmem_shared>>
      tpu.wait_dma2 semaphore(%run_scoped3A : memref<!tpu.dma_semaphore, #tpu.memory_space<semaphore_mem>>) src(%dma_wait3A_64 : memref<128x128xf32, #tpu.memory_space<vmem_shared>>) dst(%arg7 : memref<128x128xf32, #tpu.memory_space<vmem>>)
      tpu.yield
    }) : () -> ()
    %mul3A_54 = arith.constant 10240 : i32
    %mul3A_55 = arith.muli %arg0, %mul3A_54 : i32
    %add3A_56 = arith.addi %mul3A_55, %add3A_53 : i32
    "tpu.region"() ({
      %run_scoped3A = tpu.sem_alloc : memref<!tpu.dma_semaphore, #tpu.memory_space<semaphore_mem>>
      %dma_start3A_57 = arith.constant 0 : i32
      %dma_start3A_58 = tpu.memref_slice %arg5[%add3A_56, %dma_start3A_57] : memref<20480x128xf32, #tpu.memory_space<hbm>> -> memref<128x128xf32, #tpu.memory_space<hbm>>
      %dma_start3A_59 = arith.constant 0 : i32
      %dma_start3A_60 = tpu.memref_slice %arg5[%add3A_56, %dma_start3A_59] : memref<20480x128xf32, #tpu.memory_space<hbm>> -> memref<128x128xf32, #tpu.memory_space<hbm>>
      tpu.enqueue_dma source(%arg7 : memref<128x128xf32, #tpu.memory_space<vmem>>) target(%dma_start3A_60 : memref<128x128xf32, #tpu.memory_space<hbm>>) target_semaphore(%run_scoped3A : memref<!tpu.dma_semaphore, #tpu.memory_space<semaphore_mem>>)
      %dma_wait3A_61 = arith.constant 0 : i32
      %dma_wait3A_62 = tpu.memref_slice %arg5[%add3A_56, %dma_wait3A_61] : memref<20480x128xf32, #tpu.memory_space<hbm>> -> memref<128x128xf32, #tpu.memory_space<hbm>>
      %dma_wait3A_63 = arith.constant 0 : i32
      %dma_wait3A_64 = tpu.memref_slice %arg5[%add3A_56, %dma_wait3A_63] : memref<20480x128xf32, #tpu.memory_space<hbm>> -> memref<128x128xf32, #tpu.memory_space<hbm>>
      tpu.wait_dma2 semaphore(%run_scoped3A : memref<!tpu.dma_semaphore, #tpu.memory_space<semaphore_mem>>) src(%arg7 : memref<128x128xf32, #tpu.memory_space<vmem>>) dst(%dma_wait3A_64 : memref<128x128xf32, #tpu.memory_space<hbm>>)
      tpu.yield
    }) : () -> ()
    return
  }
}

#map = affine_map<(d0, d1) -> (0, 0)>
#map1 = affine_map<(d0, d1) -> (0)>
module attributes {stable_mosaic.version = 14 : i64} {
  func.func @_mp_kernel(%arg0: i32, %arg1: i32, %arg2: memref<10000x128xf32, #tpu.memory_space<hbm>>, %arg3: memref<327680xi32, #tpu.memory_space<hbm>>, %arg4: memref<327680xi32, #tpu.memory_space<hbm>>, %arg5: memref<20480x128xf32, #tpu.memory_space<hbm>>, %arg6: memref<10240x128xf32, #tpu.memory_space<vmem_shared>>, %arg7: memref<128x128xf32, #tpu.memory_space<vmem>>, %arg8: memref<128x128xf32, #tpu.memory_space<vmem>>, %arg9: memref<128xi32, #tpu.memory_space<vmem>>, %arg10: memref<128xi32, #tpu.memory_space<vmem>>, %arg11: memref<128xi32, #tpu.memory_space<vmem>>, %arg12: memref<128xi32, #tpu.memory_space<vmem>>, %arg13: memref<!tpu.dma_semaphore, #tpu.memory_space<semaphore_mem>>, %arg14: memref<!tpu.dma_semaphore, #tpu.memory_space<semaphore_mem>>, %arg15: memref<!tpu.dma_semaphore, #tpu.memory_space<semaphore_mem>>, %arg16: memref<!tpu.dma_semaphore, #tpu.memory_space<semaphore_mem>>) attributes {dimension_semantics = [#tpu.dimension_semantics<core_parallel>, #tpu.dimension_semantics<subcore_parallel>], iteration_bounds = array<i64: 2, 16>, scalar_prefetch = 0 : i64, scratch_operands = 11 : i64, tpu.core_type = #tpu.core_type<sc_vector_subcore>, window_params = [{transform_indices = #map}, {transform_indices = #map1}, {transform_indices = #map1}, {transform_indices = #map}]} {
    %mul3A = arith.constant 16 : i32
    %mul3A_0 = arith.muli %arg0, %mul3A : i32
    %add3A = arith.addi %mul3A_0, %arg1 : i32
    %broadcast_in_dim3A = arith.constant 0.000000e+00 : f32
    %broadcast_in_dim3A_1 = vector.broadcast %broadcast_in_dim3A : f32 to vector<16xf32>
    %scan3A = arith.constant 0 : i32
    %scan3A_2 = arith.constant 0 : i32
    %scan3A_3 = arith.constant 128 : i32
    %scan3A_4 = arith.addi %scan3A_2, %scan3A_3 : i32
    %scan3A_5 = arith.constant 1 : i32
    scf.for %scan3A_57 = %scan3A_2 to %scan3A_4 step %scan3A_5  : i32 {
      %swap3A = arith.index_cast %scan3A_57 : i32 to index
      %swap3A_58 = arith.constant 0 : index
      %swap3A_59 = tpu.vector_load %arg7[%swap3A, %swap3A_58] {strides = array<i32>} : memref<128x128xf32, #tpu.memory_space<vmem>>, vector<1x16xf32>,
      %swap3A_60 = vector.shape_cast %swap3A_59 : vector<1x16xf32> to vector<16xf32>
      %swap3A_61 = vector.shape_cast %broadcast_in_dim3A_1 : vector<16xf32> to vector<1x16xf32>
      tpu.vector_store %arg7[%swap3A, %swap3A_58], %swap3A_61 {strides = array<i32>} : memref<128x128xf32, #tpu.memory_space<vmem>>, vector<1x16xf32>,
      %swap3A_62 = arith.index_cast %scan3A_57 : i32 to index
      %swap3A_63 = arith.constant 16 : index
      %swap3A_64 = tpu.vector_load %arg7[%swap3A_62, %swap3A_63] {strides = array<i32>} : memref<128x128xf32, #tpu.memory_space<vmem>>, vector<1x16xf32>,
      %swap3A_65 = vector.shape_cast %swap3A_64 : vector<1x16xf32> to vector<16xf32>
      %swap3A_66 = vector.shape_cast %broadcast_in_dim3A_1 : vector<16xf32> to vector<1x16xf32>
      tpu.vector_store %arg7[%swap3A_62, %swap3A_63], %swap3A_66 {strides = array<i32>} : memref<128x128xf32, #tpu.memory_space<vmem>>, vector<1x16xf32>,
      %swap3A_67 = arith.index_cast %scan3A_57 : i32 to index
      %swap3A_68 = arith.constant 32 : index
      %swap3A_69 = tpu.vector_load %arg7[%swap3A_67, %swap3A_68] {strides = array<i32>} : memref<128x128xf32, #tpu.memory_space<vmem>>, vector<1x16xf32>,
      %swap3A_70 = vector.shape_cast %swap3A_69 : vector<1x16xf32> to vector<16xf32>
      %swap3A_71 = vector.shape_cast %broadcast_in_dim3A_1 : vector<16xf32> to vector<1x16xf32>
      tpu.vector_store %arg7[%swap3A_67, %swap3A_68], %swap3A_71 {strides = array<i32>} : memref<128x128xf32, #tpu.memory_space<vmem>>, vector<1x16xf32>,
      %swap3A_72 = arith.index_cast %scan3A_57 : i32 to index
      %swap3A_73 = arith.constant 48 : index
      %swap3A_74 = tpu.vector_load %arg7[%swap3A_72, %swap3A_73] {strides = array<i32>} : memref<128x128xf32, #tpu.memory_space<vmem>>, vector<1x16xf32>,
      %swap3A_75 = vector.shape_cast %swap3A_74 : vector<1x16xf32> to vector<16xf32>
      %swap3A_76 = vector.shape_cast %broadcast_in_dim3A_1 : vector<16xf32> to vector<1x16xf32>
      tpu.vector_store %arg7[%swap3A_72, %swap3A_73], %swap3A_76 {strides = array<i32>} : memref<128x128xf32, #tpu.memory_space<vmem>>, vector<1x16xf32>,
      %swap3A_77 = arith.index_cast %scan3A_57 : i32 to index
      %swap3A_78 = arith.constant 64 : index
      %swap3A_79 = tpu.vector_load %arg7[%swap3A_77, %swap3A_78] {strides = array<i32>} : memref<128x128xf32, #tpu.memory_space<vmem>>, vector<1x16xf32>,
      %swap3A_80 = vector.shape_cast %swap3A_79 : vector<1x16xf32> to vector<16xf32>
      %swap3A_81 = vector.shape_cast %broadcast_in_dim3A_1 : vector<16xf32> to vector<1x16xf32>
      tpu.vector_store %arg7[%swap3A_77, %swap3A_78], %swap3A_81 {strides = array<i32>} : memref<128x128xf32, #tpu.memory_space<vmem>>, vector<1x16xf32>,
      %swap3A_82 = arith.index_cast %scan3A_57 : i32 to index
      %swap3A_83 = arith.constant 80 : index
      %swap3A_84 = tpu.vector_load %arg7[%swap3A_82, %swap3A_83] {strides = array<i32>} : memref<128x128xf32, #tpu.memory_space<vmem>>, vector<1x16xf32>,
      %swap3A_85 = vector.shape_cast %swap3A_84 : vector<1x16xf32> to vector<16xf32>
      %swap3A_86 = vector.shape_cast %broadcast_in_dim3A_1 : vector<16xf32> to vector<1x16xf32>
      tpu.vector_store %arg7[%swap3A_82, %swap3A_83], %swap3A_86 {strides = array<i32>} : memref<128x128xf32, #tpu.memory_space<vmem>>, vector<1x16xf32>,
      %swap3A_87 = arith.index_cast %scan3A_57 : i32 to index
      %swap3A_88 = arith.constant 96 : index
      %swap3A_89 = tpu.vector_load %arg7[%swap3A_87, %swap3A_88] {strides = array<i32>} : memref<128x128xf32, #tpu.memory_space<vmem>>, vector<1x16xf32>,
      %swap3A_90 = vector.shape_cast %swap3A_89 : vector<1x16xf32> to vector<16xf32>
      %swap3A_91 = vector.shape_cast %broadcast_in_dim3A_1 : vector<16xf32> to vector<1x16xf32>
      tpu.vector_store %arg7[%swap3A_87, %swap3A_88], %swap3A_91 {strides = array<i32>} : memref<128x128xf32, #tpu.memory_space<vmem>>, vector<1x16xf32>,
      %swap3A_92 = arith.index_cast %scan3A_57 : i32 to index
      %swap3A_93 = arith.constant 112 : index
      %swap3A_94 = tpu.vector_load %arg7[%swap3A_92, %swap3A_93] {strides = array<i32>} : memref<128x128xf32, #tpu.memory_space<vmem>>, vector<1x16xf32>,
      %swap3A_95 = vector.shape_cast %swap3A_94 : vector<1x16xf32> to vector<16xf32>
      %swap3A_96 = vector.shape_cast %broadcast_in_dim3A_1 : vector<16xf32> to vector<1x16xf32>
      tpu.vector_store %arg7[%swap3A_92, %swap3A_93], %swap3A_96 {strides = array<i32>} : memref<128x128xf32, #tpu.memory_space<vmem>>, vector<1x16xf32>,
    }
    %scan3A_6 = arith.constant 128 : i32
    %mul3A_7 = arith.constant 640 : i32
    %mul3A_8 = arith.muli %arg1, %mul3A_7 : i32
    %add3A_9 = arith.constant 0 : i32
    %add3A_10 = arith.addi %mul3A_8, %add3A_9 : i32
    "tpu.region"() ({
      %run_scoped3A = tpu.sem_alloc : memref<!tpu.dma_semaphore, #tpu.memory_space<semaphore_mem>>
      %dma_start3A_57 = arith.constant 0 : i32
      %dma_start3A_58 = tpu.memref_slice %arg6[%add3A_10, %dma_start3A_57] : memref<10240x128xf32, #tpu.memory_space<vmem_shared>> -> memref<128x128xf32, #tpu.memory_space<vmem_shared>>
      %dma_start3A_59 = arith.constant 0 : i32
      %dma_start3A_60 = tpu.memref_slice %arg6[%add3A_10, %dma_start3A_59] : memref<10240x128xf32, #tpu.memory_space<vmem_shared>> -> memref<128x128xf32, #tpu.memory_space<vmem_shared>>
      tpu.enqueue_dma source(%arg7 : memref<128x128xf32, #tpu.memory_space<vmem>>) target(%dma_start3A_60 : memref<128x128xf32, #tpu.memory_space<vmem_shared>>) target_semaphore(%run_scoped3A : memref<!tpu.dma_semaphore, #tpu.memory_space<semaphore_mem>>)
      %dma_wait3A_61 = arith.constant 0 : i32
      %dma_wait3A_62 = tpu.memref_slice %arg6[%add3A_10, %dma_wait3A_61] : memref<10240x128xf32, #tpu.memory_space<vmem_shared>> -> memref<128x128xf32, #tpu.memory_space<vmem_shared>>
      %dma_wait3A_63 = arith.constant 0 : i32
      %dma_wait3A_64 = tpu.memref_slice %arg6[%add3A_10, %dma_wait3A_63] : memref<10240x128xf32, #tpu.memory_space<vmem_shared>> -> memref<128x128xf32, #tpu.memory_space<vmem_shared>>
      tpu.wait_dma2 semaphore(%run_scoped3A : memref<!tpu.dma_semaphore, #tpu.memory_space<semaphore_mem>>) src(%arg7 : memref<128x128xf32, #tpu.memory_space<vmem>>) dst(%dma_wait3A_64 : memref<128x128xf32, #tpu.memory_space<vmem_shared>>)
      tpu.yield
    }) : () -> ()
    %add3A_11 = arith.constant 128 : i32
    %add3A_12 = arith.addi %mul3A_8, %add3A_11 : i32
    "tpu.region"() ({
      %run_scoped3A = tpu.sem_alloc : memref<!tpu.dma_semaphore, #tpu.memory_space<semaphore_mem>>
      %dma_start3A_57 = arith.constant 0 : i32
      %dma_start3A_58 = tpu.memref_slice %arg6[%add3A_12, %dma_start3A_57] : memref<10240x128xf32, #tpu.memory_space<vmem_shared>> -> memref<128x128xf32, #tpu.memory_space<vmem_shared>>
      %dma_start3A_59 = arith.constant 0 : i32
      %dma_start3A_60 = tpu.memref_slice %arg6[%add3A_12, %dma_start3A_59] : memref<10240x128xf32, #tpu.memory_space<vmem_shared>> -> memref<128x128xf32, #tpu.memory_space<vmem_shared>>
      tpu.enqueue_dma source(%arg7 : memref<128x128xf32, #tpu.memory_space<vmem>>) target(%dma_start3A_60 : memref<128x128xf32, #tpu.memory_space<vmem_shared>>) target_semaphore(%run_scoped3A : memref<!tpu.dma_semaphore, #tpu.memory_space<semaphore_mem>>)
      %dma_wait3A_61 = arith.constant 0 : i32
      %dma_wait3A_62 = tpu.memref_slice %arg6[%add3A_12, %dma_wait3A_61] : memref<10240x128xf32, #tpu.memory_space<vmem_shared>> -> memref<128x128xf32, #tpu.memory_space<vmem_shared>>
      %dma_wait3A_63 = arith.constant 0 : i32
      %dma_wait3A_64 = tpu.memref_slice %arg6[%add3A_12, %dma_wait3A_63] : memref<10240x128xf32, #tpu.memory_space<vmem_shared>> -> memref<128x128xf32, #tpu.memory_space<vmem_shared>>
      tpu.wait_dma2 semaphore(%run_scoped3A : memref<!tpu.dma_semaphore, #tpu.memory_space<semaphore_mem>>) src(%arg7 : memref<128x128xf32, #tpu.memory_space<vmem>>) dst(%dma_wait3A_64 : memref<128x128xf32, #tpu.memory_space<vmem_shared>>)
      tpu.yield
    }) : () -> ()
    %add3A_13 = arith.constant 256 : i32
    %add3A_14 = arith.addi %mul3A_8, %add3A_13 : i32
    "tpu.region"() ({
      %run_scoped3A = tpu.sem_alloc : memref<!tpu.dma_semaphore, #tpu.memory_space<semaphore_mem>>
      %dma_start3A_57 = arith.constant 0 : i32
      %dma_start3A_58 = tpu.memref_slice %arg6[%add3A_14, %dma_start3A_57] : memref<10240x128xf32, #tpu.memory_space<vmem_shared>> -> memref<128x128xf32, #tpu.memory_space<vmem_shared>>
      %dma_start3A_59 = arith.constant 0 : i32
      %dma_start3A_60 = tpu.memref_slice %arg6[%add3A_14, %dma_start3A_59] : memref<10240x128xf32, #tpu.memory_space<vmem_shared>> -> memref<128x128xf32, #tpu.memory_space<vmem_shared>>
      tpu.enqueue_dma source(%arg7 : memref<128x128xf32, #tpu.memory_space<vmem>>) target(%dma_start3A_60 : memref<128x128xf32, #tpu.memory_space<vmem_shared>>) target_semaphore(%run_scoped3A : memref<!tpu.dma_semaphore, #tpu.memory_space<semaphore_mem>>)
      %dma_wait3A_61 = arith.constant 0 : i32
      %dma_wait3A_62 = tpu.memref_slice %arg6[%add3A_14, %dma_wait3A_61] : memref<10240x128xf32, #tpu.memory_space<vmem_shared>> -> memref<128x128xf32, #tpu.memory_space<vmem_shared>>
      %dma_wait3A_63 = arith.constant 0 : i32
      %dma_wait3A_64 = tpu.memref_slice %arg6[%add3A_14, %dma_wait3A_63] : memref<10240x128xf32, #tpu.memory_space<vmem_shared>> -> memref<128x128xf32, #tpu.memory_space<vmem_shared>>
      tpu.wait_dma2 semaphore(%run_scoped3A : memref<!tpu.dma_semaphore, #tpu.memory_space<semaphore_mem>>) src(%arg7 : memref<128x128xf32, #tpu.memory_space<vmem>>) dst(%dma_wait3A_64 : memref<128x128xf32, #tpu.memory_space<vmem_shared>>)
      tpu.yield
    }) : () -> ()
    %add3A_15 = arith.constant 384 : i32
    %add3A_16 = arith.addi %mul3A_8, %add3A_15 : i32
    "tpu.region"() ({
      %run_scoped3A = tpu.sem_alloc : memref<!tpu.dma_semaphore, #tpu.memory_space<semaphore_mem>>
      %dma_start3A_57 = arith.constant 0 : i32
      %dma_start3A_58 = tpu.memref_slice %arg6[%add3A_16, %dma_start3A_57] : memref<10240x128xf32, #tpu.memory_space<vmem_shared>> -> memref<128x128xf32, #tpu.memory_space<vmem_shared>>
      %dma_start3A_59 = arith.constant 0 : i32
      %dma_start3A_60 = tpu.memref_slice %arg6[%add3A_16, %dma_start3A_59] : memref<10240x128xf32, #tpu.memory_space<vmem_shared>> -> memref<128x128xf32, #tpu.memory_space<vmem_shared>>
      tpu.enqueue_dma source(%arg7 : memref<128x128xf32, #tpu.memory_space<vmem>>) target(%dma_start3A_60 : memref<128x128xf32, #tpu.memory_space<vmem_shared>>) target_semaphore(%run_scoped3A : memref<!tpu.dma_semaphore, #tpu.memory_space<semaphore_mem>>)
      %dma_wait3A_61 = arith.constant 0 : i32
      %dma_wait3A_62 = tpu.memref_slice %arg6[%add3A_16, %dma_wait3A_61] : memref<10240x128xf32, #tpu.memory_space<vmem_shared>> -> memref<128x128xf32, #tpu.memory_space<vmem_shared>>
      %dma_wait3A_63 = arith.constant 0 : i32
      %dma_wait3A_64 = tpu.memref_slice %arg6[%add3A_16, %dma_wait3A_63] : memref<10240x128xf32, #tpu.memory_space<vmem_shared>> -> memref<128x128xf32, #tpu.memory_space<vmem_shared>>
      tpu.wait_dma2 semaphore(%run_scoped3A : memref<!tpu.dma_semaphore, #tpu.memory_space<semaphore_mem>>) src(%arg7 : memref<128x128xf32, #tpu.memory_space<vmem>>) dst(%dma_wait3A_64 : memref<128x128xf32, #tpu.memory_space<vmem_shared>>)
      tpu.yield
    }) : () -> ()
    %add3A_17 = arith.constant 512 : i32
    %add3A_18 = arith.addi %mul3A_8, %add3A_17 : i32
    "tpu.region"() ({
      %run_scoped3A = tpu.sem_alloc : memref<!tpu.dma_semaphore, #tpu.memory_space<semaphore_mem>>
      %dma_start3A_57 = arith.constant 0 : i32
      %dma_start3A_58 = tpu.memref_slice %arg6[%add3A_18, %dma_start3A_57] : memref<10240x128xf32, #tpu.memory_space<vmem_shared>> -> memref<128x128xf32, #tpu.memory_space<vmem_shared>>
      %dma_start3A_59 = arith.constant 0 : i32
      %dma_start3A_60 = tpu.memref_slice %arg6[%add3A_18, %dma_start3A_59] : memref<10240x128xf32, #tpu.memory_space<vmem_shared>> -> memref<128x128xf32, #tpu.memory_space<vmem_shared>>
      tpu.enqueue_dma source(%arg7 : memref<128x128xf32, #tpu.memory_space<vmem>>) target(%dma_start3A_60 : memref<128x128xf32, #tpu.memory_space<vmem_shared>>) target_semaphore(%run_scoped3A : memref<!tpu.dma_semaphore, #tpu.memory_space<semaphore_mem>>)
      %dma_wait3A_61 = arith.constant 0 : i32
      %dma_wait3A_62 = tpu.memref_slice %arg6[%add3A_18, %dma_wait3A_61] : memref<10240x128xf32, #tpu.memory_space<vmem_shared>> -> memref<128x128xf32, #tpu.memory_space<vmem_shared>>
      %dma_wait3A_63 = arith.constant 0 : i32
      %dma_wait3A_64 = tpu.memref_slice %arg6[%add3A_18, %dma_wait3A_63] : memref<10240x128xf32, #tpu.memory_space<vmem_shared>> -> memref<128x128xf32, #tpu.memory_space<vmem_shared>>
      tpu.wait_dma2 semaphore(%run_scoped3A : memref<!tpu.dma_semaphore, #tpu.memory_space<semaphore_mem>>) src(%arg7 : memref<128x128xf32, #tpu.memory_space<vmem>>) dst(%dma_wait3A_64 : memref<128x128xf32, #tpu.memory_space<vmem_shared>>)
      tpu.yield
    }) : () -> ()
    %barrier3A = arith.constant 0 : index
    tpu.barrier barrier_id(%barrier3A)
    %mul3A_19 = arith.constant 10240 : i32
    %mul3A_20 = arith.muli %add3A, %mul3A_19 : i32
    "tpu.region"() ({
      %run_scoped3A = tpu.sem_alloc : memref<!tpu.dma_semaphore, #tpu.memory_space<semaphore_mem>>
      %dma_start3A_57 = tpu.memref_slice %arg3[%mul3A_20] : memref<327680xi32, #tpu.memory_space<hbm>> -> memref<128xi32, #tpu.memory_space<hbm>>
      %dma_start3A_58 = tpu.memref_slice %arg3[%mul3A_20] : memref<327680xi32, #tpu.memory_space<hbm>> -> memref<128xi32, #tpu.memory_space<hbm>>
      tpu.enqueue_dma source(%dma_start3A_58 : memref<128xi32, #tpu.memory_space<hbm>>) target(%arg9 : memref<128xi32, #tpu.memory_space<vmem>>) target_semaphore(%run_scoped3A : memref<!tpu.dma_semaphore, #tpu.memory_space<semaphore_mem>>)
      %dma_wait3A_59 = tpu.memref_slice %arg3[%mul3A_20] : memref<327680xi32, #tpu.memory_space<hbm>> -> memref<128xi32, #tpu.memory_space<hbm>>
      %dma_wait3A_60 = tpu.memref_slice %arg3[%mul3A_20] : memref<327680xi32, #tpu.memory_space<hbm>> -> memref<128xi32, #tpu.memory_space<hbm>>
      tpu.wait_dma2 semaphore(%run_scoped3A : memref<!tpu.dma_semaphore, #tpu.memory_space<semaphore_mem>>) src(%dma_wait3A_60 : memref<128xi32, #tpu.memory_space<hbm>>) dst(%arg9 : memref<128xi32, #tpu.memory_space<vmem>>)
      tpu.yield
    }) : () -> ()
    "tpu.region"() ({
      %run_scoped3A = tpu.sem_alloc : memref<!tpu.dma_semaphore, #tpu.memory_space<semaphore_mem>>
      %dma_start3A_57 = tpu.memref_slice %arg4[%mul3A_20] : memref<327680xi32, #tpu.memory_space<hbm>> -> memref<128xi32, #tpu.memory_space<hbm>>
      %dma_start3A_58 = tpu.memref_slice %arg4[%mul3A_20] : memref<327680xi32, #tpu.memory_space<hbm>> -> memref<128xi32, #tpu.memory_space<hbm>>
      tpu.enqueue_dma source(%dma_start3A_58 : memref<128xi32, #tpu.memory_space<hbm>>) target(%arg10 : memref<128xi32, #tpu.memory_space<vmem>>) target_semaphore(%run_scoped3A : memref<!tpu.dma_semaphore, #tpu.memory_space<semaphore_mem>>)
      %dma_wait3A_59 = tpu.memref_slice %arg4[%mul3A_20] : memref<327680xi32, #tpu.memory_space<hbm>> -> memref<128xi32, #tpu.memory_space<hbm>>
      %dma_wait3A_60 = tpu.memref_slice %arg4[%mul3A_20] : memref<327680xi32, #tpu.memory_space<hbm>> -> memref<128xi32, #tpu.memory_space<hbm>>
      tpu.wait_dma2 semaphore(%run_scoped3A : memref<!tpu.dma_semaphore, #tpu.memory_space<semaphore_mem>>) src(%dma_wait3A_60 : memref<128xi32, #tpu.memory_space<hbm>>) dst(%arg10 : memref<128xi32, #tpu.memory_space<vmem>>)
      tpu.yield
    }) : () -> ()
    %dma_start3A = arith.constant 0 : i32
    %dma_start3A_21 = arith.constant 0 : i32
    %dma_start3A_22 = tpu.memref_slice %arg2[%dma_start3A, %dma_start3A_21] : memref<10000x128xf32, #tpu.memory_space<hbm>> -> memref<10000x128xf32, #tpu.memory_space<hbm>>
    tpu.enqueue_indirect_dma source(%dma_start3A_22 : memref<10000x128xf32, #tpu.memory_space<hbm>>) target(%arg7 : memref<128x128xf32, #tpu.memory_space<vmem>>) offsets(%arg9 : memref<128xi32, #tpu.memory_space<vmem>>) semaphore(%arg13 : memref<!tpu.dma_semaphore, #tpu.memory_space<semaphore_mem>>)
    %scan3A_23 = arith.constant 0 : i32
    %scan3A_24 = arith.constant 0 : i32
    %scan3A_25 = arith.constant 40 : i32
    %scan3A_26 = arith.addi %scan3A_24, %scan3A_25 : i32
    %scan3A_27 = arith.constant 1 : i32
    scf.for %scan3A_57 = %scan3A_24 to %scan3A_26 step %scan3A_27  : i32 {
      %mul3A_58 = arith.constant 2 : i32
      %mul3A_59 = arith.muli %mul3A_58, %scan3A_57 : i32
      %add3A_60 = arith.constant 1 : i32
      %add3A_61 = arith.addi %mul3A_59, %add3A_60 : i32
      %mul3A_62 = arith.constant 128 : i32
      %mul3A_63 = arith.muli %add3A_61, %mul3A_62 : i32
      %add3A_64 = arith.addi %mul3A_20, %mul3A_63 : i32
      %dma_start3A_65 = tpu.memref_slice %arg3[%add3A_64] : memref<327680xi32, #tpu.memory_space<hbm>> -> memref<128xi32, #tpu.memory_space<hbm>>
      %dma_start3A_66 = tpu.memref_slice %arg3[%add3A_64] : memref<327680xi32, #tpu.memory_space<hbm>> -> memref<128xi32, #tpu.memory_space<hbm>>
      tpu.enqueue_dma source(%dma_start3A_66 : memref<128xi32, #tpu.memory_space<hbm>>) target(%arg11 : memref<128xi32, #tpu.memory_space<vmem>>) target_semaphore(%arg16 : memref<!tpu.dma_semaphore, #tpu.memory_space<semaphore_mem>>)
      %dma_start3A_67 = tpu.memref_slice %arg4[%add3A_64] : memref<327680xi32, #tpu.memory_space<hbm>> -> memref<128xi32, #tpu.memory_space<hbm>>
      %dma_start3A_68 = tpu.memref_slice %arg4[%add3A_64] : memref<327680xi32, #tpu.memory_space<hbm>> -> memref<128xi32, #tpu.memory_space<hbm>>
      tpu.enqueue_dma source(%dma_start3A_68 : memref<128xi32, #tpu.memory_space<hbm>>) target(%arg12 : memref<128xi32, #tpu.memory_space<vmem>>) target_semaphore(%arg16 : memref<!tpu.dma_semaphore, #tpu.memory_space<semaphore_mem>>)
      %dma_wait3A_69 = arith.constant 0 : i32
      %dma_wait3A_70 = arith.constant 0 : i32
      %dma_wait3A_71 = tpu.memref_slice %arg2[%dma_wait3A_69, %dma_wait3A_70] : memref<10000x128xf32, #tpu.memory_space<hbm>> -> memref<10000x128xf32, #tpu.memory_space<hbm>>
      tpu.wait_indirect_dma semaphore(%arg13 : memref<!tpu.dma_semaphore, #tpu.memory_space<semaphore_mem>>) src(%dma_wait3A_71 : memref<10000x128xf32, #tpu.memory_space<hbm>>) dst(%arg7 : memref<128x128xf32, #tpu.memory_space<vmem>>)
      %dma_wait3A_72 = tpu.memref_slice %arg3[%mul3A_20] : memref<327680xi32, #tpu.memory_space<hbm>> -> memref<128xi32, #tpu.memory_space<hbm>>
      %dma_wait3A_73 = tpu.memref_slice %arg3[%mul3A_20] : memref<327680xi32, #tpu.memory_space<hbm>> -> memref<128xi32, #tpu.memory_space<hbm>>
      tpu.wait_dma2 semaphore(%arg16 : memref<!tpu.dma_semaphore, #tpu.memory_space<semaphore_mem>>) src(%dma_wait3A_73 : memref<128xi32, #tpu.memory_space<hbm>>) dst(%arg11 : memref<128xi32, #tpu.memory_space<vmem>>)
      %dma_wait3A_74 = tpu.memref_slice %arg4[%mul3A_20] : memref<327680xi32, #tpu.memory_space<hbm>> -> memref<128xi32, #tpu.memory_space<hbm>>
      %dma_wait3A_75 = tpu.memref_slice %arg4[%mul3A_20] : memref<327680xi32, #tpu.memory_space<hbm>> -> memref<128xi32, #tpu.memory_space<hbm>>
      tpu.wait_dma2 semaphore(%arg16 : memref<!tpu.dma_semaphore, #tpu.memory_space<semaphore_mem>>) src(%dma_wait3A_75 : memref<128xi32, #tpu.memory_space<hbm>>) dst(%arg12 : memref<128xi32, #tpu.memory_space<vmem>>)
      %dma_start3A_76 = arith.constant 0 : i32
      %dma_start3A_77 = arith.constant 0 : i32
      %dma_start3A_78 = tpu.memref_slice %arg2[%dma_start3A_76, %dma_start3A_77] : memref<10000x128xf32, #tpu.memory_space<hbm>> -> memref<10000x128xf32, #tpu.memory_space<hbm>>
      tpu.enqueue_indirect_dma source(%dma_start3A_78 : memref<10000x128xf32, #tpu.memory_space<hbm>>) target(%arg8 : memref<128x128xf32, #tpu.memory_space<vmem>>) offsets(%arg11 : memref<128xi32, #tpu.memory_space<vmem>>) semaphore(%arg14 : memref<!tpu.dma_semaphore, #tpu.memory_space<semaphore_mem>>)
      "tpu.region"() ({
        %run_scoped3A = tpu.sem_alloc : memref<!tpu.dma_semaphore, #tpu.memory_space<semaphore_mem>>
        %dma_start3A_107 = arith.constant 0 : i32
        %dma_start3A_108 = arith.constant 0 : i32
        %dma_start3A_109 = tpu.memref_slice %arg6[%dma_start3A_107, %dma_start3A_108] : memref<10240x128xf32, #tpu.memory_space<vmem_shared>> -> memref<10240x128xf32, #tpu.memory_space<vmem_shared>>
        tpu.enqueue_indirect_dma source(%arg7 : memref<128x128xf32, #tpu.memory_space<vmem>>) target(%dma_start3A_109 : memref<10240x128xf32, #tpu.memory_space<vmem_shared>>) offsets(%arg10 : memref<128xi32, #tpu.memory_space<vmem>>) semaphore(%run_scoped3A : memref<!tpu.dma_semaphore, #tpu.memory_space<semaphore_mem>>) {add = true}
        %dma_wait3A_110 = arith.constant 0 : i32
        %dma_wait3A_111 = arith.constant 0 : i32
        %dma_wait3A_112 = tpu.memref_slice %arg6[%dma_wait3A_110, %dma_wait3A_111] : memref<10240x128xf32, #tpu.memory_space<vmem_shared>> -> memref<10240x128xf32, #tpu.memory_space<vmem_shared>>
        tpu.wait_indirect_dma semaphore(%run_scoped3A : memref<!tpu.dma_semaphore, #tpu.memory_space<semaphore_mem>>) src(%arg7 : memref<128x128xf32, #tpu.memory_space<vmem>>) dst(%dma_wait3A_112 : memref<10240x128xf32, #tpu.memory_space<vmem_shared>>)
        tpu.yield
      }) : () -> ()
      %add3A_79 = arith.constant 2 : i32
      %add3A_80 = arith.addi %mul3A_59, %add3A_79 : i32
      %jit3A = arith.constant 80 : i32
      %eq3A = arith.constant 0 : i32
      %eq3A_81 = arith.cmpi eq, %jit3A, %eq3A : i32
      %jit3A_82 = arith.constant 1 : i32
      %select_n3A = arith.select %eq3A_81, %jit3A_82, %jit3A : i32
      %rem3A = arith.remsi %add3A_80, %select_n3A : i32
      %ne3A = arith.constant 0 : i32
      %ne3A_83 = arith.cmpi ne, %rem3A, %ne3A : i32
      %lt3A = arith.constant 0 : i32
      %lt3A_84 = arith.cmpi slt, %rem3A, %lt3A : i32
      %lt3A_85 = arith.constant 0 : i32
      %lt3A_86 = arith.cmpi slt, %select_n3A, %lt3A_85 : i32
      %ne3A_87 = arith.xori %lt3A_84, %lt3A_86 : i1
      %and3A = arith.andi %ne3A_87, %ne3A_83 : i1
      %add3A_88 = arith.addi %rem3A, %select_n3A : i32
      %select_n3A_89 = arith.select %and3A, %add3A_88, %rem3A : i32
      %mul3A_90 = arith.constant 128 : i32
      %mul3A_91 = arith.muli %select_n3A_89, %mul3A_90 : i32
      %add3A_92 = arith.addi %mul3A_20, %mul3A_91 : i32
      %dma_start3A_93 = tpu.memref_slice %arg3[%add3A_92] : memref<327680xi32, #tpu.memory_space<hbm>> -> memref<128xi32, #tpu.memory_space<hbm>>
      %dma_start3A_94 = tpu.memref_slice %arg3[%add3A_92] : memref<327680xi32, #tpu.memory_space<hbm>> -> memref<128xi32, #tpu.memory_space<hbm>>
      tpu.enqueue_dma source(%dma_start3A_94 : memref<128xi32, #tpu.memory_space<hbm>>) target(%arg9 : memref<128xi32, #tpu.memory_space<vmem>>) target_semaphore(%arg15 : memref<!tpu.dma_semaphore, #tpu.memory_space<semaphore_mem>>)
      %dma_start3A_95 = tpu.memref_slice %arg4[%add3A_92] : memref<327680xi32, #tpu.memory_space<hbm>> -> memref<128xi32, #tpu.memory_space<hbm>>
      %dma_start3A_96 = tpu.memref_slice %arg4[%add3A_92] : memref<327680xi32, #tpu.memory_space<hbm>> -> memref<128xi32, #tpu.memory_space<hbm>>
      tpu.enqueue_dma source(%dma_start3A_96 : memref<128xi32, #tpu.memory_space<hbm>>) target(%arg10 : memref<128xi32, #tpu.memory_space<vmem>>) target_semaphore(%arg15 : memref<!tpu.dma_semaphore, #tpu.memory_space<semaphore_mem>>)
      %dma_wait3A_97 = arith.constant 0 : i32
      %dma_wait3A_98 = arith.constant 0 : i32
      %dma_wait3A_99 = tpu.memref_slice %arg2[%dma_wait3A_97, %dma_wait3A_98] : memref<10000x128xf32, #tpu.memory_space<hbm>> -> memref<10000x128xf32, #tpu.memory_space<hbm>>
      tpu.wait_indirect_dma semaphore(%arg14 : memref<!tpu.dma_semaphore, #tpu.memory_space<semaphore_mem>>) src(%dma_wait3A_99 : memref<10000x128xf32, #tpu.memory_space<hbm>>) dst(%arg8 : memref<128x128xf32, #tpu.memory_space<vmem>>)
      %dma_wait3A_100 = tpu.memref_slice %arg3[%mul3A_20] : memref<327680xi32, #tpu.memory_space<hbm>> -> memref<128xi32, #tpu.memory_space<hbm>>
      %dma_wait3A_101 = tpu.memref_slice %arg3[%mul3A_20] : memref<327680xi32, #tpu.memory_space<hbm>> -> memref<128xi32, #tpu.memory_space<hbm>>
      tpu.wait_dma2 semaphore(%arg15 : memref<!tpu.dma_semaphore, #tpu.memory_space<semaphore_mem>>) src(%dma_wait3A_101 : memref<128xi32, #tpu.memory_space<hbm>>) dst(%arg9 : memref<128xi32, #tpu.memory_space<vmem>>)
      %dma_wait3A_102 = tpu.memref_slice %arg4[%mul3A_20] : memref<327680xi32, #tpu.memory_space<hbm>> -> memref<128xi32, #tpu.memory_space<hbm>>
      %dma_wait3A_103 = tpu.memref_slice %arg4[%mul3A_20] : memref<327680xi32, #tpu.memory_space<hbm>> -> memref<128xi32, #tpu.memory_space<hbm>>
      tpu.wait_dma2 semaphore(%arg15 : memref<!tpu.dma_semaphore, #tpu.memory_space<semaphore_mem>>) src(%dma_wait3A_103 : memref<128xi32, #tpu.memory_space<hbm>>) dst(%arg10 : memref<128xi32, #tpu.memory_space<vmem>>)
      %dma_start3A_104 = arith.constant 0 : i32
      %dma_start3A_105 = arith.constant 0 : i32
      %dma_start3A_106 = tpu.memref_slice %arg2[%dma_start3A_104, %dma_start3A_105] : memref<10000x128xf32, #tpu.memory_space<hbm>> -> memref<10000x128xf32, #tpu.memory_space<hbm>>
      tpu.enqueue_indirect_dma source(%dma_start3A_106 : memref<10000x128xf32, #tpu.memory_space<hbm>>) target(%arg7 : memref<128x128xf32, #tpu.memory_space<vmem>>) offsets(%arg9 : memref<128xi32, #tpu.memory_space<vmem>>) semaphore(%arg13 : memref<!tpu.dma_semaphore, #tpu.memory_space<semaphore_mem>>)
      "tpu.region"() ({
        %run_scoped3A = tpu.sem_alloc : memref<!tpu.dma_semaphore, #tpu.memory_space<semaphore_mem>>
        %dma_start3A_107 = arith.constant 0 : i32
        %dma_start3A_108 = arith.constant 0 : i32
        %dma_start3A_109 = tpu.memref_slice %arg6[%dma_start3A_107, %dma_start3A_108] : memref<10240x128xf32, #tpu.memory_space<vmem_shared>> -> memref<10240x128xf32, #tpu.memory_space<vmem_shared>>
        tpu.enqueue_indirect_dma source(%arg8 : memref<128x128xf32, #tpu.memory_space<vmem>>) target(%dma_start3A_109 : memref<10240x128xf32, #tpu.memory_space<vmem_shared>>) offsets(%arg12 : memref<128xi32, #tpu.memory_space<vmem>>) semaphore(%run_scoped3A : memref<!tpu.dma_semaphore, #tpu.memory_space<semaphore_mem>>) {add = true}
        %dma_wait3A_110 = arith.constant 0 : i32
        %dma_wait3A_111 = arith.constant 0 : i32
        %dma_wait3A_112 = tpu.memref_slice %arg6[%dma_wait3A_110, %dma_wait3A_111] : memref<10240x128xf32, #tpu.memory_space<vmem_shared>> -> memref<10240x128xf32, #tpu.memory_space<vmem_shared>>
        tpu.wait_indirect_dma semaphore(%run_scoped3A : memref<!tpu.dma_semaphore, #tpu.memory_space<semaphore_mem>>) src(%arg8 : memref<128x128xf32, #tpu.memory_space<vmem>>) dst(%dma_wait3A_112 : memref<10240x128xf32, #tpu.memory_space<vmem_shared>>)
        tpu.yield
      }) : () -> ()
    }
    %scan3A_28 = arith.constant 40 : i32
    %dma_wait3A = arith.constant 0 : i32
    %dma_wait3A_29 = arith.constant 0 : i32
    %dma_wait3A_30 = tpu.memref_slice %arg2[%dma_wait3A, %dma_wait3A_29] : memref<10000x128xf32, #tpu.memory_space<hbm>> -> memref<10000x128xf32, #tpu.memory_space<hbm>>
    tpu.wait_indirect_dma semaphore(%arg13 : memref<!tpu.dma_semaphore, #tpu.memory_space<semaphore_mem>>) src(%dma_wait3A_30 : memref<10000x128xf32, #tpu.memory_space<hbm>>) dst(%arg7 : memref<128x128xf32, #tpu.memory_space<vmem>>)
    %barrier3A_31 = arith.constant 0 : index
    tpu.barrier barrier_id(%barrier3A_31)
    %add3A_32 = arith.constant 0 : i32
    %add3A_33 = arith.addi %mul3A_8, %add3A_32 : i32
    "tpu.region"() ({
      %run_scoped3A = tpu.sem_alloc : memref<!tpu.dma_semaphore, #tpu.memory_space<semaphore_mem>>
      %dma_start3A_57 = arith.constant 0 : i32
      %dma_start3A_58 = tpu.memref_slice %arg6[%add3A_33, %dma_start3A_57] : memref<10240x128xf32, #tpu.memory_space<vmem_shared>> -> memref<128x128xf32, #tpu.memory_space<vmem_shared>>
      %dma_start3A_59 = arith.constant 0 : i32
      %dma_start3A_60 = tpu.memref_slice %arg6[%add3A_33, %dma_start3A_59] : memref<10240x128xf32, #tpu.memory_space<vmem_shared>> -> memref<128x128xf32, #tpu.memory_space<vmem_shared>>
      tpu.enqueue_dma source(%dma_start3A_60 : memref<128x128xf32, #tpu.memory_space<vmem_shared>>) target(%arg7 : memref<128x128xf32, #tpu.memory_space<vmem>>) target_semaphore(%run_scoped3A : memref<!tpu.dma_semaphore, #tpu.memory_space<semaphore_mem>>)
      %dma_wait3A_61 = arith.constant 0 : i32
      %dma_wait3A_62 = tpu.memref_slice %arg6[%add3A_33, %dma_wait3A_61] : memref<10240x128xf32, #tpu.memory_space<vmem_shared>> -> memref<128x128xf32, #tpu.memory_space<vmem_shared>>
      %dma_wait3A_63 = arith.constant 0 : i32
      %dma_wait3A_64 = tpu.memref_slice %arg6[%add3A_33, %dma_wait3A_63] : memref<10240x128xf32, #tpu.memory_space<vmem_shared>> -> memref<128x128xf32, #tpu.memory_space<vmem_shared>>
      tpu.wait_dma2 semaphore(%run_scoped3A : memref<!tpu.dma_semaphore, #tpu.memory_space<semaphore_mem>>) src(%dma_wait3A_64 : memref<128x128xf32, #tpu.memory_space<vmem_shared>>) dst(%arg7 : memref<128x128xf32, #tpu.memory_space<vmem>>)
      tpu.yield
    }) : () -> ()
    %mul3A_34 = arith.constant 10240 : i32
    %mul3A_35 = arith.muli %arg0, %mul3A_34 : i32
    %add3A_36 = arith.addi %mul3A_35, %add3A_33 : i32
    "tpu.region"() ({
      %run_scoped3A = tpu.sem_alloc : memref<!tpu.dma_semaphore, #tpu.memory_space<semaphore_mem>>
      %dma_start3A_57 = arith.constant 0 : i32
      %dma_start3A_58 = tpu.memref_slice %arg5[%add3A_36, %dma_start3A_57] : memref<20480x128xf32, #tpu.memory_space<hbm>> -> memref<128x128xf32, #tpu.memory_space<hbm>>
      %dma_start3A_59 = arith.constant 0 : i32
      %dma_start3A_60 = tpu.memref_slice %arg5[%add3A_36, %dma_start3A_59] : memref<20480x128xf32, #tpu.memory_space<hbm>> -> memref<128x128xf32, #tpu.memory_space<hbm>>
      tpu.enqueue_dma source(%arg7 : memref<128x128xf32, #tpu.memory_space<vmem>>) target(%dma_start3A_60 : memref<128x128xf32, #tpu.memory_space<hbm>>) target_semaphore(%run_scoped3A : memref<!tpu.dma_semaphore, #tpu.memory_space<semaphore_mem>>)
      %dma_wait3A_61 = arith.constant 0 : i32
      %dma_wait3A_62 = tpu.memref_slice %arg5[%add3A_36, %dma_wait3A_61] : memref<20480x128xf32, #tpu.memory_space<hbm>> -> memref<128x128xf32, #tpu.memory_space<hbm>>
      %dma_wait3A_63 = arith.constant 0 : i32
      %dma_wait3A_64 = tpu.memref_slice %arg5[%add3A_36, %dma_wait3A_63] : memref<20480x128xf32, #tpu.memory_space<hbm>> -> memref<128x128xf32, #tpu.memory_space<hbm>>
      tpu.wait_dma2 semaphore(%run_scoped3A : memref<!tpu.dma_semaphore, #tpu.memory_space<semaphore_mem>>) src(%arg7 : memref<128x128xf32, #tpu.memory_space<vmem>>) dst(%dma_wait3A_64 : memref<128x128xf32, #tpu.memory_space<hbm>>)
      tpu.yield
    }) : () -> ()
    %add3A_37 = arith.constant 128 : i32
    %add3A_38 = arith.addi %mul3A_8, %add3A_37 : i32
    "tpu.region"() ({
      %run_scoped3A = tpu.sem_alloc : memref<!tpu.dma_semaphore, #tpu.memory_space<semaphore_mem>>
      %dma_start3A_57 = arith.constant 0 : i32
      %dma_start3A_58 = tpu.memref_slice %arg6[%add3A_38, %dma_start3A_57] : memref<10240x128xf32, #tpu.memory_space<vmem_shared>> -> memref<128x128xf32, #tpu.memory_space<vmem_shared>>
      %dma_start3A_59 = arith.constant 0 : i32
      %dma_start3A_60 = tpu.memref_slice %arg6[%add3A_38, %dma_start3A_59] : memref<10240x128xf32, #tpu.memory_space<vmem_shared>> -> memref<128x128xf32, #tpu.memory_space<vmem_shared>>
      tpu.enqueue_dma source(%dma_start3A_60 : memref<128x128xf32, #tpu.memory_space<vmem_shared>>) target(%arg7 : memref<128x128xf32, #tpu.memory_space<vmem>>) target_semaphore(%run_scoped3A : memref<!tpu.dma_semaphore, #tpu.memory_space<semaphore_mem>>)
      %dma_wait3A_61 = arith.constant 0 : i32
      %dma_wait3A_62 = tpu.memref_slice %arg6[%add3A_38, %dma_wait3A_61] : memref<10240x128xf32, #tpu.memory_space<vmem_shared>> -> memref<128x128xf32, #tpu.memory_space<vmem_shared>>
      %dma_wait3A_63 = arith.constant 0 : i32
      %dma_wait3A_64 = tpu.memref_slice %arg6[%add3A_38, %dma_wait3A_63] : memref<10240x128xf32, #tpu.memory_space<vmem_shared>> -> memref<128x128xf32, #tpu.memory_space<vmem_shared>>
      tpu.wait_dma2 semaphore(%run_scoped3A : memref<!tpu.dma_semaphore, #tpu.memory_space<semaphore_mem>>) src(%dma_wait3A_64 : memref<128x128xf32, #tpu.memory_space<vmem_shared>>) dst(%arg7 : memref<128x128xf32, #tpu.memory_space<vmem>>)
      tpu.yield
    }) : () -> ()
    %mul3A_39 = arith.constant 10240 : i32
    %mul3A_40 = arith.muli %arg0, %mul3A_39 : i32
    %add3A_41 = arith.addi %mul3A_40, %add3A_38 : i32
    "tpu.region"() ({
      %run_scoped3A = tpu.sem_alloc : memref<!tpu.dma_semaphore, #tpu.memory_space<semaphore_mem>>
      %dma_start3A_57 = arith.constant 0 : i32
      %dma_start3A_58 = tpu.memref_slice %arg5[%add3A_41, %dma_start3A_57] : memref<20480x128xf32, #tpu.memory_space<hbm>> -> memref<128x128xf32, #tpu.memory_space<hbm>>
      %dma_start3A_59 = arith.constant 0 : i32
      %dma_start3A_60 = tpu.memref_slice %arg5[%add3A_41, %dma_start3A_59] : memref<20480x128xf32, #tpu.memory_space<hbm>> -> memref<128x128xf32, #tpu.memory_space<hbm>>
      tpu.enqueue_dma source(%arg7 : memref<128x128xf32, #tpu.memory_space<vmem>>) target(%dma_start3A_60 : memref<128x128xf32, #tpu.memory_space<hbm>>) target_semaphore(%run_scoped3A : memref<!tpu.dma_semaphore, #tpu.memory_space<semaphore_mem>>)
      %dma_wait3A_61 = arith.constant 0 : i32
      %dma_wait3A_62 = tpu.memref_slice %arg5[%add3A_41, %dma_wait3A_61] : memref<20480x128xf32, #tpu.memory_space<hbm>> -> memref<128x128xf32, #tpu.memory_space<hbm>>
      %dma_wait3A_63 = arith.constant 0 : i32
      %dma_wait3A_64 = tpu.memref_slice %arg5[%add3A_41, %dma_wait3A_63] : memref<20480x128xf32, #tpu.memory_space<hbm>> -> memref<128x128xf32, #tpu.memory_space<hbm>>
      tpu.wait_dma2 semaphore(%run_scoped3A : memref<!tpu.dma_semaphore, #tpu.memory_space<semaphore_mem>>) src(%arg7 : memref<128x128xf32, #tpu.memory_space<vmem>>) dst(%dma_wait3A_64 : memref<128x128xf32, #tpu.memory_space<hbm>>)
      tpu.yield
    }) : () -> ()
    %add3A_42 = arith.constant 256 : i32
    %add3A_43 = arith.addi %mul3A_8, %add3A_42 : i32
    "tpu.region"() ({
      %run_scoped3A = tpu.sem_alloc : memref<!tpu.dma_semaphore, #tpu.memory_space<semaphore_mem>>
      %dma_start3A_57 = arith.constant 0 : i32
      %dma_start3A_58 = tpu.memref_slice %arg6[%add3A_43, %dma_start3A_57] : memref<10240x128xf32, #tpu.memory_space<vmem_shared>> -> memref<128x128xf32, #tpu.memory_space<vmem_shared>>
      %dma_start3A_59 = arith.constant 0 : i32
      %dma_start3A_60 = tpu.memref_slice %arg6[%add3A_43, %dma_start3A_59] : memref<10240x128xf32, #tpu.memory_space<vmem_shared>> -> memref<128x128xf32, #tpu.memory_space<vmem_shared>>
      tpu.enqueue_dma source(%dma_start3A_60 : memref<128x128xf32, #tpu.memory_space<vmem_shared>>) target(%arg7 : memref<128x128xf32, #tpu.memory_space<vmem>>) target_semaphore(%run_scoped3A : memref<!tpu.dma_semaphore, #tpu.memory_space<semaphore_mem>>)
      %dma_wait3A_61 = arith.constant 0 : i32
      %dma_wait3A_62 = tpu.memref_slice %arg6[%add3A_43, %dma_wait3A_61] : memref<10240x128xf32, #tpu.memory_space<vmem_shared>> -> memref<128x128xf32, #tpu.memory_space<vmem_shared>>
      %dma_wait3A_63 = arith.constant 0 : i32
      %dma_wait3A_64 = tpu.memref_slice %arg6[%add3A_43, %dma_wait3A_63] : memref<10240x128xf32, #tpu.memory_space<vmem_shared>> -> memref<128x128xf32, #tpu.memory_space<vmem_shared>>
      tpu.wait_dma2 semaphore(%run_scoped3A : memref<!tpu.dma_semaphore, #tpu.memory_space<semaphore_mem>>) src(%dma_wait3A_64 : memref<128x128xf32, #tpu.memory_space<vmem_shared>>) dst(%arg7 : memref<128x128xf32, #tpu.memory_space<vmem>>)
      tpu.yield
    }) : () -> ()
    %mul3A_44 = arith.constant 10240 : i32
    %mul3A_45 = arith.muli %arg0, %mul3A_44 : i32
    %add3A_46 = arith.addi %mul3A_45, %add3A_43 : i32
    "tpu.region"() ({
      %run_scoped3A = tpu.sem_alloc : memref<!tpu.dma_semaphore, #tpu.memory_space<semaphore_mem>>
      %dma_start3A_57 = arith.constant 0 : i32
      %dma_start3A_58 = tpu.memref_slice %arg5[%add3A_46, %dma_start3A_57] : memref<20480x128xf32, #tpu.memory_space<hbm>> -> memref<128x128xf32, #tpu.memory_space<hbm>>
      %dma_start3A_59 = arith.constant 0 : i32
      %dma_start3A_60 = tpu.memref_slice %arg5[%add3A_46, %dma_start3A_59] : memref<20480x128xf32, #tpu.memory_space<hbm>> -> memref<128x128xf32, #tpu.memory_space<hbm>>
      tpu.enqueue_dma source(%arg7 : memref<128x128xf32, #tpu.memory_space<vmem>>) target(%dma_start3A_60 : memref<128x128xf32, #tpu.memory_space<hbm>>) target_semaphore(%run_scoped3A : memref<!tpu.dma_semaphore, #tpu.memory_space<semaphore_mem>>)
      %dma_wait3A_61 = arith.constant 0 : i32
      %dma_wait3A_62 = tpu.memref_slice %arg5[%add3A_46, %dma_wait3A_61] : memref<20480x128xf32, #tpu.memory_space<hbm>> -> memref<128x128xf32, #tpu.memory_space<hbm>>
      %dma_wait3A_63 = arith.constant 0 : i32
      %dma_wait3A_64 = tpu.memref_slice %arg5[%add3A_46, %dma_wait3A_63] : memref<20480x128xf32, #tpu.memory_space<hbm>> -> memref<128x128xf32, #tpu.memory_space<hbm>>
      tpu.wait_dma2 semaphore(%run_scoped3A : memref<!tpu.dma_semaphore, #tpu.memory_space<semaphore_mem>>) src(%arg7 : memref<128x128xf32, #tpu.memory_space<vmem>>) dst(%dma_wait3A_64 : memref<128x128xf32, #tpu.memory_space<hbm>>)
      tpu.yield
    }) : () -> ()
    %add3A_47 = arith.constant 384 : i32
    %add3A_48 = arith.addi %mul3A_8, %add3A_47 : i32
    "tpu.region"() ({
      %run_scoped3A = tpu.sem_alloc : memref<!tpu.dma_semaphore, #tpu.memory_space<semaphore_mem>>
      %dma_start3A_57 = arith.constant 0 : i32
      %dma_start3A_58 = tpu.memref_slice %arg6[%add3A_48, %dma_start3A_57] : memref<10240x128xf32, #tpu.memory_space<vmem_shared>> -> memref<128x128xf32, #tpu.memory_space<vmem_shared>>
      %dma_start3A_59 = arith.constant 0 : i32
      %dma_start3A_60 = tpu.memref_slice %arg6[%add3A_48, %dma_start3A_59] : memref<10240x128xf32, #tpu.memory_space<vmem_shared>> -> memref<128x128xf32, #tpu.memory_space<vmem_shared>>
      tpu.enqueue_dma source(%dma_start3A_60 : memref<128x128xf32, #tpu.memory_space<vmem_shared>>) target(%arg7 : memref<128x128xf32, #tpu.memory_space<vmem>>) target_semaphore(%run_scoped3A : memref<!tpu.dma_semaphore, #tpu.memory_space<semaphore_mem>>)
      %dma_wait3A_61 = arith.constant 0 : i32
      %dma_wait3A_62 = tpu.memref_slice %arg6[%add3A_48, %dma_wait3A_61] : memref<10240x128xf32, #tpu.memory_space<vmem_shared>> -> memref<128x128xf32, #tpu.memory_space<vmem_shared>>
      %dma_wait3A_63 = arith.constant 0 : i32
      %dma_wait3A_64 = tpu.memref_slice %arg6[%add3A_48, %dma_wait3A_63] : memref<10240x128xf32, #tpu.memory_space<vmem_shared>> -> memref<128x128xf32, #tpu.memory_space<vmem_shared>>
      tpu.wait_dma2 semaphore(%run_scoped3A : memref<!tpu.dma_semaphore, #tpu.memory_space<semaphore_mem>>) src(%dma_wait3A_64 : memref<128x128xf32, #tpu.memory_space<vmem_shared>>) dst(%arg7 : memref<128x128xf32, #tpu.memory_space<vmem>>)
      tpu.yield
    }) : () -> ()
    %mul3A_49 = arith.constant 10240 : i32
    %mul3A_50 = arith.muli %arg0, %mul3A_49 : i32
    %add3A_51 = arith.addi %mul3A_50, %add3A_48 : i32
    "tpu.region"() ({
      %run_scoped3A = tpu.sem_alloc : memref<!tpu.dma_semaphore, #tpu.memory_space<semaphore_mem>>
      %dma_start3A_57 = arith.constant 0 : i32
      %dma_start3A_58 = tpu.memref_slice %arg5[%add3A_51, %dma_start3A_57] : memref<20480x128xf32, #tpu.memory_space<hbm>> -> memref<128x128xf32, #tpu.memory_space<hbm>>
      %dma_start3A_59 = arith.constant 0 : i32
      %dma_start3A_60 = tpu.memref_slice %arg5[%add3A_51, %dma_start3A_59] : memref<20480x128xf32, #tpu.memory_space<hbm>> -> memref<128x128xf32, #tpu.memory_space<hbm>>
      tpu.enqueue_dma source(%arg7 : memref<128x128xf32, #tpu.memory_space<vmem>>) target(%dma_start3A_60 : memref<128x128xf32, #tpu.memory_space<hbm>>) target_semaphore(%run_scoped3A : memref<!tpu.dma_semaphore, #tpu.memory_space<semaphore_mem>>)
      %dma_wait3A_61 = arith.constant 0 : i32
      %dma_wait3A_62 = tpu.memref_slice %arg5[%add3A_51, %dma_wait3A_61] : memref<20480x128xf32, #tpu.memory_space<hbm>> -> memref<128x128xf32, #tpu.memory_space<hbm>>
      %dma_wait3A_63 = arith.constant 0 : i32
      %dma_wait3A_64 = tpu.memref_slice %arg5[%add3A_51, %dma_wait3A_63] : memref<20480x128xf32, #tpu.memory_space<hbm>> -> memref<128x128xf32, #tpu.memory_space<hbm>>
      tpu.wait_dma2 semaphore(%run_scoped3A : memref<!tpu.dma_semaphore, #tpu.memory_space<semaphore_mem>>) src(%arg7 : memref<128x128xf32, #tpu.memory_space<vmem>>) dst(%dma_wait3A_64 : memref<128x128xf32, #tpu.memory_space<hbm>>)
      tpu.yield
    }) : () -> ()
    %add3A_52 = arith.constant 512 : i32
    %add3A_53 = arith.addi %mul3A_8, %add3A_52 : i32
    "tpu.region"() ({
      %run_scoped3A = tpu.sem_alloc : memref<!tpu.dma_semaphore, #tpu.memory_space<semaphore_mem>>
      %dma_start3A_57 = arith.constant 0 : i32
      %dma_start3A_58 = tpu.memref_slice %arg6[%add3A_53, %dma_start3A_57] : memref<10240x128xf32, #tpu.memory_space<vmem_shared>> -> memref<128x128xf32, #tpu.memory_space<vmem_shared>>
      %dma_start3A_59 = arith.constant 0 : i32
      %dma_start3A_60 = tpu.memref_slice %arg6[%add3A_53, %dma_start3A_59] : memref<10240x128xf32, #tpu.memory_space<vmem_shared>> -> memref<128x128xf32, #tpu.memory_space<vmem_shared>>
      tpu.enqueue_dma source(%dma_start3A_60 : memref<128x128xf32, #tpu.memory_space<vmem_shared>>) target(%arg7 : memref<128x128xf32, #tpu.memory_space<vmem>>) target_semaphore(%run_scoped3A : memref<!tpu.dma_semaphore, #tpu.memory_space<semaphore_mem>>)
      %dma_wait3A_61 = arith.constant 0 : i32
      %dma_wait3A_62 = tpu.memref_slice %arg6[%add3A_53, %dma_wait3A_61] : memref<10240x128xf32, #tpu.memory_space<vmem_shared>> -> memref<128x128xf32, #tpu.memory_space<vmem_shared>>
      %dma_wait3A_63 = arith.constant 0 : i32
      %dma_wait3A_64 = tpu.memref_slice %arg6[%add3A_53, %dma_wait3A_63] : memref<10240x128xf32, #tpu.memory_space<vmem_shared>> -> memref<128x128xf32, #tpu.memory_space<vmem_shared>>
      tpu.wait_dma2 semaphore(%run_scoped3A : memref<!tpu.dma_semaphore, #tpu.memory_space<semaphore_mem>>) src(%dma_wait3A_64 : memref<128x128xf32, #tpu.memory_space<vmem_shared>>) dst(%arg7 : memref<128x128xf32, #tpu.memory_space<vmem>>)
      tpu.yield
    }) : () -> ()
    %mul3A_54 = arith.constant 10240 : i32
    %mul3A_55 = arith.muli %arg0, %mul3A_54 : i32
    %add3A_56 = arith.addi %mul3A_55, %add3A_53 : i32
    "tpu.region"() ({
      %run_scoped3A = tpu.sem_alloc : memref<!tpu.dma_semaphore, #tpu.memory_space<semaphore_mem>>
      %dma_start3A_57 = arith.constant 0 : i32
      %dma_start3A_58 = tpu.memref_slice %arg5[%add3A_56, %dma_start3A_57] : memref<20480x128xf32, #tpu.memory_space<hbm>> -> memref<128x128xf32, #tpu.memory_space<hbm>>
      %dma_start3A_59 = arith.constant 0 : i32
      %dma_start3A_60 = tpu.memref_slice %arg5[%add3A_56, %dma_start3A_59] : memref<20480x128xf32, #tpu.memory_space<hbm>> -> memref<128x128xf32, #tpu.memory_space<hbm>>
      tpu.enqueue_dma source(%arg7 : memref<128x128xf32, #tpu.memory_space<vmem>>) target(%dma_start3A_60 : memref<128x128xf32, #tpu.memory_space<hbm>>) target_semaphore(%run_scoped3A : memref<!tpu.dma_semaphore, #tpu.memory_space<semaphore_mem>>)
      %dma_wait3A_61 = arith.constant 0 : i32
      %dma_wait3A_62 = tpu.memref_slice %arg5[%add3A_56, %dma_wait3A_61] : memref<20480x128xf32, #tpu.memory_space<hbm>> -> memref<128x128xf32, #tpu.memory_space<hbm>>
      %dma_wait3A_63 = arith.constant 0 : i32
      %dma_wait3A_64 = tpu.memref_slice %arg5[%add3A_56, %dma_wait3A_63] : memref<20480x128xf32, #tpu.memory_space<hbm>> -> memref<128x128xf32, #tpu.memory_space<hbm>>
      tpu.wait_dma2 semaphore(%run_scoped3A : memref<!tpu.dma_semaphore, #tpu.memory_space<semaphore_mem>>) src(%arg7 : memref<128x128xf32, #tpu.memory_space<vmem>>) dst(%dma_wait3A_64 : memref<128x128xf32, #tpu.memory_space<hbm>>)
      tpu.yield
    }) : () -> ()
    return
  }
}

#map = affine_map<(d0, d1) -> (0, 0)>
#map1 = affine_map<(d0, d1) -> (0)>
module attributes {stable_mosaic.version = 14 : i64} {
  func.func @_mp_kernel(%arg0: i32, %arg1: i32, %arg2: memref<10000x128xf32, #tpu.memory_space<hbm>>, %arg3: memref<327680xi32, #tpu.memory_space<hbm>>, %arg4: memref<327680xi32, #tpu.memory_space<hbm>>, %arg5: memref<20480x128xf32, #tpu.memory_space<hbm>>, %arg6: memref<10240x128xf32, #tpu.memory_space<vmem_shared>>, %arg7: memref<128x128xf32, #tpu.memory_space<vmem>>, %arg8: memref<128x128xf32, #tpu.memory_space<vmem>>, %arg9: memref<128xi32, #tpu.memory_space<vmem>>, %arg10: memref<128xi32, #tpu.memory_space<vmem>>, %arg11: memref<128xi32, #tpu.memory_space<vmem>>, %arg12: memref<128xi32, #tpu.memory_space<vmem>>, %arg13: memref<!tpu.dma_semaphore, #tpu.memory_space<semaphore_mem>>, %arg14: memref<!tpu.dma_semaphore, #tpu.memory_space<semaphore_mem>>, %arg15: memref<!tpu.dma_semaphore, #tpu.memory_space<semaphore_mem>>, %arg16: memref<!tpu.dma_semaphore, #tpu.memory_space<semaphore_mem>>) attributes {dimension_semantics = [#tpu.dimension_semantics<core_parallel>, #tpu.dimension_semantics<subcore_parallel>], iteration_bounds = array<i64: 2, 16>, scalar_prefetch = 0 : i64, scratch_operands = 11 : i64, tpu.core_type = #tpu.core_type<sc_vector_subcore>, window_params = [{transform_indices = #map}, {transform_indices = #map1}, {transform_indices = #map1}, {transform_indices = #map}]} {
    %mul3A = arith.constant 16 : i32
    %mul3A_0 = arith.muli %arg0, %mul3A : i32
    %add3A = arith.addi %mul3A_0, %arg1 : i32
    %broadcast_in_dim3A = arith.constant 0.000000e+00 : f32
    %broadcast_in_dim3A_1 = vector.broadcast %broadcast_in_dim3A : f32 to vector<16xf32>
    %scan3A = arith.constant 0 : i32
    %scan3A_2 = arith.constant 0 : i32
    %scan3A_3 = arith.constant 128 : i32
    %scan3A_4 = arith.addi %scan3A_2, %scan3A_3 : i32
    %scan3A_5 = arith.constant 1 : i32
    scf.for %scan3A_57 = %scan3A_2 to %scan3A_4 step %scan3A_5  : i32 {
      %swap3A = arith.index_cast %scan3A_57 : i32 to index
      %swap3A_58 = arith.constant 0 : index
      %swap3A_59 = tpu.vector_load %arg7[%swap3A, %swap3A_58] {strides = array<i32>} : memref<128x128xf32, #tpu.memory_space<vmem>>, vector<1x16xf32>,
      %swap3A_60 = vector.shape_cast %swap3A_59 : vector<1x16xf32> to vector<16xf32>
      %swap3A_61 = vector.shape_cast %broadcast_in_dim3A_1 : vector<16xf32> to vector<1x16xf32>
      tpu.vector_store %arg7[%swap3A, %swap3A_58], %swap3A_61 {strides = array<i32>} : memref<128x128xf32, #tpu.memory_space<vmem>>, vector<1x16xf32>,
      %swap3A_62 = arith.index_cast %scan3A_57 : i32 to index
      %swap3A_63 = arith.constant 16 : index
      %swap3A_64 = tpu.vector_load %arg7[%swap3A_62, %swap3A_63] {strides = array<i32>} : memref<128x128xf32, #tpu.memory_space<vmem>>, vector<1x16xf32>,
      %swap3A_65 = vector.shape_cast %swap3A_64 : vector<1x16xf32> to vector<16xf32>
      %swap3A_66 = vector.shape_cast %broadcast_in_dim3A_1 : vector<16xf32> to vector<1x16xf32>
      tpu.vector_store %arg7[%swap3A_62, %swap3A_63], %swap3A_66 {strides = array<i32>} : memref<128x128xf32, #tpu.memory_space<vmem>>, vector<1x16xf32>,
      %swap3A_67 = arith.index_cast %scan3A_57 : i32 to index
      %swap3A_68 = arith.constant 32 : index
      %swap3A_69 = tpu.vector_load %arg7[%swap3A_67, %swap3A_68] {strides = array<i32>} : memref<128x128xf32, #tpu.memory_space<vmem>>, vector<1x16xf32>,
      %swap3A_70 = vector.shape_cast %swap3A_69 : vector<1x16xf32> to vector<16xf32>
      %swap3A_71 = vector.shape_cast %broadcast_in_dim3A_1 : vector<16xf32> to vector<1x16xf32>
      tpu.vector_store %arg7[%swap3A_67, %swap3A_68], %swap3A_71 {strides = array<i32>} : memref<128x128xf32, #tpu.memory_space<vmem>>, vector<1x16xf32>,
      %swap3A_72 = arith.index_cast %scan3A_57 : i32 to index
      %swap3A_73 = arith.constant 48 : index
      %swap3A_74 = tpu.vector_load %arg7[%swap3A_72, %swap3A_73] {strides = array<i32>} : memref<128x128xf32, #tpu.memory_space<vmem>>, vector<1x16xf32>,
      %swap3A_75 = vector.shape_cast %swap3A_74 : vector<1x16xf32> to vector<16xf32>
      %swap3A_76 = vector.shape_cast %broadcast_in_dim3A_1 : vector<16xf32> to vector<1x16xf32>
      tpu.vector_store %arg7[%swap3A_72, %swap3A_73], %swap3A_76 {strides = array<i32>} : memref<128x128xf32, #tpu.memory_space<vmem>>, vector<1x16xf32>,
      %swap3A_77 = arith.index_cast %scan3A_57 : i32 to index
      %swap3A_78 = arith.constant 64 : index
      %swap3A_79 = tpu.vector_load %arg7[%swap3A_77, %swap3A_78] {strides = array<i32>} : memref<128x128xf32, #tpu.memory_space<vmem>>, vector<1x16xf32>,
      %swap3A_80 = vector.shape_cast %swap3A_79 : vector<1x16xf32> to vector<16xf32>
      %swap3A_81 = vector.shape_cast %broadcast_in_dim3A_1 : vector<16xf32> to vector<1x16xf32>
      tpu.vector_store %arg7[%swap3A_77, %swap3A_78], %swap3A_81 {strides = array<i32>} : memref<128x128xf32, #tpu.memory_space<vmem>>, vector<1x16xf32>,
      %swap3A_82 = arith.index_cast %scan3A_57 : i32 to index
      %swap3A_83 = arith.constant 80 : index
      %swap3A_84 = tpu.vector_load %arg7[%swap3A_82, %swap3A_83] {strides = array<i32>} : memref<128x128xf32, #tpu.memory_space<vmem>>, vector<1x16xf32>,
      %swap3A_85 = vector.shape_cast %swap3A_84 : vector<1x16xf32> to vector<16xf32>
      %swap3A_86 = vector.shape_cast %broadcast_in_dim3A_1 : vector<16xf32> to vector<1x16xf32>
      tpu.vector_store %arg7[%swap3A_82, %swap3A_83], %swap3A_86 {strides = array<i32>} : memref<128x128xf32, #tpu.memory_space<vmem>>, vector<1x16xf32>,
      %swap3A_87 = arith.index_cast %scan3A_57 : i32 to index
      %swap3A_88 = arith.constant 96 : index
      %swap3A_89 = tpu.vector_load %arg7[%swap3A_87, %swap3A_88] {strides = array<i32>} : memref<128x128xf32, #tpu.memory_space<vmem>>, vector<1x16xf32>,
      %swap3A_90 = vector.shape_cast %swap3A_89 : vector<1x16xf32> to vector<16xf32>
      %swap3A_91 = vector.shape_cast %broadcast_in_dim3A_1 : vector<16xf32> to vector<1x16xf32>
      tpu.vector_store %arg7[%swap3A_87, %swap3A_88], %swap3A_91 {strides = array<i32>} : memref<128x128xf32, #tpu.memory_space<vmem>>, vector<1x16xf32>,
      %swap3A_92 = arith.index_cast %scan3A_57 : i32 to index
      %swap3A_93 = arith.constant 112 : index
      %swap3A_94 = tpu.vector_load %arg7[%swap3A_92, %swap3A_93] {strides = array<i32>} : memref<128x128xf32, #tpu.memory_space<vmem>>, vector<1x16xf32>,
      %swap3A_95 = vector.shape_cast %swap3A_94 : vector<1x16xf32> to vector<16xf32>
      %swap3A_96 = vector.shape_cast %broadcast_in_dim3A_1 : vector<16xf32> to vector<1x16xf32>
      tpu.vector_store %arg7[%swap3A_92, %swap3A_93], %swap3A_96 {strides = array<i32>} : memref<128x128xf32, #tpu.memory_space<vmem>>, vector<1x16xf32>,
    }
    %scan3A_6 = arith.constant 128 : i32
    %mul3A_7 = arith.constant 640 : i32
    %mul3A_8 = arith.muli %arg1, %mul3A_7 : i32
    %add3A_9 = arith.constant 0 : i32
    %add3A_10 = arith.addi %mul3A_8, %add3A_9 : i32
    "tpu.region"() ({
      %run_scoped3A = tpu.sem_alloc : memref<!tpu.dma_semaphore, #tpu.memory_space<semaphore_mem>>
      %dma_start3A_57 = arith.constant 0 : i32
      %dma_start3A_58 = tpu.memref_slice %arg6[%add3A_10, %dma_start3A_57] : memref<10240x128xf32, #tpu.memory_space<vmem_shared>> -> memref<128x128xf32, #tpu.memory_space<vmem_shared>>
      %dma_start3A_59 = arith.constant 0 : i32
      %dma_start3A_60 = tpu.memref_slice %arg6[%add3A_10, %dma_start3A_59] : memref<10240x128xf32, #tpu.memory_space<vmem_shared>> -> memref<128x128xf32, #tpu.memory_space<vmem_shared>>
      tpu.enqueue_dma source(%arg7 : memref<128x128xf32, #tpu.memory_space<vmem>>) target(%dma_start3A_60 : memref<128x128xf32, #tpu.memory_space<vmem_shared>>) target_semaphore(%run_scoped3A : memref<!tpu.dma_semaphore, #tpu.memory_space<semaphore_mem>>)
      %dma_wait3A_61 = arith.constant 0 : i32
      %dma_wait3A_62 = tpu.memref_slice %arg6[%add3A_10, %dma_wait3A_61] : memref<10240x128xf32, #tpu.memory_space<vmem_shared>> -> memref<128x128xf32, #tpu.memory_space<vmem_shared>>
      %dma_wait3A_63 = arith.constant 0 : i32
      %dma_wait3A_64 = tpu.memref_slice %arg6[%add3A_10, %dma_wait3A_63] : memref<10240x128xf32, #tpu.memory_space<vmem_shared>> -> memref<128x128xf32, #tpu.memory_space<vmem_shared>>
      tpu.wait_dma2 semaphore(%run_scoped3A : memref<!tpu.dma_semaphore, #tpu.memory_space<semaphore_mem>>) src(%arg7 : memref<128x128xf32, #tpu.memory_space<vmem>>) dst(%dma_wait3A_64 : memref<128x128xf32, #tpu.memory_space<vmem_shared>>)
      tpu.yield
    }) : () -> ()
    %add3A_11 = arith.constant 128 : i32
    %add3A_12 = arith.addi %mul3A_8, %add3A_11 : i32
    "tpu.region"() ({
      %run_scoped3A = tpu.sem_alloc : memref<!tpu.dma_semaphore, #tpu.memory_space<semaphore_mem>>
      %dma_start3A_57 = arith.constant 0 : i32
      %dma_start3A_58 = tpu.memref_slice %arg6[%add3A_12, %dma_start3A_57] : memref<10240x128xf32, #tpu.memory_space<vmem_shared>> -> memref<128x128xf32, #tpu.memory_space<vmem_shared>>
      %dma_start3A_59 = arith.constant 0 : i32
      %dma_start3A_60 = tpu.memref_slice %arg6[%add3A_12, %dma_start3A_59] : memref<10240x128xf32, #tpu.memory_space<vmem_shared>> -> memref<128x128xf32, #tpu.memory_space<vmem_shared>>
      tpu.enqueue_dma source(%arg7 : memref<128x128xf32, #tpu.memory_space<vmem>>) target(%dma_start3A_60 : memref<128x128xf32, #tpu.memory_space<vmem_shared>>) target_semaphore(%run_scoped3A : memref<!tpu.dma_semaphore, #tpu.memory_space<semaphore_mem>>)
      %dma_wait3A_61 = arith.constant 0 : i32
      %dma_wait3A_62 = tpu.memref_slice %arg6[%add3A_12, %dma_wait3A_61] : memref<10240x128xf32, #tpu.memory_space<vmem_shared>> -> memref<128x128xf32, #tpu.memory_space<vmem_shared>>
      %dma_wait3A_63 = arith.constant 0 : i32
      %dma_wait3A_64 = tpu.memref_slice %arg6[%add3A_12, %dma_wait3A_63] : memref<10240x128xf32, #tpu.memory_space<vmem_shared>> -> memref<128x128xf32, #tpu.memory_space<vmem_shared>>
      tpu.wait_dma2 semaphore(%run_scoped3A : memref<!tpu.dma_semaphore, #tpu.memory_space<semaphore_mem>>) src(%arg7 : memref<128x128xf32, #tpu.memory_space<vmem>>) dst(%dma_wait3A_64 : memref<128x128xf32, #tpu.memory_space<vmem_shared>>)
      tpu.yield
    }) : () -> ()
    %add3A_13 = arith.constant 256 : i32
    %add3A_14 = arith.addi %mul3A_8, %add3A_13 : i32
    "tpu.region"() ({
      %run_scoped3A = tpu.sem_alloc : memref<!tpu.dma_semaphore, #tpu.memory_space<semaphore_mem>>
      %dma_start3A_57 = arith.constant 0 : i32
      %dma_start3A_58 = tpu.memref_slice %arg6[%add3A_14, %dma_start3A_57] : memref<10240x128xf32, #tpu.memory_space<vmem_shared>> -> memref<128x128xf32, #tpu.memory_space<vmem_shared>>
      %dma_start3A_59 = arith.constant 0 : i32
      %dma_start3A_60 = tpu.memref_slice %arg6[%add3A_14, %dma_start3A_59] : memref<10240x128xf32, #tpu.memory_space<vmem_shared>> -> memref<128x128xf32, #tpu.memory_space<vmem_shared>>
      tpu.enqueue_dma source(%arg7 : memref<128x128xf32, #tpu.memory_space<vmem>>) target(%dma_start3A_60 : memref<128x128xf32, #tpu.memory_space<vmem_shared>>) target_semaphore(%run_scoped3A : memref<!tpu.dma_semaphore, #tpu.memory_space<semaphore_mem>>)
      %dma_wait3A_61 = arith.constant 0 : i32
      %dma_wait3A_62 = tpu.memref_slice %arg6[%add3A_14, %dma_wait3A_61] : memref<10240x128xf32, #tpu.memory_space<vmem_shared>> -> memref<128x128xf32, #tpu.memory_space<vmem_shared>>
      %dma_wait3A_63 = arith.constant 0 : i32
      %dma_wait3A_64 = tpu.memref_slice %arg6[%add3A_14, %dma_wait3A_63] : memref<10240x128xf32, #tpu.memory_space<vmem_shared>> -> memref<128x128xf32, #tpu.memory_space<vmem_shared>>
      tpu.wait_dma2 semaphore(%run_scoped3A : memref<!tpu.dma_semaphore, #tpu.memory_space<semaphore_mem>>) src(%arg7 : memref<128x128xf32, #tpu.memory_space<vmem>>) dst(%dma_wait3A_64 : memref<128x128xf32, #tpu.memory_space<vmem_shared>>)
      tpu.yield
    }) : () -> ()
    %add3A_15 = arith.constant 384 : i32
    %add3A_16 = arith.addi %mul3A_8, %add3A_15 : i32
    "tpu.region"() ({
      %run_scoped3A = tpu.sem_alloc : memref<!tpu.dma_semaphore, #tpu.memory_space<semaphore_mem>>
      %dma_start3A_57 = arith.constant 0 : i32
      %dma_start3A_58 = tpu.memref_slice %arg6[%add3A_16, %dma_start3A_57] : memref<10240x128xf32, #tpu.memory_space<vmem_shared>> -> memref<128x128xf32, #tpu.memory_space<vmem_shared>>
      %dma_start3A_59 = arith.constant 0 : i32
      %dma_start3A_60 = tpu.memref_slice %arg6[%add3A_16, %dma_start3A_59] : memref<10240x128xf32, #tpu.memory_space<vmem_shared>> -> memref<128x128xf32, #tpu.memory_space<vmem_shared>>
      tpu.enqueue_dma source(%arg7 : memref<128x128xf32, #tpu.memory_space<vmem>>) target(%dma_start3A_60 : memref<128x128xf32, #tpu.memory_space<vmem_shared>>) target_semaphore(%run_scoped3A : memref<!tpu.dma_semaphore, #tpu.memory_space<semaphore_mem>>)
      %dma_wait3A_61 = arith.constant 0 : i32
      %dma_wait3A_62 = tpu.memref_slice %arg6[%add3A_16, %dma_wait3A_61] : memref<10240x128xf32, #tpu.memory_space<vmem_shared>> -> memref<128x128xf32, #tpu.memory_space<vmem_shared>>
      %dma_wait3A_63 = arith.constant 0 : i32
      %dma_wait3A_64 = tpu.memref_slice %arg6[%add3A_16, %dma_wait3A_63] : memref<10240x128xf32, #tpu.memory_space<vmem_shared>> -> memref<128x128xf32, #tpu.memory_space<vmem_shared>>
      tpu.wait_dma2 semaphore(%run_scoped3A : memref<!tpu.dma_semaphore, #tpu.memory_space<semaphore_mem>>) src(%arg7 : memref<128x128xf32, #tpu.memory_space<vmem>>) dst(%dma_wait3A_64 : memref<128x128xf32, #tpu.memory_space<vmem_shared>>)
      tpu.yield
    }) : () -> ()
    %add3A_17 = arith.constant 512 : i32
    %add3A_18 = arith.addi %mul3A_8, %add3A_17 : i32
    "tpu.region"() ({
      %run_scoped3A = tpu.sem_alloc : memref<!tpu.dma_semaphore, #tpu.memory_space<semaphore_mem>>
      %dma_start3A_57 = arith.constant 0 : i32
      %dma_start3A_58 = tpu.memref_slice %arg6[%add3A_18, %dma_start3A_57] : memref<10240x128xf32, #tpu.memory_space<vmem_shared>> -> memref<128x128xf32, #tpu.memory_space<vmem_shared>>
      %dma_start3A_59 = arith.constant 0 : i32
      %dma_start3A_60 = tpu.memref_slice %arg6[%add3A_18, %dma_start3A_59] : memref<10240x128xf32, #tpu.memory_space<vmem_shared>> -> memref<128x128xf32, #tpu.memory_space<vmem_shared>>
      tpu.enqueue_dma source(%arg7 : memref<128x128xf32, #tpu.memory_space<vmem>>) target(%dma_start3A_60 : memref<128x128xf32, #tpu.memory_space<vmem_shared>>) target_semaphore(%run_scoped3A : memref<!tpu.dma_semaphore, #tpu.memory_space<semaphore_mem>>)
      %dma_wait3A_61 = arith.constant 0 : i32
      %dma_wait3A_62 = tpu.memref_slice %arg6[%add3A_18, %dma_wait3A_61] : memref<10240x128xf32, #tpu.memory_space<vmem_shared>> -> memref<128x128xf32, #tpu.memory_space<vmem_shared>>
      %dma_wait3A_63 = arith.constant 0 : i32
      %dma_wait3A_64 = tpu.memref_slice %arg6[%add3A_18, %dma_wait3A_63] : memref<10240x128xf32, #tpu.memory_space<vmem_shared>> -> memref<128x128xf32, #tpu.memory_space<vmem_shared>>
      tpu.wait_dma2 semaphore(%run_scoped3A : memref<!tpu.dma_semaphore, #tpu.memory_space<semaphore_mem>>) src(%arg7 : memref<128x128xf32, #tpu.memory_space<vmem>>) dst(%dma_wait3A_64 : memref<128x128xf32, #tpu.memory_space<vmem_shared>>)
      tpu.yield
    }) : () -> ()
    %barrier3A = arith.constant 0 : index
    tpu.barrier barrier_id(%barrier3A)
    %mul3A_19 = arith.constant 10240 : i32
    %mul3A_20 = arith.muli %add3A, %mul3A_19 : i32
    "tpu.region"() ({
      %run_scoped3A = tpu.sem_alloc : memref<!tpu.dma_semaphore, #tpu.memory_space<semaphore_mem>>
      %dma_start3A_57 = tpu.memref_slice %arg3[%mul3A_20] : memref<327680xi32, #tpu.memory_space<hbm>> -> memref<128xi32, #tpu.memory_space<hbm>>
      %dma_start3A_58 = tpu.memref_slice %arg3[%mul3A_20] : memref<327680xi32, #tpu.memory_space<hbm>> -> memref<128xi32, #tpu.memory_space<hbm>>
      tpu.enqueue_dma source(%dma_start3A_58 : memref<128xi32, #tpu.memory_space<hbm>>) target(%arg9 : memref<128xi32, #tpu.memory_space<vmem>>) target_semaphore(%run_scoped3A : memref<!tpu.dma_semaphore, #tpu.memory_space<semaphore_mem>>)
      %dma_wait3A_59 = tpu.memref_slice %arg3[%mul3A_20] : memref<327680xi32, #tpu.memory_space<hbm>> -> memref<128xi32, #tpu.memory_space<hbm>>
      %dma_wait3A_60 = tpu.memref_slice %arg3[%mul3A_20] : memref<327680xi32, #tpu.memory_space<hbm>> -> memref<128xi32, #tpu.memory_space<hbm>>
      tpu.wait_dma2 semaphore(%run_scoped3A : memref<!tpu.dma_semaphore, #tpu.memory_space<semaphore_mem>>) src(%dma_wait3A_60 : memref<128xi32, #tpu.memory_space<hbm>>) dst(%arg9 : memref<128xi32, #tpu.memory_space<vmem>>)
      tpu.yield
    }) : () -> ()
    "tpu.region"() ({
      %run_scoped3A = tpu.sem_alloc : memref<!tpu.dma_semaphore, #tpu.memory_space<semaphore_mem>>
      %dma_start3A_57 = tpu.memref_slice %arg4[%mul3A_20] : memref<327680xi32, #tpu.memory_space<hbm>> -> memref<128xi32, #tpu.memory_space<hbm>>
      %dma_start3A_58 = tpu.memref_slice %arg4[%mul3A_20] : memref<327680xi32, #tpu.memory_space<hbm>> -> memref<128xi32, #tpu.memory_space<hbm>>
      tpu.enqueue_dma source(%dma_start3A_58 : memref<128xi32, #tpu.memory_space<hbm>>) target(%arg10 : memref<128xi32, #tpu.memory_space<vmem>>) target_semaphore(%run_scoped3A : memref<!tpu.dma_semaphore, #tpu.memory_space<semaphore_mem>>)
      %dma_wait3A_59 = tpu.memref_slice %arg4[%mul3A_20] : memref<327680xi32, #tpu.memory_space<hbm>> -> memref<128xi32, #tpu.memory_space<hbm>>
      %dma_wait3A_60 = tpu.memref_slice %arg4[%mul3A_20] : memref<327680xi32, #tpu.memory_space<hbm>> -> memref<128xi32, #tpu.memory_space<hbm>>
      tpu.wait_dma2 semaphore(%run_scoped3A : memref<!tpu.dma_semaphore, #tpu.memory_space<semaphore_mem>>) src(%dma_wait3A_60 : memref<128xi32, #tpu.memory_space<hbm>>) dst(%arg10 : memref<128xi32, #tpu.memory_space<vmem>>)
      tpu.yield
    }) : () -> ()
    %dma_start3A = arith.constant 0 : i32
    %dma_start3A_21 = arith.constant 0 : i32
    %dma_start3A_22 = tpu.memref_slice %arg2[%dma_start3A, %dma_start3A_21] : memref<10000x128xf32, #tpu.memory_space<hbm>> -> memref<10000x128xf32, #tpu.memory_space<hbm>>
    tpu.enqueue_indirect_dma source(%dma_start3A_22 : memref<10000x128xf32, #tpu.memory_space<hbm>>) target(%arg7 : memref<128x128xf32, #tpu.memory_space<vmem>>) offsets(%arg9 : memref<128xi32, #tpu.memory_space<vmem>>) semaphore(%arg13 : memref<!tpu.dma_semaphore, #tpu.memory_space<semaphore_mem>>)
    %scan3A_23 = arith.constant 0 : i32
    %scan3A_24 = arith.constant 0 : i32
    %scan3A_25 = arith.constant 40 : i32
    %scan3A_26 = arith.addi %scan3A_24, %scan3A_25 : i32
    %scan3A_27 = arith.constant 1 : i32
    scf.for %scan3A_57 = %scan3A_24 to %scan3A_26 step %scan3A_27  : i32 {
      %mul3A_58 = arith.constant 2 : i32
      %mul3A_59 = arith.muli %mul3A_58, %scan3A_57 : i32
      %add3A_60 = arith.constant 1 : i32
      %add3A_61 = arith.addi %mul3A_59, %add3A_60 : i32
      %mul3A_62 = arith.constant 128 : i32
      %mul3A_63 = arith.muli %add3A_61, %mul3A_62 : i32
      %add3A_64 = arith.addi %mul3A_20, %mul3A_63 : i32
      %dma_start3A_65 = tpu.memref_slice %arg3[%add3A_64] : memref<327680xi32, #tpu.memory_space<hbm>> -> memref<128xi32, #tpu.memory_space<hbm>>
      %dma_start3A_66 = tpu.memref_slice %arg3[%add3A_64] : memref<327680xi32, #tpu.memory_space<hbm>> -> memref<128xi32, #tpu.memory_space<hbm>>
      tpu.enqueue_dma source(%dma_start3A_66 : memref<128xi32, #tpu.memory_space<hbm>>) target(%arg11 : memref<128xi32, #tpu.memory_space<vmem>>) target_semaphore(%arg16 : memref<!tpu.dma_semaphore, #tpu.memory_space<semaphore_mem>>)
      %dma_start3A_67 = tpu.memref_slice %arg4[%add3A_64] : memref<327680xi32, #tpu.memory_space<hbm>> -> memref<128xi32, #tpu.memory_space<hbm>>
      %dma_start3A_68 = tpu.memref_slice %arg4[%add3A_64] : memref<327680xi32, #tpu.memory_space<hbm>> -> memref<128xi32, #tpu.memory_space<hbm>>
      tpu.enqueue_dma source(%dma_start3A_68 : memref<128xi32, #tpu.memory_space<hbm>>) target(%arg12 : memref<128xi32, #tpu.memory_space<vmem>>) target_semaphore(%arg16 : memref<!tpu.dma_semaphore, #tpu.memory_space<semaphore_mem>>)
      %dma_wait3A_69 = arith.constant 0 : i32
      %dma_wait3A_70 = arith.constant 0 : i32
      %dma_wait3A_71 = tpu.memref_slice %arg2[%dma_wait3A_69, %dma_wait3A_70] : memref<10000x128xf32, #tpu.memory_space<hbm>> -> memref<10000x128xf32, #tpu.memory_space<hbm>>
      tpu.wait_indirect_dma semaphore(%arg13 : memref<!tpu.dma_semaphore, #tpu.memory_space<semaphore_mem>>) src(%dma_wait3A_71 : memref<10000x128xf32, #tpu.memory_space<hbm>>) dst(%arg7 : memref<128x128xf32, #tpu.memory_space<vmem>>)
      %dma_wait3A_72 = tpu.memref_slice %arg3[%mul3A_20] : memref<327680xi32, #tpu.memory_space<hbm>> -> memref<128xi32, #tpu.memory_space<hbm>>
      %dma_wait3A_73 = tpu.memref_slice %arg3[%mul3A_20] : memref<327680xi32, #tpu.memory_space<hbm>> -> memref<128xi32, #tpu.memory_space<hbm>>
      tpu.wait_dma2 semaphore(%arg16 : memref<!tpu.dma_semaphore, #tpu.memory_space<semaphore_mem>>) src(%dma_wait3A_73 : memref<128xi32, #tpu.memory_space<hbm>>) dst(%arg11 : memref<128xi32, #tpu.memory_space<vmem>>)
      %dma_wait3A_74 = tpu.memref_slice %arg4[%mul3A_20] : memref<327680xi32, #tpu.memory_space<hbm>> -> memref<128xi32, #tpu.memory_space<hbm>>
      %dma_wait3A_75 = tpu.memref_slice %arg4[%mul3A_20] : memref<327680xi32, #tpu.memory_space<hbm>> -> memref<128xi32, #tpu.memory_space<hbm>>
      tpu.wait_dma2 semaphore(%arg16 : memref<!tpu.dma_semaphore, #tpu.memory_space<semaphore_mem>>) src(%dma_wait3A_75 : memref<128xi32, #tpu.memory_space<hbm>>) dst(%arg12 : memref<128xi32, #tpu.memory_space<vmem>>)
      %dma_start3A_76 = arith.constant 0 : i32
      %dma_start3A_77 = arith.constant 0 : i32
      %dma_start3A_78 = tpu.memref_slice %arg2[%dma_start3A_76, %dma_start3A_77] : memref<10000x128xf32, #tpu.memory_space<hbm>> -> memref<10000x128xf32, #tpu.memory_space<hbm>>
      tpu.enqueue_indirect_dma source(%dma_start3A_78 : memref<10000x128xf32, #tpu.memory_space<hbm>>) target(%arg8 : memref<128x128xf32, #tpu.memory_space<vmem>>) offsets(%arg11 : memref<128xi32, #tpu.memory_space<vmem>>) semaphore(%arg14 : memref<!tpu.dma_semaphore, #tpu.memory_space<semaphore_mem>>)
      "tpu.region"() ({
        %run_scoped3A = tpu.sem_alloc : memref<!tpu.dma_semaphore, #tpu.memory_space<semaphore_mem>>
        %dma_start3A_107 = arith.constant 0 : i32
        %dma_start3A_108 = arith.constant 0 : i32
        %dma_start3A_109 = tpu.memref_slice %arg6[%dma_start3A_107, %dma_start3A_108] : memref<10240x128xf32, #tpu.memory_space<vmem_shared>> -> memref<10240x128xf32, #tpu.memory_space<vmem_shared>>
        tpu.enqueue_indirect_dma source(%arg7 : memref<128x128xf32, #tpu.memory_space<vmem>>) target(%dma_start3A_109 : memref<10240x128xf32, #tpu.memory_space<vmem_shared>>) offsets(%arg10 : memref<128xi32, #tpu.memory_space<vmem>>) semaphore(%run_scoped3A : memref<!tpu.dma_semaphore, #tpu.memory_space<semaphore_mem>>) {add = true}
        %dma_wait3A_110 = arith.constant 0 : i32
        %dma_wait3A_111 = arith.constant 0 : i32
        %dma_wait3A_112 = tpu.memref_slice %arg6[%dma_wait3A_110, %dma_wait3A_111] : memref<10240x128xf32, #tpu.memory_space<vmem_shared>> -> memref<10240x128xf32, #tpu.memory_space<vmem_shared>>
        tpu.wait_indirect_dma semaphore(%run_scoped3A : memref<!tpu.dma_semaphore, #tpu.memory_space<semaphore_mem>>) src(%arg7 : memref<128x128xf32, #tpu.memory_space<vmem>>) dst(%dma_wait3A_112 : memref<10240x128xf32, #tpu.memory_space<vmem_shared>>)
        tpu.yield
      }) : () -> ()
      %add3A_79 = arith.constant 2 : i32
      %add3A_80 = arith.addi %mul3A_59, %add3A_79 : i32
      %jit3A = arith.constant 80 : i32
      %eq3A = arith.constant 0 : i32
      %eq3A_81 = arith.cmpi eq, %jit3A, %eq3A : i32
      %jit3A_82 = arith.constant 1 : i32
      %select_n3A = arith.select %eq3A_81, %jit3A_82, %jit3A : i32
      %rem3A = arith.remsi %add3A_80, %select_n3A : i32
      %ne3A = arith.constant 0 : i32
      %ne3A_83 = arith.cmpi ne, %rem3A, %ne3A : i32
      %lt3A = arith.constant 0 : i32
      %lt3A_84 = arith.cmpi slt, %rem3A, %lt3A : i32
      %lt3A_85 = arith.constant 0 : i32
      %lt3A_86 = arith.cmpi slt, %select_n3A, %lt3A_85 : i32
      %ne3A_87 = arith.xori %lt3A_84, %lt3A_86 : i1
      %and3A = arith.andi %ne3A_87, %ne3A_83 : i1
      %add3A_88 = arith.addi %rem3A, %select_n3A : i32
      %select_n3A_89 = arith.select %and3A, %add3A_88, %rem3A : i32
      %mul3A_90 = arith.constant 128 : i32
      %mul3A_91 = arith.muli %select_n3A_89, %mul3A_90 : i32
      %add3A_92 = arith.addi %mul3A_20, %mul3A_91 : i32
      %dma_start3A_93 = tpu.memref_slice %arg3[%add3A_92] : memref<327680xi32, #tpu.memory_space<hbm>> -> memref<128xi32, #tpu.memory_space<hbm>>
      %dma_start3A_94 = tpu.memref_slice %arg3[%add3A_92] : memref<327680xi32, #tpu.memory_space<hbm>> -> memref<128xi32, #tpu.memory_space<hbm>>
      tpu.enqueue_dma source(%dma_start3A_94 : memref<128xi32, #tpu.memory_space<hbm>>) target(%arg9 : memref<128xi32, #tpu.memory_space<vmem>>) target_semaphore(%arg15 : memref<!tpu.dma_semaphore, #tpu.memory_space<semaphore_mem>>)
      %dma_start3A_95 = tpu.memref_slice %arg4[%add3A_92] : memref<327680xi32, #tpu.memory_space<hbm>> -> memref<128xi32, #tpu.memory_space<hbm>>
      %dma_start3A_96 = tpu.memref_slice %arg4[%add3A_92] : memref<327680xi32, #tpu.memory_space<hbm>> -> memref<128xi32, #tpu.memory_space<hbm>>
      tpu.enqueue_dma source(%dma_start3A_96 : memref<128xi32, #tpu.memory_space<hbm>>) target(%arg10 : memref<128xi32, #tpu.memory_space<vmem>>) target_semaphore(%arg15 : memref<!tpu.dma_semaphore, #tpu.memory_space<semaphore_mem>>)
      %dma_wait3A_97 = arith.constant 0 : i32
      %dma_wait3A_98 = arith.constant 0 : i32
      %dma_wait3A_99 = tpu.memref_slice %arg2[%dma_wait3A_97, %dma_wait3A_98] : memref<10000x128xf32, #tpu.memory_space<hbm>> -> memref<10000x128xf32, #tpu.memory_space<hbm>>
      tpu.wait_indirect_dma semaphore(%arg14 : memref<!tpu.dma_semaphore, #tpu.memory_space<semaphore_mem>>) src(%dma_wait3A_99 : memref<10000x128xf32, #tpu.memory_space<hbm>>) dst(%arg8 : memref<128x128xf32, #tpu.memory_space<vmem>>)
      %dma_wait3A_100 = tpu.memref_slice %arg3[%mul3A_20] : memref<327680xi32, #tpu.memory_space<hbm>> -> memref<128xi32, #tpu.memory_space<hbm>>
      %dma_wait3A_101 = tpu.memref_slice %arg3[%mul3A_20] : memref<327680xi32, #tpu.memory_space<hbm>> -> memref<128xi32, #tpu.memory_space<hbm>>
      tpu.wait_dma2 semaphore(%arg15 : memref<!tpu.dma_semaphore, #tpu.memory_space<semaphore_mem>>) src(%dma_wait3A_101 : memref<128xi32, #tpu.memory_space<hbm>>) dst(%arg9 : memref<128xi32, #tpu.memory_space<vmem>>)
      %dma_wait3A_102 = tpu.memref_slice %arg4[%mul3A_20] : memref<327680xi32, #tpu.memory_space<hbm>> -> memref<128xi32, #tpu.memory_space<hbm>>
      %dma_wait3A_103 = tpu.memref_slice %arg4[%mul3A_20] : memref<327680xi32, #tpu.memory_space<hbm>> -> memref<128xi32, #tpu.memory_space<hbm>>
      tpu.wait_dma2 semaphore(%arg15 : memref<!tpu.dma_semaphore, #tpu.memory_space<semaphore_mem>>) src(%dma_wait3A_103 : memref<128xi32, #tpu.memory_space<hbm>>) dst(%arg10 : memref<128xi32, #tpu.memory_space<vmem>>)
      %dma_start3A_104 = arith.constant 0 : i32
      %dma_start3A_105 = arith.constant 0 : i32
      %dma_start3A_106 = tpu.memref_slice %arg2[%dma_start3A_104, %dma_start3A_105] : memref<10000x128xf32, #tpu.memory_space<hbm>> -> memref<10000x128xf32, #tpu.memory_space<hbm>>
      tpu.enqueue_indirect_dma source(%dma_start3A_106 : memref<10000x128xf32, #tpu.memory_space<hbm>>) target(%arg7 : memref<128x128xf32, #tpu.memory_space<vmem>>) offsets(%arg9 : memref<128xi32, #tpu.memory_space<vmem>>) semaphore(%arg13 : memref<!tpu.dma_semaphore, #tpu.memory_space<semaphore_mem>>)
      "tpu.region"() ({
        %run_scoped3A = tpu.sem_alloc : memref<!tpu.dma_semaphore, #tpu.memory_space<semaphore_mem>>
        %dma_start3A_107 = arith.constant 0 : i32
        %dma_start3A_108 = arith.constant 0 : i32
        %dma_start3A_109 = tpu.memref_slice %arg6[%dma_start3A_107, %dma_start3A_108] : memref<10240x128xf32, #tpu.memory_space<vmem_shared>> -> memref<10240x128xf32, #tpu.memory_space<vmem_shared>>
        tpu.enqueue_indirect_dma source(%arg8 : memref<128x128xf32, #tpu.memory_space<vmem>>) target(%dma_start3A_109 : memref<10240x128xf32, #tpu.memory_space<vmem_shared>>) offsets(%arg12 : memref<128xi32, #tpu.memory_space<vmem>>) semaphore(%run_scoped3A : memref<!tpu.dma_semaphore, #tpu.memory_space<semaphore_mem>>) {add = true}
        %dma_wait3A_110 = arith.constant 0 : i32
        %dma_wait3A_111 = arith.constant 0 : i32
        %dma_wait3A_112 = tpu.memref_slice %arg6[%dma_wait3A_110, %dma_wait3A_111] : memref<10240x128xf32, #tpu.memory_space<vmem_shared>> -> memref<10240x128xf32, #tpu.memory_space<vmem_shared>>
        tpu.wait_indirect_dma semaphore(%run_scoped3A : memref<!tpu.dma_semaphore, #tpu.memory_space<semaphore_mem>>) src(%arg8 : memref<128x128xf32, #tpu.memory_space<vmem>>) dst(%dma_wait3A_112 : memref<10240x128xf32, #tpu.memory_space<vmem_shared>>)
        tpu.yield
      }) : () -> ()
    }
    %scan3A_28 = arith.constant 40 : i32
    %dma_wait3A = arith.constant 0 : i32
    %dma_wait3A_29 = arith.constant 0 : i32
    %dma_wait3A_30 = tpu.memref_slice %arg2[%dma_wait3A, %dma_wait3A_29] : memref<10000x128xf32, #tpu.memory_space<hbm>> -> memref<10000x128xf32, #tpu.memory_space<hbm>>
    tpu.wait_indirect_dma semaphore(%arg13 : memref<!tpu.dma_semaphore, #tpu.memory_space<semaphore_mem>>) src(%dma_wait3A_30 : memref<10000x128xf32, #tpu.memory_space<hbm>>) dst(%arg7 : memref<128x128xf32, #tpu.memory_space<vmem>>)
    %barrier3A_31 = arith.constant 0 : index
    tpu.barrier barrier_id(%barrier3A_31)
    %add3A_32 = arith.constant 0 : i32
    %add3A_33 = arith.addi %mul3A_8, %add3A_32 : i32
    "tpu.region"() ({
      %run_scoped3A = tpu.sem_alloc : memref<!tpu.dma_semaphore, #tpu.memory_space<semaphore_mem>>
      %dma_start3A_57 = arith.constant 0 : i32
      %dma_start3A_58 = tpu.memref_slice %arg6[%add3A_33, %dma_start3A_57] : memref<10240x128xf32, #tpu.memory_space<vmem_shared>> -> memref<128x128xf32, #tpu.memory_space<vmem_shared>>
      %dma_start3A_59 = arith.constant 0 : i32
      %dma_start3A_60 = tpu.memref_slice %arg6[%add3A_33, %dma_start3A_59] : memref<10240x128xf32, #tpu.memory_space<vmem_shared>> -> memref<128x128xf32, #tpu.memory_space<vmem_shared>>
      tpu.enqueue_dma source(%dma_start3A_60 : memref<128x128xf32, #tpu.memory_space<vmem_shared>>) target(%arg7 : memref<128x128xf32, #tpu.memory_space<vmem>>) target_semaphore(%run_scoped3A : memref<!tpu.dma_semaphore, #tpu.memory_space<semaphore_mem>>)
      %dma_wait3A_61 = arith.constant 0 : i32
      %dma_wait3A_62 = tpu.memref_slice %arg6[%add3A_33, %dma_wait3A_61] : memref<10240x128xf32, #tpu.memory_space<vmem_shared>> -> memref<128x128xf32, #tpu.memory_space<vmem_shared>>
      %dma_wait3A_63 = arith.constant 0 : i32
      %dma_wait3A_64 = tpu.memref_slice %arg6[%add3A_33, %dma_wait3A_63] : memref<10240x128xf32, #tpu.memory_space<vmem_shared>> -> memref<128x128xf32, #tpu.memory_space<vmem_shared>>
      tpu.wait_dma2 semaphore(%run_scoped3A : memref<!tpu.dma_semaphore, #tpu.memory_space<semaphore_mem>>) src(%dma_wait3A_64 : memref<128x128xf32, #tpu.memory_space<vmem_shared>>) dst(%arg7 : memref<128x128xf32, #tpu.memory_space<vmem>>)
      tpu.yield
    }) : () -> ()
    %mul3A_34 = arith.constant 10240 : i32
    %mul3A_35 = arith.muli %arg0, %mul3A_34 : i32
    %add3A_36 = arith.addi %mul3A_35, %add3A_33 : i32
    "tpu.region"() ({
      %run_scoped3A = tpu.sem_alloc : memref<!tpu.dma_semaphore, #tpu.memory_space<semaphore_mem>>
      %dma_start3A_57 = arith.constant 0 : i32
      %dma_start3A_58 = tpu.memref_slice %arg5[%add3A_36, %dma_start3A_57] : memref<20480x128xf32, #tpu.memory_space<hbm>> -> memref<128x128xf32, #tpu.memory_space<hbm>>
      %dma_start3A_59 = arith.constant 0 : i32
      %dma_start3A_60 = tpu.memref_slice %arg5[%add3A_36, %dma_start3A_59] : memref<20480x128xf32, #tpu.memory_space<hbm>> -> memref<128x128xf32, #tpu.memory_space<hbm>>
      tpu.enqueue_dma source(%arg7 : memref<128x128xf32, #tpu.memory_space<vmem>>) target(%dma_start3A_60 : memref<128x128xf32, #tpu.memory_space<hbm>>) target_semaphore(%run_scoped3A : memref<!tpu.dma_semaphore, #tpu.memory_space<semaphore_mem>>)
      %dma_wait3A_61 = arith.constant 0 : i32
      %dma_wait3A_62 = tpu.memref_slice %arg5[%add3A_36, %dma_wait3A_61] : memref<20480x128xf32, #tpu.memory_space<hbm>> -> memref<128x128xf32, #tpu.memory_space<hbm>>
      %dma_wait3A_63 = arith.constant 0 : i32
      %dma_wait3A_64 = tpu.memref_slice %arg5[%add3A_36, %dma_wait3A_63] : memref<20480x128xf32, #tpu.memory_space<hbm>> -> memref<128x128xf32, #tpu.memory_space<hbm>>
      tpu.wait_dma2 semaphore(%run_scoped3A : memref<!tpu.dma_semaphore, #tpu.memory_space<semaphore_mem>>) src(%arg7 : memref<128x128xf32, #tpu.memory_space<vmem>>) dst(%dma_wait3A_64 : memref<128x128xf32, #tpu.memory_space<hbm>>)
      tpu.yield
    }) : () -> ()
    %add3A_37 = arith.constant 128 : i32
    %add3A_38 = arith.addi %mul3A_8, %add3A_37 : i32
    "tpu.region"() ({
      %run_scoped3A = tpu.sem_alloc : memref<!tpu.dma_semaphore, #tpu.memory_space<semaphore_mem>>
      %dma_start3A_57 = arith.constant 0 : i32
      %dma_start3A_58 = tpu.memref_slice %arg6[%add3A_38, %dma_start3A_57] : memref<10240x128xf32, #tpu.memory_space<vmem_shared>> -> memref<128x128xf32, #tpu.memory_space<vmem_shared>>
      %dma_start3A_59 = arith.constant 0 : i32
      %dma_start3A_60 = tpu.memref_slice %arg6[%add3A_38, %dma_start3A_59] : memref<10240x128xf32, #tpu.memory_space<vmem_shared>> -> memref<128x128xf32, #tpu.memory_space<vmem_shared>>
      tpu.enqueue_dma source(%dma_start3A_60 : memref<128x128xf32, #tpu.memory_space<vmem_shared>>) target(%arg7 : memref<128x128xf32, #tpu.memory_space<vmem>>) target_semaphore(%run_scoped3A : memref<!tpu.dma_semaphore, #tpu.memory_space<semaphore_mem>>)
      %dma_wait3A_61 = arith.constant 0 : i32
      %dma_wait3A_62 = tpu.memref_slice %arg6[%add3A_38, %dma_wait3A_61] : memref<10240x128xf32, #tpu.memory_space<vmem_shared>> -> memref<128x128xf32, #tpu.memory_space<vmem_shared>>
      %dma_wait3A_63 = arith.constant 0 : i32
      %dma_wait3A_64 = tpu.memref_slice %arg6[%add3A_38, %dma_wait3A_63] : memref<10240x128xf32, #tpu.memory_space<vmem_shared>> -> memref<128x128xf32, #tpu.memory_space<vmem_shared>>
      tpu.wait_dma2 semaphore(%run_scoped3A : memref<!tpu.dma_semaphore, #tpu.memory_space<semaphore_mem>>) src(%dma_wait3A_64 : memref<128x128xf32, #tpu.memory_space<vmem_shared>>) dst(%arg7 : memref<128x128xf32, #tpu.memory_space<vmem>>)
      tpu.yield
    }) : () -> ()
    %mul3A_39 = arith.constant 10240 : i32
    %mul3A_40 = arith.muli %arg0, %mul3A_39 : i32
    %add3A_41 = arith.addi %mul3A_40, %add3A_38 : i32
    "tpu.region"() ({
      %run_scoped3A = tpu.sem_alloc : memref<!tpu.dma_semaphore, #tpu.memory_space<semaphore_mem>>
      %dma_start3A_57 = arith.constant 0 : i32
      %dma_start3A_58 = tpu.memref_slice %arg5[%add3A_41, %dma_start3A_57] : memref<20480x128xf32, #tpu.memory_space<hbm>> -> memref<128x128xf32, #tpu.memory_space<hbm>>
      %dma_start3A_59 = arith.constant 0 : i32
      %dma_start3A_60 = tpu.memref_slice %arg5[%add3A_41, %dma_start3A_59] : memref<20480x128xf32, #tpu.memory_space<hbm>> -> memref<128x128xf32, #tpu.memory_space<hbm>>
      tpu.enqueue_dma source(%arg7 : memref<128x128xf32, #tpu.memory_space<vmem>>) target(%dma_start3A_60 : memref<128x128xf32, #tpu.memory_space<hbm>>) target_semaphore(%run_scoped3A : memref<!tpu.dma_semaphore, #tpu.memory_space<semaphore_mem>>)
      %dma_wait3A_61 = arith.constant 0 : i32
      %dma_wait3A_62 = tpu.memref_slice %arg5[%add3A_41, %dma_wait3A_61] : memref<20480x128xf32, #tpu.memory_space<hbm>> -> memref<128x128xf32, #tpu.memory_space<hbm>>
      %dma_wait3A_63 = arith.constant 0 : i32
      %dma_wait3A_64 = tpu.memref_slice %arg5[%add3A_41, %dma_wait3A_63] : memref<20480x128xf32, #tpu.memory_space<hbm>> -> memref<128x128xf32, #tpu.memory_space<hbm>>
      tpu.wait_dma2 semaphore(%run_scoped3A : memref<!tpu.dma_semaphore, #tpu.memory_space<semaphore_mem>>) src(%arg7 : memref<128x128xf32, #tpu.memory_space<vmem>>) dst(%dma_wait3A_64 : memref<128x128xf32, #tpu.memory_space<hbm>>)
      tpu.yield
    }) : () -> ()
    %add3A_42 = arith.constant 256 : i32
    %add3A_43 = arith.addi %mul3A_8, %add3A_42 : i32
    "tpu.region"() ({
      %run_scoped3A = tpu.sem_alloc : memref<!tpu.dma_semaphore, #tpu.memory_space<semaphore_mem>>
      %dma_start3A_57 = arith.constant 0 : i32
      %dma_start3A_58 = tpu.memref_slice %arg6[%add3A_43, %dma_start3A_57] : memref<10240x128xf32, #tpu.memory_space<vmem_shared>> -> memref<128x128xf32, #tpu.memory_space<vmem_shared>>
      %dma_start3A_59 = arith.constant 0 : i32
      %dma_start3A_60 = tpu.memref_slice %arg6[%add3A_43, %dma_start3A_59] : memref<10240x128xf32, #tpu.memory_space<vmem_shared>> -> memref<128x128xf32, #tpu.memory_space<vmem_shared>>
      tpu.enqueue_dma source(%dma_start3A_60 : memref<128x128xf32, #tpu.memory_space<vmem_shared>>) target(%arg7 : memref<128x128xf32, #tpu.memory_space<vmem>>) target_semaphore(%run_scoped3A : memref<!tpu.dma_semaphore, #tpu.memory_space<semaphore_mem>>)
      %dma_wait3A_61 = arith.constant 0 : i32
      %dma_wait3A_62 = tpu.memref_slice %arg6[%add3A_43, %dma_wait3A_61] : memref<10240x128xf32, #tpu.memory_space<vmem_shared>> -> memref<128x128xf32, #tpu.memory_space<vmem_shared>>
      %dma_wait3A_63 = arith.constant 0 : i32
      %dma_wait3A_64 = tpu.memref_slice %arg6[%add3A_43, %dma_wait3A_63] : memref<10240x128xf32, #tpu.memory_space<vmem_shared>> -> memref<128x128xf32, #tpu.memory_space<vmem_shared>>
      tpu.wait_dma2 semaphore(%run_scoped3A : memref<!tpu.dma_semaphore, #tpu.memory_space<semaphore_mem>>) src(%dma_wait3A_64 : memref<128x128xf32, #tpu.memory_space<vmem_shared>>) dst(%arg7 : memref<128x128xf32, #tpu.memory_space<vmem>>)
      tpu.yield
    }) : () -> ()
    %mul3A_44 = arith.constant 10240 : i32
    %mul3A_45 = arith.muli %arg0, %mul3A_44 : i32
    %add3A_46 = arith.addi %mul3A_45, %add3A_43 : i32
    "tpu.region"() ({
      %run_scoped3A = tpu.sem_alloc : memref<!tpu.dma_semaphore, #tpu.memory_space<semaphore_mem>>
      %dma_start3A_57 = arith.constant 0 : i32
      %dma_start3A_58 = tpu.memref_slice %arg5[%add3A_46, %dma_start3A_57] : memref<20480x128xf32, #tpu.memory_space<hbm>> -> memref<128x128xf32, #tpu.memory_space<hbm>>
      %dma_start3A_59 = arith.constant 0 : i32
      %dma_start3A_60 = tpu.memref_slice %arg5[%add3A_46, %dma_start3A_59] : memref<20480x128xf32, #tpu.memory_space<hbm>> -> memref<128x128xf32, #tpu.memory_space<hbm>>
      tpu.enqueue_dma source(%arg7 : memref<128x128xf32, #tpu.memory_space<vmem>>) target(%dma_start3A_60 : memref<128x128xf32, #tpu.memory_space<hbm>>) target_semaphore(%run_scoped3A : memref<!tpu.dma_semaphore, #tpu.memory_space<semaphore_mem>>)
      %dma_wait3A_61 = arith.constant 0 : i32
      %dma_wait3A_62 = tpu.memref_slice %arg5[%add3A_46, %dma_wait3A_61] : memref<20480x128xf32, #tpu.memory_space<hbm>> -> memref<128x128xf32, #tpu.memory_space<hbm>>
      %dma_wait3A_63 = arith.constant 0 : i32
      %dma_wait3A_64 = tpu.memref_slice %arg5[%add3A_46, %dma_wait3A_63] : memref<20480x128xf32, #tpu.memory_space<hbm>> -> memref<128x128xf32, #tpu.memory_space<hbm>>
      tpu.wait_dma2 semaphore(%run_scoped3A : memref<!tpu.dma_semaphore, #tpu.memory_space<semaphore_mem>>) src(%arg7 : memref<128x128xf32, #tpu.memory_space<vmem>>) dst(%dma_wait3A_64 : memref<128x128xf32, #tpu.memory_space<hbm>>)
      tpu.yield
    }) : () -> ()
    %add3A_47 = arith.constant 384 : i32
    %add3A_48 = arith.addi %mul3A_8, %add3A_47 : i32
    "tpu.region"() ({
      %run_scoped3A = tpu.sem_alloc : memref<!tpu.dma_semaphore, #tpu.memory_space<semaphore_mem>>
      %dma_start3A_57 = arith.constant 0 : i32
      %dma_start3A_58 = tpu.memref_slice %arg6[%add3A_48, %dma_start3A_57] : memref<10240x128xf32, #tpu.memory_space<vmem_shared>> -> memref<128x128xf32, #tpu.memory_space<vmem_shared>>
      %dma_start3A_59 = arith.constant 0 : i32
      %dma_start3A_60 = tpu.memref_slice %arg6[%add3A_48, %dma_start3A_59] : memref<10240x128xf32, #tpu.memory_space<vmem_shared>> -> memref<128x128xf32, #tpu.memory_space<vmem_shared>>
      tpu.enqueue_dma source(%dma_start3A_60 : memref<128x128xf32, #tpu.memory_space<vmem_shared>>) target(%arg7 : memref<128x128xf32, #tpu.memory_space<vmem>>) target_semaphore(%run_scoped3A : memref<!tpu.dma_semaphore, #tpu.memory_space<semaphore_mem>>)
      %dma_wait3A_61 = arith.constant 0 : i32
      %dma_wait3A_62 = tpu.memref_slice %arg6[%add3A_48, %dma_wait3A_61] : memref<10240x128xf32, #tpu.memory_space<vmem_shared>> -> memref<128x128xf32, #tpu.memory_space<vmem_shared>>
      %dma_wait3A_63 = arith.constant 0 : i32
      %dma_wait3A_64 = tpu.memref_slice %arg6[%add3A_48, %dma_wait3A_63] : memref<10240x128xf32, #tpu.memory_space<vmem_shared>> -> memref<128x128xf32, #tpu.memory_space<vmem_shared>>
      tpu.wait_dma2 semaphore(%run_scoped3A : memref<!tpu.dma_semaphore, #tpu.memory_space<semaphore_mem>>) src(%dma_wait3A_64 : memref<128x128xf32, #tpu.memory_space<vmem_shared>>) dst(%arg7 : memref<128x128xf32, #tpu.memory_space<vmem>>)
      tpu.yield
    }) : () -> ()
    %mul3A_49 = arith.constant 10240 : i32
    %mul3A_50 = arith.muli %arg0, %mul3A_49 : i32
    %add3A_51 = arith.addi %mul3A_50, %add3A_48 : i32
    "tpu.region"() ({
      %run_scoped3A = tpu.sem_alloc : memref<!tpu.dma_semaphore, #tpu.memory_space<semaphore_mem>>
      %dma_start3A_57 = arith.constant 0 : i32
      %dma_start3A_58 = tpu.memref_slice %arg5[%add3A_51, %dma_start3A_57] : memref<20480x128xf32, #tpu.memory_space<hbm>> -> memref<128x128xf32, #tpu.memory_space<hbm>>
      %dma_start3A_59 = arith.constant 0 : i32
      %dma_start3A_60 = tpu.memref_slice %arg5[%add3A_51, %dma_start3A_59] : memref<20480x128xf32, #tpu.memory_space<hbm>> -> memref<128x128xf32, #tpu.memory_space<hbm>>
      tpu.enqueue_dma source(%arg7 : memref<128x128xf32, #tpu.memory_space<vmem>>) target(%dma_start3A_60 : memref<128x128xf32, #tpu.memory_space<hbm>>) target_semaphore(%run_scoped3A : memref<!tpu.dma_semaphore, #tpu.memory_space<semaphore_mem>>)
      %dma_wait3A_61 = arith.constant 0 : i32
      %dma_wait3A_62 = tpu.memref_slice %arg5[%add3A_51, %dma_wait3A_61] : memref<20480x128xf32, #tpu.memory_space<hbm>> -> memref<128x128xf32, #tpu.memory_space<hbm>>
      %dma_wait3A_63 = arith.constant 0 : i32
      %dma_wait3A_64 = tpu.memref_slice %arg5[%add3A_51, %dma_wait3A_63] : memref<20480x128xf32, #tpu.memory_space<hbm>> -> memref<128x128xf32, #tpu.memory_space<hbm>>
      tpu.wait_dma2 semaphore(%run_scoped3A : memref<!tpu.dma_semaphore, #tpu.memory_space<semaphore_mem>>) src(%arg7 : memref<128x128xf32, #tpu.memory_space<vmem>>) dst(%dma_wait3A_64 : memref<128x128xf32, #tpu.memory_space<hbm>>)
      tpu.yield
    }) : () -> ()
    %add3A_52 = arith.constant 512 : i32
    %add3A_53 = arith.addi %mul3A_8, %add3A_52 : i32
    "tpu.region"() ({
      %run_scoped3A = tpu.sem_alloc : memref<!tpu.dma_semaphore, #tpu.memory_space<semaphore_mem>>
      %dma_start3A_57 = arith.constant 0 : i32
      %dma_start3A_58 = tpu.memref_slice %arg6[%add3A_53, %dma_start3A_57] : memref<10240x128xf32, #tpu.memory_space<vmem_shared>> -> memref<128x128xf32, #tpu.memory_space<vmem_shared>>
      %dma_start3A_59 = arith.constant 0 : i32
      %dma_start3A_60 = tpu.memref_slice %arg6[%add3A_53, %dma_start3A_59] : memref<10240x128xf32, #tpu.memory_space<vmem_shared>> -> memref<128x128xf32, #tpu.memory_space<vmem_shared>>
      tpu.enqueue_dma source(%dma_start3A_60 : memref<128x128xf32, #tpu.memory_space<vmem_shared>>) target(%arg7 : memref<128x128xf32, #tpu.memory_space<vmem>>) target_semaphore(%run_scoped3A : memref<!tpu.dma_semaphore, #tpu.memory_space<semaphore_mem>>)
      %dma_wait3A_61 = arith.constant 0 : i32
      %dma_wait3A_62 = tpu.memref_slice %arg6[%add3A_53, %dma_wait3A_61] : memref<10240x128xf32, #tpu.memory_space<vmem_shared>> -> memref<128x128xf32, #tpu.memory_space<vmem_shared>>
      %dma_wait3A_63 = arith.constant 0 : i32
      %dma_wait3A_64 = tpu.memref_slice %arg6[%add3A_53, %dma_wait3A_63] : memref<10240x128xf32, #tpu.memory_space<vmem_shared>> -> memref<128x128xf32, #tpu.memory_space<vmem_shared>>
      tpu.wait_dma2 semaphore(%run_scoped3A : memref<!tpu.dma_semaphore, #tpu.memory_space<semaphore_mem>>) src(%dma_wait3A_64 : memref<128x128xf32, #tpu.memory_space<vmem_shared>>) dst(%arg7 : memref<128x128xf32, #tpu.memory_space<vmem>>)
      tpu.yield
    }) : () -> ()
    %mul3A_54 = arith.constant 10240 : i32
    %mul3A_55 = arith.muli %arg0, %mul3A_54 : i32
    %add3A_56 = arith.addi %mul3A_55, %add3A_53 : i32
    "tpu.region"() ({
      %run_scoped3A = tpu.sem_alloc : memref<!tpu.dma_semaphore, #tpu.memory_space<semaphore_mem>>
      %dma_start3A_57 = arith.constant 0 : i32
      %dma_start3A_58 = tpu.memref_slice %arg5[%add3A_56, %dma_start3A_57] : memref<20480x128xf32, #tpu.memory_space<hbm>> -> memref<128x128xf32, #tpu.memory_space<hbm>>
      %dma_start3A_59 = arith.constant 0 : i32
      %dma_start3A_60 = tpu.memref_slice %arg5[%add3A_56, %dma_start3A_59] : memref<20480x128xf32, #tpu.memory_space<hbm>> -> memref<128x128xf32, #tpu.memory_space<hbm>>
      tpu.enqueue_dma source(%arg7 : memref<128x128xf32, #tpu.memory_space<vmem>>) target(%dma_start3A_60 : memref<128x128xf32, #tpu.memory_space<hbm>>) target_semaphore(%run_scoped3A : memref<!tpu.dma_semaphore, #tpu.memory_space<semaphore_mem>>)
      %dma_wait3A_61 = arith.constant 0 : i32
      %dma_wait3A_62 = tpu.memref_slice %arg5[%add3A_56, %dma_wait3A_61] : memref<20480x128xf32, #tpu.memory_space<hbm>> -> memref<128x128xf32, #tpu.memory_space<hbm>>
      %dma_wait3A_63 = arith.constant 0 : i32
      %dma_wait3A_64 = tpu.memref_slice %arg5[%add3A_56, %dma_wait3A_63] : memref<20480x128xf32, #tpu.memory_space<hbm>> -> memref<128x128xf32, #tpu.memory_space<hbm>>
      tpu.wait_dma2 semaphore(%run_scoped3A : memref<!tpu.dma_semaphore, #tpu.memory_space<semaphore_mem>>) src(%arg7 : memref<128x128xf32, #tpu.memory_space<vmem>>) dst(%dma_wait3A_64 : memref<128x128xf32, #tpu.memory_space<hbm>>)
      tpu.yield
    }) : () -> ()
    return
  }
}

module attributes {stable_mosaic.version = 14 : i64} {
  func.func @_mm_body(%arg0: i32, %arg1: memref<1000x128xf32, #tpu.memory_space<vmem>>, %arg2: memref<128x128xf32, #tpu.memory_space<vmem>>, %arg3: memref<1000x128xf32, #tpu.memory_space<vmem>>) attributes {dimension_semantics = [#tpu.dimension_semantics<arbitrary>], iteration_bounds = array<i64: 10>, scalar_prefetch = 0 : i64, scratch_operands = 0 : i64, tpu.core_type = #tpu.core_type<tc>, window_params = [{transform_indices = @transform_0, window_bounds = array<i64: 1000, 128>}, {pipeline_mode = #tpu.pipeline_mode<synchronous>, transform_indices = @transform_1, window_bounds = array<i64: 128, 128>}, {transform_indices = @transform_2, window_bounds = array<i64: 1000, 128>}]} {
    %get3A = arith.constant 0 : index
    %get3A_0 = arith.constant 0 : index
    %get3A_1 = vector.load %arg1[%get3A, %get3A_0] : memref<1000x128xf32, #tpu.memory_space<vmem>>, vector<1000x128xf32>
    %get3A_2 = arith.constant 0 : index
    %get3A_3 = arith.constant 0 : index
    %get3A_4 = vector.load %arg2[%get3A_2, %get3A_3] : memref<128x128xf32, #tpu.memory_space<vmem>>, vector<128x128xf32>
    %dot_general3A = arith.constant dense<0.000000e+00> : vector<1000x128xf32>
    %dot_general3A_5 = tpu.matmul %get3A_1, %get3A_4, %dot_general3A {dimension_numbers = #tpu.dot_dimension_numbers<[1], [0], [0], [1], [0, 0, 1, 1], [], []>, transpose_lhs_hint = false} : vector<1000x128xf32>, vector<128x128xf32>, vector<1000x128xf32> -> vector<1000x128xf32>
    %swap3A = arith.constant 0 : index
    %swap3A_6 = arith.constant 0 : index
    %swap3A_7 = vector.load %arg3[%swap3A, %swap3A_6] : memref<1000x128xf32, #tpu.memory_space<vmem>>, vector<1000x128xf32>
    tpu.vector_store %arg3[%swap3A, %swap3A_6], %dot_general3A_5 {strides = array<i32>} : memref<1000x128xf32, #tpu.memory_space<vmem>>, vector<1000x128xf32>,
    return
  }
  func.func @transform_0(%arg0: i32) -> (i32, i32) {
    %c0_i32 = arith.constant 0 : i32
    %c0_i32_0 = arith.constant 0 : i32
    return %arg0, %c0_i32 : i32, i32
  }
  func.func @transform_1(%arg0: i32) -> (i32, i32) {
    %c0_i32 = arith.constant 0 : i32
    %c0_i32_0 = arith.constant 0 : i32
    %c0_i32_1 = arith.constant 0 : i32
    return %c0_i32, %c0_i32_0 : i32, i32
  }
  func.func @transform_2(%arg0: i32) -> (i32, i32) {
    %c0_i32 = arith.constant 0 : i32
    %c0_i32_0 = arith.constant 0 : i32
    return %arg0, %c0_i32 : i32, i32
  }
}

module attributes {stable_mosaic.version = 14 : i64} {
  func.func @_sc_body(%arg0: i32, %arg1: memref<1000x32xf32, #tpu.memory_space<vmem>>, %arg2: memref<1000x128xf32, #tpu.memory_space<vmem>>, %arg3: memref<1000x128xf32, #tpu.memory_space<vmem>>, %arg4: memref<1000x1xf32, #tpu.memory_space<vmem>>) attributes {dimension_semantics = [#tpu.dimension_semantics<arbitrary>], iteration_bounds = array<i64: 10>, scalar_prefetch = 0 : i64, scratch_operands = 0 : i64, tpu.core_type = #tpu.core_type<tc>, window_params = [{transform_indices = @transform_0, window_bounds = array<i64: 1000, 32>}, {transform_indices = @transform_1, window_bounds = array<i64: 1000, 128>}, {transform_indices = @transform_2, window_bounds = array<i64: 1000, 128>}, {transform_indices = @transform_3, window_bounds = array<i64: 1000, 1>}]} {
    %get3A = arith.constant 0 : index
    %get3A_0 = arith.constant 0 : index
    %get3A_1 = vector.load %arg1[%get3A, %get3A_0] : memref<1000x32xf32, #tpu.memory_space<vmem>>, vector<1000x32xf32>
    %reduce_sum3A = arith.constant dense<0.000000e+00> : vector<1000xf32>
    %reduce_sum3A_2 = vector.multi_reduction <add>, %get3A_1, %reduce_sum3A [1] : vector<1000x32xf32> to vector<1000xf32>
    %broadcast_in_dim3A = vector.shape_cast %reduce_sum3A_2 : vector<1000xf32> to vector<1000x1xf32>
    %add3A = arith.constant 1.000000e+00 : f32
    %add3A_3 = vector.broadcast %add3A : f32 to vector<1000x1xf32>
    %add3A_4 = arith.addf %broadcast_in_dim3A, %add3A_3 : vector<1000x1xf32>
    %rsqrt3A = math.rsqrt %add3A_4 : vector<1000x1xf32>
    %get3A_5 = arith.constant 0 : index
    %get3A_6 = arith.constant 0 : index
    %get3A_7 = vector.load %arg2[%get3A_5, %get3A_6] : memref<1000x128xf32, #tpu.memory_space<vmem>>, vector<1000x128xf32>
    %mul3A = vector.broadcast %rsqrt3A : vector<1000x1xf32> to vector<1000x128xf32>
    %mul3A_8 = arith.mulf %get3A_7, %mul3A : vector<1000x128xf32>
    %swap3A = arith.constant 0 : index
    %swap3A_9 = arith.constant 0 : index
    %swap3A_10 = vector.load %arg3[%swap3A, %swap3A_9] : memref<1000x128xf32, #tpu.memory_space<vmem>>, vector<1000x128xf32>
    tpu.vector_store %arg3[%swap3A, %swap3A_9], %mul3A_8 {strides = array<i32>} : memref<1000x128xf32, #tpu.memory_space<vmem>>, vector<1000x128xf32>,
    %swap3A_11 = arith.constant 0 : index
    %swap3A_12 = arith.constant 0 : index
    %swap3A_13 = vector.load %arg4[%swap3A_11, %swap3A_12] : memref<1000x1xf32, #tpu.memory_space<vmem>>, vector<1000x1xf32>
    tpu.vector_store %arg4[%swap3A_11, %swap3A_12], %rsqrt3A {strides = array<i32>} : memref<1000x1xf32, #tpu.memory_space<vmem>>, vector<1000x1xf32>,
    return
  }
  func.func @transform_0(%arg0: i32) -> (i32, i32) {
    %c0_i32 = arith.constant 0 : i32
    %c0_i32_0 = arith.constant 0 : i32
    return %arg0, %c0_i32 : i32, i32
  }
  func.func @transform_1(%arg0: i32) -> (i32, i32) {
    %c0_i32 = arith.constant 0 : i32
    %c0_i32_0 = arith.constant 0 : i32
    return %arg0, %c0_i32 : i32, i32
  }
  func.func @transform_2(%arg0: i32) -> (i32, i32) {
    %c0_i32 = arith.constant 0 : i32
    %c0_i32_0 = arith.constant 0 : i32
    return %arg0, %c0_i32 : i32, i32
  }
  func.func @transform_3(%arg0: i32) -> (i32, i32) {
    %c0_i32 = arith.constant 0 : i32
    %c0_i32_0 = arith.constant 0 : i32
    return %arg0, %c0_i32 : i32, i32
  }
}

module attributes {stable_mosaic.version = 14 : i64} {
  func.func @_cb_body(%arg0: i32, %arg1: memref<1x1000x128xf32, #tpu.memory_space<vmem>>, %arg2: memref<1x1000x128xf32, #tpu.memory_space<vmem>>, %arg3: memref<1000x128xf32, #tpu.memory_space<vmem>>, %arg4: memref<1000x1xf32, #tpu.memory_space<vmem>>, %arg5: memref<1x128xf32, #tpu.memory_space<vmem>>, %arg6: memref<128x128xf32, #tpu.memory_space<vmem>>, %arg7: memref<1000x128xf32, #tpu.memory_space<vmem>>) attributes {dimension_semantics = [#tpu.dimension_semantics<arbitrary>], iteration_bounds = array<i64: 10>, scalar_prefetch = 0 : i64, scratch_operands = 0 : i64, tpu.core_type = #tpu.core_type<tc>, window_params = [{transform_indices = @transform_0, window_bounds = array<i64: 1, 1000, 128>}, {transform_indices = @transform_1, window_bounds = array<i64: 1, 1000, 128>}, {transform_indices = @transform_2, window_bounds = array<i64: 1000, 128>}, {transform_indices = @transform_3, window_bounds = array<i64: 1000, 1>}, {pipeline_mode = #tpu.pipeline_mode<synchronous>, transform_indices = @transform_4, window_bounds = array<i64: 1, 128>}, {pipeline_mode = #tpu.pipeline_mode<synchronous>, transform_indices = @transform_5, window_bounds = array<i64: 128, 128>}, {transform_indices = @transform_6, window_bounds = array<i64: 1000, 128>}]} {
    %get3A = arith.constant 0 : index
    %get3A_0 = arith.constant 0 : index
    %get3A_1 = arith.constant 0 : index
    %get3A_2 = vector.load %arg1[%get3A, %get3A_0, %get3A_1] : memref<1x1000x128xf32, #tpu.memory_space<vmem>>, vector<1x1000x128xf32>
    %get3A_3 = vector.shape_cast %get3A_2 : vector<1x1000x128xf32> to vector<1000x128xf32>
    %get3A_4 = arith.constant 0 : index
    %get3A_5 = arith.constant 0 : index
    %get3A_6 = arith.constant 0 : index
    %get3A_7 = vector.load %arg2[%get3A_4, %get3A_5, %get3A_6] : memref<1x1000x128xf32, #tpu.memory_space<vmem>>, vector<1x1000x128xf32>
    %get3A_8 = vector.shape_cast %get3A_7 : vector<1x1000x128xf32> to vector<1000x128xf32>
    %add3A = arith.addf %get3A_3, %get3A_8 : vector<1000x128xf32>
    %get3A_9 = arith.constant 0 : index
    %get3A_10 = arith.constant 0 : index
    %get3A_11 = vector.load %arg3[%get3A_9, %get3A_10] : memref<1000x128xf32, #tpu.memory_space<vmem>>, vector<1000x128xf32>
    %add3A_12 = arith.addf %add3A, %get3A_11 : vector<1000x128xf32>
    %get3A_13 = arith.constant 0 : index
    %get3A_14 = arith.constant 0 : index
    %get3A_15 = vector.load %arg4[%get3A_13, %get3A_14] : memref<1000x1xf32, #tpu.memory_space<vmem>>, vector<1000x1xf32>
    %mul3A = vector.broadcast %get3A_15 : vector<1000x1xf32> to vector<1000x128xf32>
    %mul3A_16 = arith.mulf %add3A_12, %mul3A : vector<1000x128xf32>
    %get3A_17 = arith.constant 0 : index
    %get3A_18 = arith.constant 0 : index
    %get3A_19 = vector.load %arg5[%get3A_17, %get3A_18] : memref<1x128xf32, #tpu.memory_space<vmem>>, vector<1x128xf32>
    %add3A_20 = vector.broadcast %get3A_19 : vector<1x128xf32> to vector<1000x128xf32>
    %add3A_21 = arith.addf %mul3A_16, %add3A_20 : vector<1000x128xf32>
    %max3A = arith.constant 0.000000e+00 : f32
    %max3A_22 = vector.broadcast %max3A : f32 to vector<1000x128xf32>
    %max3A_23 = arith.maximumf %add3A_21, %max3A_22 : vector<1000x128xf32>
    %get3A_24 = arith.constant 0 : index
    %get3A_25 = arith.constant 0 : index
    %get3A_26 = vector.load %arg6[%get3A_24, %get3A_25] : memref<128x128xf32, #tpu.memory_space<vmem>>, vector<128x128xf32>
    %dot_general3A = arith.constant dense<0.000000e+00> : vector<1000x128xf32>
    %dot_general3A_27 = tpu.matmul %max3A_23, %get3A_26, %dot_general3A {dimension_numbers = #tpu.dot_dimension_numbers<[1], [0], [0], [1], [0, 0, 1, 1], [], []>, transpose_lhs_hint = false} : vector<1000x128xf32>, vector<128x128xf32>, vector<1000x128xf32> -> vector<1000x128xf32>
    %get3A_28 = arith.constant 0 : index
    %get3A_29 = arith.constant 0 : index
    %get3A_30 = vector.load %arg4[%get3A_28, %get3A_29] : memref<1000x1xf32, #tpu.memory_space<vmem>>, vector<1000x1xf32>
    %mul3A_31 = vector.broadcast %get3A_30 : vector<1000x1xf32> to vector<1000x128xf32>
    %mul3A_32 = arith.mulf %dot_general3A_27, %mul3A_31 : vector<1000x128xf32>
    %swap3A = arith.constant 0 : index
    %swap3A_33 = arith.constant 0 : index
    %swap3A_34 = vector.load %arg7[%swap3A, %swap3A_33] : memref<1000x128xf32, #tpu.memory_space<vmem>>, vector<1000x128xf32>
    tpu.vector_store %arg7[%swap3A, %swap3A_33], %mul3A_32 {strides = array<i32>} : memref<1000x128xf32, #tpu.memory_space<vmem>>, vector<1000x128xf32>,
    return
  }
  func.func @transform_0(%arg0: i32) -> (i32, i32, i32) {
    %c0_i32 = arith.constant 0 : i32
    %c0_i32_0 = arith.constant 0 : i32
    %c0_i32_1 = arith.constant 0 : i32
    return %c0_i32, %arg0, %c0_i32_0 : i32, i32, i32
  }
  func.func @transform_1(%arg0: i32) -> (i32, i32, i32) {
    %c1_i32 = arith.constant 1 : i32
    %c0_i32 = arith.constant 0 : i32
    %c0_i32_0 = arith.constant 0 : i32
    return %c1_i32, %arg0, %c0_i32 : i32, i32, i32
  }
  func.func @transform_2(%arg0: i32) -> (i32, i32) {
    %c0_i32 = arith.constant 0 : i32
    %c0_i32_0 = arith.constant 0 : i32
    return %arg0, %c0_i32 : i32, i32
  }
  func.func @transform_3(%arg0: i32) -> (i32, i32) {
    %c0_i32 = arith.constant 0 : i32
    %c0_i32_0 = arith.constant 0 : i32
    return %arg0, %c0_i32 : i32, i32
  }
  func.func @transform_4(%arg0: i32) -> (i32, i32) {
    %c0_i32 = arith.constant 0 : i32
    %c0_i32_0 = arith.constant 0 : i32
    %c0_i32_1 = arith.constant 0 : i32
    return %c0_i32, %c0_i32_0 : i32, i32
  }
  func.func @transform_5(%arg0: i32) -> (i32, i32) {
    %c0_i32 = arith.constant 0 : i32
    %c0_i32_0 = arith.constant 0 : i32
    %c0_i32_1 = arith.constant 0 : i32
    return %c0_i32, %c0_i32_0 : i32, i32
  }
  func.func @transform_6(%arg0: i32) -> (i32, i32) {
    %c0_i32 = arith.constant 0 : i32
    %c0_i32_0 = arith.constant 0 : i32
    return %arg0, %c0_i32 : i32, i32
  }
}

module attributes {stable_mosaic.version = 14 : i64} {
  func.func @_fin_body(%arg0: i32, %arg1: memref<1x1000x128xf32, #tpu.memory_space<vmem>>, %arg2: memref<1x1000x128xf32, #tpu.memory_space<vmem>>, %arg3: memref<1000x128xf32, #tpu.memory_space<vmem>>, %arg4: memref<1000x1xf32, #tpu.memory_space<vmem>>, %arg5: memref<1x128xf32, #tpu.memory_space<vmem>>, %arg6: memref<1000x128xf32, #tpu.memory_space<vmem>>) attributes {dimension_semantics = [#tpu.dimension_semantics<arbitrary>], iteration_bounds = array<i64: 10>, scalar_prefetch = 0 : i64, scratch_operands = 0 : i64, tpu.core_type = #tpu.core_type<tc>, window_params = [{transform_indices = @transform_0, window_bounds = array<i64: 1, 1000, 128>}, {transform_indices = @transform_1, window_bounds = array<i64: 1, 1000, 128>}, {transform_indices = @transform_2, window_bounds = array<i64: 1000, 128>}, {transform_indices = @transform_3, window_bounds = array<i64: 1000, 1>}, {pipeline_mode = #tpu.pipeline_mode<synchronous>, transform_indices = @transform_4, window_bounds = array<i64: 1, 128>}, {transform_indices = @transform_5, window_bounds = array<i64: 1000, 128>}]} {
    %get3A = arith.constant 0 : index
    %get3A_0 = arith.constant 0 : index
    %get3A_1 = arith.constant 0 : index
    %get3A_2 = vector.load %arg1[%get3A, %get3A_0, %get3A_1] : memref<1x1000x128xf32, #tpu.memory_space<vmem>>, vector<1x1000x128xf32>
    %get3A_3 = vector.shape_cast %get3A_2 : vector<1x1000x128xf32> to vector<1000x128xf32>
    %get3A_4 = arith.constant 0 : index
    %get3A_5 = arith.constant 0 : index
    %get3A_6 = arith.constant 0 : index
    %get3A_7 = vector.load %arg2[%get3A_4, %get3A_5, %get3A_6] : memref<1x1000x128xf32, #tpu.memory_space<vmem>>, vector<1x1000x128xf32>
    %get3A_8 = vector.shape_cast %get3A_7 : vector<1x1000x128xf32> to vector<1000x128xf32>
    %add3A = arith.addf %get3A_3, %get3A_8 : vector<1000x128xf32>
    %get3A_9 = arith.constant 0 : index
    %get3A_10 = arith.constant 0 : index
    %get3A_11 = vector.load %arg3[%get3A_9, %get3A_10] : memref<1000x128xf32, #tpu.memory_space<vmem>>, vector<1000x128xf32>
    %add3A_12 = arith.addf %add3A, %get3A_11 : vector<1000x128xf32>
    %get3A_13 = arith.constant 0 : index
    %get3A_14 = arith.constant 0 : index
    %get3A_15 = vector.load %arg4[%get3A_13, %get3A_14] : memref<1000x1xf32, #tpu.memory_space<vmem>>, vector<1000x1xf32>
    %mul3A = vector.broadcast %get3A_15 : vector<1000x1xf32> to vector<1000x128xf32>
    %mul3A_16 = arith.mulf %add3A_12, %mul3A : vector<1000x128xf32>
    %get3A_17 = arith.constant 0 : index
    %get3A_18 = arith.constant 0 : index
    %get3A_19 = vector.load %arg5[%get3A_17, %get3A_18] : memref<1x128xf32, #tpu.memory_space<vmem>>, vector<1x128xf32>
    %add3A_20 = vector.broadcast %get3A_19 : vector<1x128xf32> to vector<1000x128xf32>
    %add3A_21 = arith.addf %mul3A_16, %add3A_20 : vector<1000x128xf32>
    %swap3A = arith.constant 0 : index
    %swap3A_22 = arith.constant 0 : index
    %swap3A_23 = vector.load %arg6[%swap3A, %swap3A_22] : memref<1000x128xf32, #tpu.memory_space<vmem>>, vector<1000x128xf32>
    tpu.vector_store %arg6[%swap3A, %swap3A_22], %add3A_21 {strides = array<i32>} : memref<1000x128xf32, #tpu.memory_space<vmem>>, vector<1000x128xf32>,
    return
  }
  func.func @transform_0(%arg0: i32) -> (i32, i32, i32) {
    %c0_i32 = arith.constant 0 : i32
    %c0_i32_0 = arith.constant 0 : i32
    %c0_i32_1 = arith.constant 0 : i32
    return %c0_i32, %arg0, %c0_i32_0 : i32, i32, i32
  }
  func.func @transform_1(%arg0: i32) -> (i32, i32, i32) {
    %c1_i32 = arith.constant 1 : i32
    %c0_i32 = arith.constant 0 : i32
    %c0_i32_0 = arith.constant 0 : i32
    return %c1_i32, %arg0, %c0_i32 : i32, i32, i32
  }
  func.func @transform_2(%arg0: i32) -> (i32, i32) {
    %c0_i32 = arith.constant 0 : i32
    %c0_i32_0 = arith.constant 0 : i32
    return %arg0, %c0_i32 : i32, i32
  }
  func.func @transform_3(%arg0: i32) -> (i32, i32) {
    %c0_i32 = arith.constant 0 : i32
    %c0_i32_0 = arith.constant 0 : i32
    return %arg0, %c0_i32 : i32, i32
  }
  func.func @transform_4(%arg0: i32) -> (i32, i32) {
    %c0_i32 = arith.constant 0 : i32
    %c0_i32_0 = arith.constant 0 : i32
    %c0_i32_1 = arith.constant 0 : i32
    return %c0_i32, %c0_i32_0 : i32, i32
  }
  func.func @transform_5(%arg0: i32) -> (i32, i32) {
    %c0_i32 = arith.constant 0 : i32
    %c0_i32_0 = arith.constant 0 : i32
    return %arg0, %c0_i32 : i32, i32
  }
}

</mosaic_0001>

<sc_bundles>
// kernel: kernel.11.cloned.1.call-start
scs
__scs_entry_jumppad:
0x0: {  	(pc) =	sbr.rel $0x88, $3  }
0x1: {  	(tag) =	ssettag $0x0;
	lr =	simm.s32 $0x1  }
0x2: {  	[smem:$0x3F99] =	sst lr;
	_ =	strace $0xD0000000  }
0x3: {  	_ = 	snop  }
0x4: {  	_ = 	snop  }
0x5: {  	_ = 	snop  }
0x6: {  	_ = 	snop  }
0x7: {  	_ = 	snop  }
__scs_overlays_trampoline_lowered:
0x8: {  	[smem:$0x3FA8] =	sst s0  }
0x9: {  	[smem:$0x3FA9] =	sst s1  }
0xa: {  	[smem:$0x3FAA] =	sst s2  }
0xb: {  	[smem:$0x3FAB] =	sst s3  }
0xc: {  	[smem:$0x3FAC] =	sst s4  }
0xd: {  	[smem:$0x3FAD] =	sst s5  }
0xe: {  	[smem:$0x3FAE] =	sst s6  }
0xf: {  	[smem:$0x3FAF] =	sst s7  }
0x10: {  	[smem:$0x3FB0] =	sst s8  }
0x11: {  	[smem:$0x3FB1] =	sst s9;
	s0 =	simm.s32 @!p0 $0x0  }
0x12: {  	s1 =	sld [smem:$0x3F97];
	s0 =	simm.s32 @p0 $0x1  }
0x13: {  	[smem:$0x3FB2] =	sst s0;
	s0 =	simm.s32 @!p1 $0x0  }
0x14: {  	s2 =	sld [smem:$0x3F96];
	s0 =	simm.s32 @p1 $0x1  }
0x15: {  	[smem:$0x3FB3] =	sst s0;
	s0 =	simm.s32 @!p2 $0x0  }
0x16: {  	s3 =	sld [smem:$0x3FDB];
	s0 =	simm.s32 @p2 $0x1  }
0x17: {  	s4 =	simm.s32 $0x1BF5;
	[smem:$0x3FB5] =	sst s0  }
0x18: {  	s0 =	sld [smem:$0x3F98];
	_ =	swait.ge [sflag:s4], $0x0  }
0x19: {  	s7 =	sld [smem:$0x3F99]  }
0x1a: {  	s8 =	sadd.s32 $0xFFFFE003, lr  }
0x1b: {  	s9 =	sadd.s32 $0xFFFFFEF7, lr;
	s5 =	simm.s32 $0xFFFFFFFF;
	p2 =	slt.u32 s8, $0xFFFFF086  }
0x1c: {  	p1 =	slt.u32 s9, $0xF7A;
	s5 =	simm.s32 @!p2 $0x0  }
0x1d: {  	s5 =	simm.s32 @p1 $0x1;
	p0 =	seq.s32 s7, s2  }
0x1e: {  	s7 =	smul.u32 @!p0 $0xF7A, s2;
	p2 =	seq.s32 @!p0 s5, $0x0  }
0x1f: {  	s9 =	smul.u32 $0xF7A, s1;
	s8 =	simm.s32 @!p0 $0x1BF5;
	p2 =	por !p2, p0  }
0x20: {  	[sflag:s8] =	ssyncset.s32 @!p0 $0xFFFFF086;
	s6 =	sadd.s32 @!p0 s3, s7;
	s7 =	simm.s32 @!p0 $0x108  }
0x21: {  	s3 =	sadd.s32 s3, s9;
	s6 =	sadd.s32 @!p0 $0x88, s6;
	s7 =	simm.s32 @p2 $0x1082  }
0x22: {  	[simem:s7], [sflag:s8] =	dma.local @!p0 [hbm:s6], $0xF7A  }
0x23: {  	s9 =	sor.u32 $0xD0000000, s2;
	s6 =	simm.s32 $0x108;
	_ =	swait.ge @!p0 [sflag:s8], $0x0  }
0x24: {  	s3 =	sadd.s32 $0x88, s3;
	s6 =	simm.s32 @!p1 $0x1082;
	[sflag:s4] =	ssyncset.s32 $0xFFFFF086  }
0x25: {  	[simem:s6], [sflag:s4] =	dma.local [hbm:s3], $0xF7A  }
0x26: {  	[smem:$0x3F99] =	sst s1;
	(tag) =	ssettag s2;
	_ =	strace s9  }
0x27: {  	s1 =	sld [smem:$0x3FA9]  }
0x28: {  	s2 =	sld [smem:$0x3FAA]  }
0x29: {  	s4 =	sld [smem:$0x3FAC]  }
0x2a: {  	p0 =	seq.s32 s5, $0x0;
	s5 =	sld [smem:$0x3FAD]  }
0x2b: {  	s6 =	sld [smem:$0x3FAE]  }
0x2c: {  	s7 =	sld [smem:$0x3FAF]  }
0x2d: {  	s3 =	simm.s32 $0x108;
	s8 =	sld [smem:$0x3FB0]  }
0x2e: {  	s3 =	simm.s32 @!p0 $0x1082;
	s9 =	sld [smem:$0x3FB1]  }
0x2f: {  	lr =	sadd.s32 s0, s3;
	s0 =	sld [smem:$0x3FA8]  }
0x30: {  	s3 =	sld [smem:$0x3FAB]  }
0x31: {  	[smem:$0x3FB4] =	sst s10  }
0x32: {  	s10 =	sld [smem:$0x3FB2];
	_ =	sdelay $0x3  }
0x33: {  	p0 =	seq.s32 s10, $0x1;
	s10 =	sld [smem:$0x3FB4];
	_ =	sdelay $0x3  }
0x34: {  	[smem:$0x3FB4] =	sst s10  }
0x35: {  	s10 =	sld [smem:$0x3FB3];
	_ =	sdelay $0x3  }
0x36: {  	p1 =	seq.s32 s10, $0x1;
	s10 =	sld [smem:$0x3FB4];
	_ =	sdelay $0x3  }
0x37: {  	[smem:$0x3FB4] =	sst s10  }
0x38: {  	s10 =	sld [smem:$0x3FB5]  }
0x39: {  	_ = 	snop;
	(pc) =	sbr.ind lr, $3  }
0x3a: {  	_ = 	snop  }
0x3b: {  	_ = 	snop  }
0x3c: {  	p2 =	seq.s32 s10, $0x1;
	s10 =	sld [smem:$0x3FB4]  }
0x3d: {  	_ =	shalt  }
0x3e: {  	_ =	shalt  }
0x3f: {  	_ =	shalt  }
0x40: {  	_ =	shalt  }
0x41: {  	_ =	shalt  }
0x42: {  	_ =	shalt  }
0x43: {  	_ =	shalt  }
0x44: {  	_ =	shalt  }
0x45: {  	_ =	shalt  }
0x46: {  	_ =	shalt  }
0x47: {  	_ =	shalt  }
0x48: {  	_ =	shalt  }
0x49: {  	_ =	shalt  }
0x4a: {  	_ =	shalt  }
0x4b: {  	_ =	shalt  }
0x4c: {  	_ =	shalt  }
0x4d: {  	_ =	shalt  }
0x4e: {  	_ =	shalt  }
0x4f: {  	_ =	shalt  }
0x50: {  	_ =	shalt  }
0x51: {  	_ =	shalt  }
0x52: {  	_ =	shalt  }
0x53: {  	_ =	shalt  }
0x54: {  	_ =	shalt  }
0x55: {  	_ =	shalt  }
0x56: {  	_ =	shalt  }
0x57: {  	_ =	shalt  }
0x58: {  	_ =	shalt  }
0x59: {  	_ =	shalt  }
0x5a: {  	_ =	shalt  }
0x5b: {  	_ =	shalt  }
0x5c: {  	_ =	shalt  }
0x5d: {  	_ =	shalt  }
0x5e: {  	_ =	shalt  }
0x5f: {  	_ =	shalt  }
0x60: {  	_ =	shalt  }
0x61: {  	_ =	shalt  }
0x62: {  	_ =	shalt  }
0x63: {  	_ =	shalt  }
0x64: {  	_ =	shalt  }
0x65: {  	_ =	shalt  }
0x66: {  	_ =	shalt  }
0x67: {  	_ =	shalt  }
0x68: {  	_ =	shalt  }
0x69: {  	_ =	shalt  }
0x6a: {  	_ =	shalt  }
0x6b: {  	_ =	shalt  }
0x6c: {  	_ =	shalt  }
0x6d: {  	_ =	shalt  }
0x6e: {  	_ =	shalt  }
0x6f: {  	_ =	shalt  }
0x70: {  	_ =	shalt  }
0x71: {  	_ =	shalt  }
0x72: {  	_ =	shalt  }
0x73: {  	_ =	shalt  }
0x74: {  	_ =	shalt  }
0x75: {  	_ =	shalt  }
0x76: {  	_ =	shalt  }
0x77: {  	_ =	shalt  }
0x78: {  	_ =	shalt  }
0x79: {  	_ =	shalt  }
0x7a: {  	_ =	shalt  }
0x7b: {  	_ =	shalt  }
0x7c: {  	_ =	shalt  }
0x7d: {  	_ =	shalt  }
0x7e: {  	_ =	shalt  }
0x7f: {  	_ =	shalt  }
0x80: {  	_ =	shalt  }
0x81: {  	_ =	shalt  }
0x82: {  	_ =	shalt  }
0x83: {  	_ =	shalt  }
0x84: {  	_ =	shalt  }
0x85: {  	_ =	shalt  }
0x86: {  	_ =	shalt  }
0x87: {  	_ =	shalt  }
.Lfunc_end0:
.L_simem_size_0:
called_computation_lowered:
.L_overlay_start_0:
0x88: {  	s2 =	sld [smem:$0x3FD9]  }
0x89: {  	s3 =	sld [smem:$0x3FFE];
	_ =	sdelay $0x1  }
0x8a: {  	s1 =	srdreg.scid  }
0x8b: {  	s0 =	sand.u32 $0x1, s1  }
0x8c: {  	s17 =	sshll.u32 s0, $0xA;
	s2 =	sadd.s32 s3, s2  }
0x8d: {  	s2 =	sadd.s32 s2, s17  }
0x8e: {  	[smem:$0x3FC0] =	sst s2  }
0x8f: {  	_ = 	snop  }
0x90: {  	s2 =	sld [smem:$0x3FD0];
	(tm) =	ssettm $0x1  }
0x91: {  	s18 =	sld [smem:$0x3FFB];
	_ =	sdelay $0x3  }
0x92: {  	_ =	strace s18  }
0x93: {  	s3 =	sld [smem:$0x3FFC];
	_ =	sdelay $0x3  }
0x94: {  	_ =	strace s3  }
0x95: {  	s3 =	sld [smem:$0x3FFD];
	_ =	sdelay $0x3  }
0x96: {  	_ =	strace s3  }
0x97: {  	_ =	strace $0x8FFFFFFF  }
0x98: {  	s19 =	sld [smem:$0x3FDB];
	_ =	sdelay $0x1  }
0x99: {  	s4 =	simm.s32 $_scs_section_size  }
0x9a: {  	s5 =	simm.s32 $_size__tile_overlayer_lowered;
	s6 =	simm.s32 $_tile_overlayer_lowered  }
0x9b: {  	s22 =	simm.s32 $0x1BFF;
	s21 =	sshll.u32 s6, $0x1;
	s3 =	sadd.s32 s4, s19  }
0x9c: {  	s7 =	simm.s32 $0x0;
	s20 =	sshll.u32 s5, $0x1;
	s5 =	sadd.s32 s21, s3  }
0x9d: {  	[timem:s7], [sflag:s22] =	dma.local [hbm:s5], s20  }
0x9e: {  	_ =	swait.ge [sflag:s22], s20  }
0x9f: {  	s4 =	ssub.s32 $0x0, s20;
	[sflag:s22] =	ssyncset.done $0x0  }
0xa0: {  	[sflag:s22] =	ssyncadd.s32 s4;
	_ =	sdelay $0x1  }
0xa1: {  	s23 =	simm.s32 $0x1B8B  }
0xa2: {  	_ =	swait.ge [sflag:s23], $0x1  }
0xa3: {  	[sflag:s23] =	ssyncset.done $0x0  }
0xa4: {  	s25 =	simm.s32 $0x1B8E;
	s24 =	sld [smem:$0x3FFE];
	[sflag:s23] =	ssyncadd.s32 $0xFFFFFFFF  }
0xa5: {  	s26 =	simm.s32 $execute0_lowered;
	[smem:$0x3FD2] =	sst s25  }
0xa6: {  	s5 =	sshll.u32 s26, $0x1;
	_ =	strace $0x80000046;
	[dreg:$0x1] =	wrdreg $0xFFFFFFFF  }
0xa7: {  	s28 =	simm.s32 $_size_execute0_lowered;
	s3 =	sadd.s32 s3, s5;
	[dreg:$0x0] =	wrdreg $0x0  }
0xa8: {  	s5 =	sshll.u32 s28, $0x1;
	[dreg:$0x2] =	wrdreg s3  }
0xa9: {  	[dreg:$0x3] =	wrdreg s5  }
0xaa: {  	[dreg:$0x4] =	wrdreg $0xC0  }
0xab: {  	_ =	task [dreg:s7], $0x5FFFF  }
0xac: {  	[dreg:$0x1] =	wrdreg $0xFFFFFFFF  }
0xad: {  	[dreg:$0x0] =	wrdreg $0x60  }
0xae: {  	[dreg:$0x2] =	wrdreg s24  }
0xaf: {  	[dreg:$0x3] =	wrdreg s2  }
0xb0: {  	[dreg:$0x4] =	wrdreg $0x9  }
0xb1: {  	_ =	task.clear_ibuf [dreg:s7], $0x5FFFF;
	_ =	strace $0x90000046  }
0xb2: {  	s29 =	simm.s32 $0x9;
	_ =	strace $0x80000048  }
0xb3: {  	_ =	swait.ge [sflag:s29], $0x1  }
0xb4: {  	[sflag:s29] =	ssyncadd.s32 $0xFFFFFFFF  }
0xb5: {  	_ =	strace $0x90000048  }
0xb6: {  	_ =	sfence  }
0xb7: {  	s30 =	sld [smem:$0x0];
	_ =	sdelay $0x2  }
0xb8: {  	s31 =	sshll.u32 s1, $0xD;
	s1 =	sshrl.u32 s1, $0x2  }
0xb9: {  	s3 =	sand.u32 $0x4000, s31;
	s1 =	sadd.s32 s1, s30  }
0xba: {  	s0 =	sor.u32 s3, s0;
	s1 =	sshll.u32 s1, $0x11  }
0xbb: {  	s0 =	sor.u32 s1, s0  }
0xbc: {  	s0 =	sadd.s32 $0x8F2B, s0  }
0xbd: {  	[sflag:s0] =	ssyncadd.remote.s32 $0x1  }
0xbe: {  	_ =	sfence.sel $0xFFFF  }
0xbf: {  	[dreg:$0x0] =	wrdreg $0xFFFFFFFF;
	(pc) =	sbr.abs _section_cstart, $3  }
0xc0: {  	[dreg:$0x1] =	wrdreg $0xFFFFFFFF  }
0xc1: {  	_ =	task.clear_ibuf [dreg:s7], $0x2FFFF;
	_ =	strace $0x9FFFFFFF  }
0xc2: {  	(tm) =	ssettm $0x7FFFFFFF  }
0xc3: {  	_ =	shalt  }
tec
execute0_lowered:
.L_overlay_start_1:
0x0: {  	(tag) =	ssettag $0x1  }
0x1: {  	s0 =	srdreg.scid;
	s3 =	rddreg [dreg:$0x0]  }
0x2: {  	s5 =	rddreg [dreg:$0x1];
	s1 =	stileid.u32;
	s2 =	simm.s32 $0x0  }
0x3: {  	s10 =	simm.s32 $0x0;
	s4 =	sand.u32 $0x1, s0;
	s0 =	rddreg [dreg:$0x2]  }
0x4: {  	[smem:$0x7FF] =	sst s2;
	s7 =	sshll.u32 s1, $0x7;
	s6 =	sshll.u32 s4, $0x4  }
0x5: {  	s29 =	smul.u32 $0x500, s1;
	_ =	strace $0x80000047;
	s6 =	sor.u32 s1, s6  }
0x6: {  	s8 =	smul.u32 $0x5000, s4;
	s4 =	ssub.s32 $0x2, s4;
	s6 =	sshrl.u32 s6, $0x3  }
0x7: {  	s7 =	sand.u32 $0x380, s7;
	s9 =	sshrl.u32 s4, $0x1;
	s6 =	smul.u32 $0x14000, s6  }
0x8: {  	s8 =	sadd.s32 s8, s3;
	s4 =	ssub.s32 s4, s9;
	s9 =	simm.s32 $0x400  }
0x9: {  	s4 =	smax.u32 s4, $0x1;
	s31 =	sadd.s32 s29, s8;
	s6 =	sor.u32 s7, s6  }
0xa: {  	s8 =	simm.s32 $0x80;
	s7 =	simm.s32 $0x1;
	s30 =	sshrl.u32 s6, $0x3  }
0xb: {  	v0 =	vimm.f32 $0.0e+00;
	v1 =	vimm.f32 $1.000000000e+00;
	s6 =	simm.s32 $0x2800;
	s3 =	sadd.s32 s5, s30;
	s5 =	sadd.s32 $0x3400, s31  }
.LBB2_1:
0xc: {  	s11 =	simm.s32 $0x0  }
.LBB2_2:
0xd: {  	p0 =	sne.s32 s11, $0x9FC0  }
.Ltmp0:
0xe: {  	_ = 	snop;
	(pc) =	sbr.rel @p0 .LBB2_2-.Ltmp0, $3  }
0xf: {  	_ =	sdelay $0x1  }
0x10: {  	s12 =	sshra.s32 s11, $0x2  }
0x11: {  	s11 =	sadd.s32 $0x40, s11;
	[tilespmem:s12+$0x0] =	vst v0  }
0x12: {  	s11 =	simm.s32 $0x0  }
.LBB2_4:
0x13: {  	s12 =	sadd.s32 s11, s5  }
0x14: {  	[tilespmem:s6], [sflag:$0x1] =	stream.linear.gather [hbm4b:s12+s2], $0x80, $0x38;
	[tilespmem:$0x2880] =	vst v63  }
0x15: {  	_ =	swait.ge [sflag:s7], $0x80  }
0x16: {  	[sflag:s7] =	ssyncset.done $0x0  }
0x17: {  	[sflag:s7] =	ssyncadd.s32 $0xFFFFFF80  }
0x18: {  	v2 =	vld [tilespmem:$0x2800];
	_ =	sdelay $0x7  }
0x19: {  	[tilespmem:v2+s2+$0x0] =	vst.idx.add.f32.msk $0xffff, v1  }
0x1a: {  	v2 =	vld [tilespmem:$0x2810];
	_ =	sdelay $0x7  }
0x1b: {  	[tilespmem:v2+s2+$0x0] =	vst.idx.add.f32.msk $0xffff, v1  }
0x1c: {  	v2 =	vld [tilespmem:$0x2820];
	_ =	sdelay $0x7  }
0x1d: {  	[tilespmem:v2+s2+$0x0] =	vst.idx.add.f32.msk $0xffff, v1  }
0x1e: {  	v2 =	vld [tilespmem:$0x2830];
	_ =	sdelay $0x7  }
0x1f: {  	[tilespmem:v2+s2+$0x0] =	vst.idx.add.f32.msk $0xffff, v1  }
0x20: {  	v2 =	vld [tilespmem:$0x2840];
	_ =	sdelay $0x7  }
0x21: {  	[tilespmem:v2+s2+$0x0] =	vst.idx.add.f32.msk $0xffff, v1  }
0x22: {  	v2 =	vld [tilespmem:$0x2850];
	_ =	sdelay $0x7  }
0x23: {  	[tilespmem:v2+s2+$0x0] =	vst.idx.add.f32.msk $0xffff, v1  }
0x24: {  	v2 =	vld [tilespmem:$0x2860];
	_ =	sdelay $0x7  }
0x25: {  	[tilespmem:v2+s2+$0x0] =	vst.idx.add.f32.msk $0xffff, v1  }
0x26: {  	v2 =	vld [tilespmem:$0x2870];
	_ =	sdelay $0x2  }
0x27: {  	p0 =	sne.s32 s11, $0x4F0  }
.Ltmp1:
0x28: {  	_ = 	snop;
	(pc) =	sbr.rel @p0 .LBB2_4-.Ltmp1, $2  }
0x29: {  	_ =	sdelay $0x2  }
0x2a: {  	s11 =	sadd.s32 $0x10, s11;
	[tilespmem:v2+s2+$0x0] =	vst.idx.add.f32.msk $0xffff, v1  }
0x2b: {  	s10 =	sadd.s32 $0x1, s10  }
0x2c: {  	p0 =	sne.s32 s10, s4  }
.Ltmp2:
0x2d: {  	_ = 	snop;
	(pc) =	sbr.rel @p0 .LBB2_1-.Ltmp2, $4  }
0x2e: {  	[hbm4b:s3+s8] =	stream.strided.scatter [tilespmem:s2], [sflag:$0x1], $0x2800, s9, s8, $0x38;
	[tilespmem:$0x2880] =	vst v63  }
0x2f: {  	_ =	swait.ge [sflag:s7], $0x2800  }
0x30: {  	[sflag:s7] =	ssyncset.done $0x0  }
0x31: {  	[sflag:s7] =	ssyncadd.s32 $0xFFFFD800  }
0x32: {  	_ =	sfence.sel $0x180000  }
0x33: {  	[bflag:$0x0] =	sbarrier.arrive $0xFFFF  }
0x34: {  	p0 =	sne.s32 s1, $0x0;
	_ =	strace $0x90000047  }
0x35: {  	s0 =	sadd.s32 @!p0 $0x100000, s0;
	[bflag:$0x2] =	sbarrier.arrive $0xFFFF  }
0x36: {  	[sflag:s0] =	ssyncadd.tile.s32 @!p0 $0x1;
	_ =	shalt  }
.Lfunc_end2:
_tile_overlayer_lowered:
.L_overlay_start_2:
0x37: {  	(tag) =	ssettag $0x2  }
0x38: {  	s0 =	rddreg [dreg:$0x0];
	s2 =	stileid.u32  }
0x39: {  	s1 =	rddreg [dreg:$0x1];
	p0 =	sne.s32 s2, $0x0  }
0x3a: {  	s3 =	rddreg [dreg:$0x2];
	[bflag:$0x3] =	sbarrier.arrive $0xFFFF;
	s2 =	simm.s32 @!p0 $0x1C01  }
0x3b: {  	[timem:s3], [sflag:s2] =	dma.local @!p0 [hbm:s0], s1  }
0x3c: {  	s0 =	simm.s32 @!p0 $0x1  }
0x3d: {  	_ =	swait.ge @!p0 [sflag:s0], s1  }
0x3e: {  	s1 =	ssub.s32 @!p0 $0x0, s1;
	[sflag:s0] =	ssyncset.done @!p0 $0x0  }
0x3f: {  	[sflag:s0] =	ssyncadd.s32 @!p0 s1  }
0x40: {  	[bflag:$0x3] =	sbarrier.arrive $0xFFFF  }
0x41: {  	_ =	shalt  }

// kernel: kernel.14.cloned.1.call-start
scs
__scs_entry_jumppad:
0x0: {  	(pc) =	sbr.rel $0x88, $3  }
0x1: {  	(tag) =	ssettag $0x0;
	lr =	simm.s32 $0x1  }
0x2: {  	[smem:$0x3F99] =	sst lr;
	_ =	strace $0xD0000000  }
0x3: {  	_ = 	snop  }
0x4: {  	_ = 	snop  }
0x5: {  	_ = 	snop  }
0x6: {  	_ = 	snop  }
0x7: {  	_ = 	snop  }
__scs_overlays_trampoline_lowered:
0x8: {  	[smem:$0x3FA8] =	sst s0  }
0x9: {  	[smem:$0x3FA9] =	sst s1  }
0xa: {  	[smem:$0x3FAA] =	sst s2  }
0xb: {  	[smem:$0x3FAB] =	sst s3  }
0xc: {  	[smem:$0x3FAC] =	sst s4  }
0xd: {  	[smem:$0x3FAD] =	sst s5  }
0xe: {  	[smem:$0x3FAE] =	sst s6  }
0xf: {  	[smem:$0x3FAF] =	sst s7  }
0x10: {  	[smem:$0x3FB0] =	sst s8  }
0x11: {  	[smem:$0x3FB1] =	sst s9;
	s0 =	simm.s32 @!p0 $0x0  }
0x12: {  	s1 =	sld [smem:$0x3F97];
	s0 =	simm.s32 @p0 $0x1  }
0x13: {  	[smem:$0x3FB2] =	sst s0;
	s0 =	simm.s32 @!p1 $0x0  }
0x14: {  	s2 =	sld [smem:$0x3F96];
	s0 =	simm.s32 @p1 $0x1  }
0x15: {  	[smem:$0x3FB3] =	sst s0;
	s0 =	simm.s32 @!p2 $0x0  }
0x16: {  	s3 =	sld [smem:$0x3FDB];
	s0 =	simm.s32 @p2 $0x1  }
0x17: {  	s4 =	simm.s32 $0x1BF5;
	[smem:$0x3FB5] =	sst s0  }
0x18: {  	s0 =	sld [smem:$0x3F98];
	_ =	swait.ge [sflag:s4], $0x0  }
0x19: {  	s7 =	sld [smem:$0x3F99]  }
0x1a: {  	s8 =	sadd.s32 $0xFFFFE003, lr  }
0x1b: {  	s9 =	sadd.s32 $0xFFFFFEF7, lr;
	s5 =	simm.s32 $0xFFFFFFFF;
	p2 =	slt.u32 s8, $0xFFFFF086  }
0x1c: {  	p1 =	slt.u32 s9, $0xF7A;
	s5 =	simm.s32 @!p2 $0x0  }
0x1d: {  	s5 =	simm.s32 @p1 $0x1;
	p0 =	seq.s32 s7, s2  }
0x1e: {  	s7 =	smul.u32 @!p0 $0xF7A, s2;
	p2 =	seq.s32 @!p0 s5, $0x0  }
0x1f: {  	s9 =	smul.u32 $0xF7A, s1;
	s8 =	simm.s32 @!p0 $0x1BF5;
	p2 =	por !p2, p0  }
0x20: {  	[sflag:s8] =	ssyncset.s32 @!p0 $0xFFFFF086;
	s6 =	sadd.s32 @!p0 s3, s7;
	s7 =	simm.s32 @!p0 $0x108  }
0x21: {  	s3 =	sadd.s32 s3, s9;
	s6 =	sadd.s32 @!p0 $0x88, s6;
	s7 =	simm.s32 @p2 $0x1082  }
0x22: {  	[simem:s7], [sflag:s8] =	dma.local @!p0 [hbm:s6], $0xF7A  }
0x23: {  	s9 =	sor.u32 $0xD0000000, s2;
	s6 =	simm.s32 $0x108;
	_ =	swait.ge @!p0 [sflag:s8], $0x0  }
0x24: {  	s3 =	sadd.s32 $0x88, s3;
	s6 =	simm.s32 @!p1 $0x1082;
	[sflag:s4] =	ssyncset.s32 $0xFFFFF086  }
0x25: {  	[simem:s6], [sflag:s4] =	dma.local [hbm:s3], $0xF7A  }
0x26: {  	[smem:$0x3F99] =	sst s1;
	(tag) =	ssettag s2;
	_ =	strace s9  }
0x27: {  	s1 =	sld [smem:$0x3FA9]  }
0x28: {  	s2 =	sld [smem:$0x3FAA]  }
0x29: {  	s4 =	sld [smem:$0x3FAC]  }
0x2a: {  	p0 =	seq.s32 s5, $0x0;
	s5 =	sld [smem:$0x3FAD]  }
0x2b: {  	s6 =	sld [smem:$0x3FAE]  }
0x2c: {  	s7 =	sld [smem:$0x3FAF]  }
0x2d: {  	s3 =	simm.s32 $0x108;
	s8 =	sld [smem:$0x3FB0]  }
0x2e: {  	s3 =	simm.s32 @!p0 $0x1082;
	s9 =	sld [smem:$0x3FB1]  }
0x2f: {  	lr =	sadd.s32 s0, s3;
	s0 =	sld [smem:$0x3FA8]  }
0x30: {  	s3 =	sld [smem:$0x3FAB]  }
0x31: {  	[smem:$0x3FB4] =	sst s10  }
0x32: {  	s10 =	sld [smem:$0x3FB2];
	_ =	sdelay $0x3  }
0x33: {  	p0 =	seq.s32 s10, $0x1;
	s10 =	sld [smem:$0x3FB4];
	_ =	sdelay $0x3  }
0x34: {  	[smem:$0x3FB4] =	sst s10  }
0x35: {  	s10 =	sld [smem:$0x3FB3];
	_ =	sdelay $0x3  }
0x36: {  	p1 =	seq.s32 s10, $0x1;
	s10 =	sld [smem:$0x3FB4];
	_ =	sdelay $0x3  }
0x37: {  	[smem:$0x3FB4] =	sst s10  }
0x38: {  	s10 =	sld [smem:$0x3FB5]  }
0x39: {  	_ = 	snop;
	(pc) =	sbr.ind lr, $3  }
0x3a: {  	_ = 	snop  }
0x3b: {  	_ = 	snop  }
0x3c: {  	p2 =	seq.s32 s10, $0x1;
	s10 =	sld [smem:$0x3FB4]  }
0x3d: {  	_ =	shalt  }
0x3e: {  	_ =	shalt  }
0x3f: {  	_ =	shalt  }
0x40: {  	_ =	shalt  }
0x41: {  	_ =	shalt  }
0x42: {  	_ =	shalt  }
0x43: {  	_ =	shalt  }
0x44: {  	_ =	shalt  }
0x45: {  	_ =	shalt  }
0x46: {  	_ =	shalt  }
0x47: {  	_ =	shalt  }
0x48: {  	_ =	shalt  }
0x49: {  	_ =	shalt  }
0x4a: {  	_ =	shalt  }
0x4b: {  	_ =	shalt  }
0x4c: {  	_ =	shalt  }
0x4d: {  	_ =	shalt  }
0x4e: {  	_ =	shalt  }
0x4f: {  	_ =	shalt  }
0x50: {  	_ =	shalt  }
0x51: {  	_ =	shalt  }
0x52: {  	_ =	shalt  }
0x53: {  	_ =	shalt  }
0x54: {  	_ =	shalt  }
0x55: {  	_ =	shalt  }
0x56: {  	_ =	shalt  }
0x57: {  	_ =	shalt  }
0x58: {  	_ =	shalt  }
0x59: {  	_ =	shalt  }
0x5a: {  	_ =	shalt  }
0x5b: {  	_ =	shalt  }
0x5c: {  	_ =	shalt  }
0x5d: {  	_ =	shalt  }
0x5e: {  	_ =	shalt  }
0x5f: {  	_ =	shalt  }
0x60: {  	_ =	shalt  }
0x61: {  	_ =	shalt  }
0x62: {  	_ =	shalt  }
0x63: {  	_ =	shalt  }
0x64: {  	_ =	shalt  }
0x65: {  	_ =	shalt  }
0x66: {  	_ =	shalt  }
0x67: {  	_ =	shalt  }
0x68: {  	_ =	shalt  }
0x69: {  	_ =	shalt  }
0x6a: {  	_ =	shalt  }
0x6b: {  	_ =	shalt  }
0x6c: {  	_ =	shalt  }
0x6d: {  	_ =	shalt  }
0x6e: {  	_ =	shalt  }
0x6f: {  	_ =	shalt  }
0x70: {  	_ =	shalt  }
0x71: {  	_ =	shalt  }
0x72: {  	_ =	shalt  }
0x73: {  	_ =	shalt  }
0x74: {  	_ =	shalt  }
0x75: {  	_ =	shalt  }
0x76: {  	_ =	shalt  }
0x77: {  	_ =	shalt  }
0x78: {  	_ =	shalt  }
0x79: {  	_ =	shalt  }
0x7a: {  	_ =	shalt  }
0x7b: {  	_ =	shalt  }
0x7c: {  	_ =	shalt  }
0x7d: {  	_ =	shalt  }
0x7e: {  	_ =	shalt  }
0x7f: {  	_ =	shalt  }
0x80: {  	_ =	shalt  }
0x81: {  	_ =	shalt  }
0x82: {  	_ =	shalt  }
0x83: {  	_ =	shalt  }
0x84: {  	_ =	shalt  }
0x85: {  	_ =	shalt  }
0x86: {  	_ =	shalt  }
0x87: {  	_ =	shalt  }
.Lfunc_end0:
.L_simem_size_0:
called_computation.1_lowered:
.L_overlay_start_0:
0x88: {  	s2 =	sld [smem:$0x3FD9]  }
0x89: {  	s3 =	sld [smem:$0x3FFE];
	_ =	sdelay $0x1  }
0x8a: {  	s1 =	srdreg.scid  }
0x8b: {  	s0 =	sand.u32 $0x1, s1  }
0x8c: {  	s17 =	sshll.u32 s0, $0xA;
	s2 =	sadd.s32 s3, s2  }
0x8d: {  	s2 =	sadd.s32 s2, s17  }
0x8e: {  	[smem:$0x3FC0] =	sst s2  }
0x8f: {  	_ = 	snop  }
0x90: {  	s2 =	sld [smem:$0x3FD0];
	(tm) =	ssettm $0x1  }
0x91: {  	s18 =	sld [smem:$0x3FFB];
	_ =	sdelay $0x3  }
0x92: {  	_ =	strace s18  }
0x93: {  	s3 =	sld [smem:$0x3FFC];
	_ =	sdelay $0x3  }
0x94: {  	_ =	strace s3  }
0x95: {  	s3 =	sld [smem:$0x3FFD];
	_ =	sdelay $0x3  }
0x96: {  	_ =	strace s3  }
0x97: {  	_ =	strace $0x8FFFFFFF  }
0x98: {  	s19 =	sld [smem:$0x3FDB];
	_ =	sdelay $0x1  }
0x99: {  	s4 =	simm.s32 $_scs_section_size  }
0x9a: {  	s5 =	simm.s32 $_size__tile_overlayer_lowered;
	s6 =	simm.s32 $_tile_overlayer_lowered  }
0x9b: {  	s22 =	simm.s32 $0x1BFF;
	s21 =	sshll.u32 s6, $0x1;
	s3 =	sadd.s32 s4, s19  }
0x9c: {  	s7 =	simm.s32 $0x0;
	s20 =	sshll.u32 s5, $0x1;
	s5 =	sadd.s32 s21, s3  }
0x9d: {  	[timem:s7], [sflag:s22] =	dma.local [hbm:s5], s20  }
0x9e: {  	_ =	swait.ge [sflag:s22], s20  }
0x9f: {  	s4 =	ssub.s32 $0x0, s20;
	[sflag:s22] =	ssyncset.done $0x0  }
0xa0: {  	[sflag:s22] =	ssyncadd.s32 s4;
	_ =	sdelay $0x1  }
0xa1: {  	s23 =	simm.s32 $0x1B8B  }
0xa2: {  	_ =	swait.ge [sflag:s23], $0x1  }
0xa3: {  	[sflag:s23] =	ssyncset.done $0x0  }
0xa4: {  	s25 =	simm.s32 $0x1B8E;
	s24 =	sld [smem:$0x3FFE];
	[sflag:s23] =	ssyncadd.s32 $0xFFFFFFFF  }
0xa5: {  	s26 =	simm.s32 $execute0_lowered;
	[smem:$0x3FD2] =	sst s25  }
0xa6: {  	s5 =	sshll.u32 s26, $0x1;
	_ =	strace $0x80000049;
	[dreg:$0x1] =	wrdreg $0xFFFFFFFF  }
0xa7: {  	s28 =	simm.s32 $_size_execute0_lowered;
	s3 =	sadd.s32 s3, s5;
	[dreg:$0x0] =	wrdreg $0x0  }
0xa8: {  	s5 =	sshll.u32 s28, $0x1;
	[dreg:$0x2] =	wrdreg s3  }
0xa9: {  	[dreg:$0x3] =	wrdreg s5  }
0xaa: {  	[dreg:$0x4] =	wrdreg $0xC0  }
0xab: {  	_ =	task [dreg:s7], $0x5FFFF  }
0xac: {  	[dreg:$0x1] =	wrdreg $0xFFFFFFFF  }
0xad: {  	[dreg:$0x0] =	wrdreg $0x60  }
0xae: {  	[dreg:$0x2] =	wrdreg s2  }
0xaf: {  	[dreg:$0x3] =	wrdreg s24  }
0xb0: {  	[dreg:$0x4] =	wrdreg $0x0  }
0xb1: {  	[dreg:$0x5] =	wrdreg $0x9  }
0xb2: {  	_ =	task.clear_ibuf [dreg:s7], $0x6FFFF;
	_ =	strace $0x90000049  }
0xb3: {  	s29 =	simm.s32 $0x9;
	_ =	strace $0x8000004B  }
0xb4: {  	_ =	swait.ge [sflag:s29], $0x1  }
0xb5: {  	[sflag:s29] =	ssyncadd.s32 $0xFFFFFFFF  }
0xb6: {  	_ =	strace $0x9000004B  }
0xb7: {  	_ =	sfence  }
0xb8: {  	s30 =	sld [smem:$0x0];
	_ =	sdelay $0x2  }
0xb9: {  	s31 =	sshll.u32 s1, $0xD;
	s1 =	sshrl.u32 s1, $0x2  }
0xba: {  	s3 =	sand.u32 $0x4000, s31;
	s1 =	sadd.s32 s1, s30  }
0xbb: {  	s0 =	sor.u32 s3, s0;
	s1 =	sshll.u32 s1, $0x11  }
0xbc: {  	s0 =	sor.u32 s1, s0  }
0xbd: {  	s0 =	sadd.s32 $0x8F2B, s0  }
0xbe: {  	[sflag:s0] =	ssyncadd.remote.s32 $0x1  }
0xbf: {  	_ =	sfence.sel $0xFFFF  }
0xc0: {  	[dreg:$0x0] =	wrdreg $0xFFFFFFFF;
	(pc) =	sbr.abs _section_cstart, $3  }
0xc1: {  	[dreg:$0x1] =	wrdreg $0xFFFFFFFF  }
0xc2: {  	_ =	task.clear_ibuf [dreg:s7], $0x2FFFF;
	_ =	strace $0x9FFFFFFF  }
0xc3: {  	(tm) =	ssettm $0x7FFFFFFF  }
tec
execute0_lowered:
.L_overlay_start_1:
0x0: {  	(tag) =	ssettag $0x1  }
0x1: {  	s1 =	rddreg [dreg:$0x0]  }
0x2: {  	s0 =	rddreg [dreg:$0x1]  }
0x3: {  	s2 =	rddreg [dreg:$0x2];
	s3 =	simm.s32 $0x0  }
0x4: {  	s4 =	srdreg.scid;
	s22 =	stileid.u32;
	s28 =	simm.s32 $0x1C080  }
0x5: {  	s29 =	simm.s32 $0x80;
	s30 =	simm.s32 $0x1C100;
	s31 =	simm.s32 $0x1C180  }
0x6: {  	[smem:$0x7FF] =	sst s3;
	s12 =	sadd.s32 $0xD400, s0;
	s11 =	smul.u32 $0x280, s22  }
0x7: {  	s4 =	sand.u32 $0x1, s4;
	s13 =	sadd.s32 $0x3400, s0;
	s18 =	smul.u32 $0x50000, s22  }
0x8: {  	s0 =	sadd.s32 $0x17400, s0;
	s26 =	smul.u32 $0x2800, s22;
	s5 =	ssub.s32 $0x2, s4  }
0x9: {  	_ =	strace $0x8000004A;
	s17 =	sshll.u32 s4, $0x4;
	s6 =	sshrl.u32 s5, $0x1  }
0xa: {  	s8 =	sor.u32 s22, s17;
	s15 =	sadd.s32 $0x80, s11;
	s16 =	sadd.s32 $0x100, s11  }
0xb: {  	s19 =	sshrl.u32 s18, $0x2;
	s17 =	sadd.s32 $0x180, s11;
	s18 =	sadd.s32 $0x200, s11  }
0xc: {  	s14 =	ssub.s32 s5, s6;
	s20 =	sshll.u32 s15, $0x7;
	s10 =	smul.u32 $0x2800, s8  }
0xd: {  	s7 =	sshll.u32 s16, $0x7;
	s5 =	sadd.s32 s19, s2;
	s19 =	smul.u32 $0x2800, s4  }
0xe: {  	s21 =	sshll.u32 s17, $0x7;
	s9 =	sshll.u32 s18, $0x7;
	s4 =	smul.u32 $0x28000, s4  }
0xf: {  	s6 =	sadd.s32 s20, s2;
	s7 =	sadd.s32 s7, s2;
	s8 =	sadd.s32 s21, s2  }
0x10: {  	s9 =	sadd.s32 s9, s2;
	s14 =	smax.u32 s14, $0x1;
	s20 =	sshrl.u32 s10, $0x3  }
0x11: {  	s21 =	sadd.s32 s11, s19;
	s15 =	sadd.s32 s19, s15;
	s23 =	sadd.s32 s19, s16  }
0x12: {  	s24 =	sadd.s32 s19, s17;
	s25 =	sadd.s32 s19, s18;
	s4 =	sadd.s32 s26, s4  }
0x13: {  	[dreg:$0x9] =	wrdreg s14;
	s14 =	simm.s32 $0x3;
	s10 =	sadd.s32 s12, s20  }
0x14: {  	s11 =	sadd.s32 s13, s20;
	s21 =	sshll.u32 s21, $0x4;
	s15 =	sshll.u32 s15, $0x4  }
0x15: {  	s16 =	sshll.u32 s24, $0x4;
	s22 =	sadd.s32 $0x4F0, s20;
	s24 =	sor.u32 $0x100, s4  }
0x16: {  	s4 =	sor.u32 $0x80, s4;
	s21 =	sadd.s32 s0, s21;
	s15 =	sadd.s32 s0, s15  }
0x17: {  	s19 =	sadd.s32 s0, s16;
	s26 =	sshrl.u32 s4, $0x3;
	[dreg:$0x4] =	wrdreg s21  }
0x18: {  	s4 =	simm.s32 $0x4;
	[dreg:$0x5] =	wrdreg s15;
	s15 =	sshll.u32 s23, $0x4  }
0x19: {  	[dreg:$0x7] =	wrdreg s19;
	s21 =	sshll.u32 s25, $0x4;
	s23 =	sadd.s32 s12, s22  }
0x1a: {  	s19 =	sadd.s32 s13, s22;
	s25 =	sshrl.u32 s24, $0x3;
	s22 =	sadd.s32 s26, s13  }
0x1b: {  	s24 =	simm.s32 $0x14000;
	s15 =	sadd.s32 s0, s15;
	s0 =	sadd.s32 s0, s21  }
0x1c: {  	[dreg:$0xa] =	wrdreg s23;
	s20 =	sadd.s32 s25, s13;
	s21 =	sadd.s32 s25, s12  }
0x1d: {  	s23 =	sadd.s32 s26, s12;
	s25 =	simm.s32 $0x5;
	s26 =	simm.s32 $0x1C000  }
0x1e: {  	s12 =	simm.s32 $0x18000;
	s13 =	simm.s32 $0x2;
	[dreg:$0x6] =	wrdreg s15  }
0x1f: {  	v0 =	vimm.f32 $0.0e+00;
	[dreg:$0x8] =	wrdreg s0;
	s0 =	simm.s32 $0x1;
	s15 =	simm.s32 $0x0  }
.LBB2_1:
0x20: {  	s16 =	simm.s32 $0x0;
	s17 =	simm.s32 $0x200  }
.LBB2_2:
0x21: {  	p0 =	sne.s32 s17, $0xFE00;
	[tilespmem:s16+$0x14070] =	vst v0  }
0x22: {  	[tilespmem:s16+$0x14000] =	vst v0  }
0x23: {  	[tilespmem:s16+$0x14010] =	vst v0  }
.Ltmp0:
0x24: {  	[tilespmem:s16+$0x14020] =	vst v0;
	(pc) =	sbr.rel @p0 .LBB2_2-.Ltmp0, $4  }
0x25: {  	[tilespmem:s16+$0x14030] =	vst v0  }
0x26: {  	[tilespmem:s16+$0x14040] =	vst v0  }
0x27: {  	[tilespmem:s16+$0x14050] =	vst v0  }
0x28: {  	[tilespmem:s16+$0x14060] =	vst v0;
	s16 =	sshra.s32 s17, $0x2;
	s17 =	sadd.s32 $0x200, s17  }
0x29: {  	[tilespmem:s16+$0x14070] =	vst v0  }
0x2a: {  	[tilespmem:s16+$0x14000] =	vst v0  }
0x2b: {  	[tilespmem:s16+$0x14010] =	vst v0  }
0x2c: {  	[tilespmem:s16+$0x14020] =	vst v0  }
0x2d: {  	[tilespmem:s16+$0x14030] =	vst v0  }
0x2e: {  	[tilespmem:s16+$0x14040] =	vst v0  }
0x2f: {  	[tilespmem:s16+$0x14050] =	vst v0  }
0x30: {  	[tilespmem:s16+$0x14060] =	vst v0  }
0x31: {  	[spmem:s5] =	stream.linear.scatter [tilespmem:s24], [sflag:$0x5], $0x4000, $0x38;
	[tilespmem:$0x1C200] =	vst v63  }
0x32: {  	_ =	swait.ge [sflag:s25], $0x4000  }
0x33: {  	[sflag:s25] =	ssyncset.done $0x0  }
0x34: {  	[sflag:s25] =	ssyncadd.s32 $0xFFFFC000  }
0x35: {  	[spmem:s6] =	stream.linear.scatter [tilespmem:s24], [sflag:$0x5], $0x4000, $0x38;
	[tilespmem:$0x1C200] =	vst v63  }
0x36: {  	_ =	swait.ge [sflag:s25], $0x4000  }
0x37: {  	[sflag:s25] =	ssyncset.done $0x0  }
0x38: {  	[sflag:s25] =	ssyncadd.s32 $0xFFFFC000  }
0x39: {  	[spmem:s7] =	stream.linear.scatter [tilespmem:s24], [sflag:$0x5], $0x4000, $0x38;
	[tilespmem:$0x1C200] =	vst v63  }
0x3a: {  	_ =	swait.ge [sflag:s25], $0x4000  }
0x3b: {  	[sflag:s25] =	ssyncset.done $0x0  }
0x3c: {  	[sflag:s25] =	ssyncadd.s32 $0xFFFFC000  }
0x3d: {  	[spmem:s8] =	stream.linear.scatter [tilespmem:s24], [sflag:$0x5], $0x4000, $0x38;
	[tilespmem:$0x1C200] =	vst v63  }
0x3e: {  	_ =	swait.ge [sflag:s25], $0x4000  }
0x3f: {  	[sflag:s25] =	ssyncset.done $0x0  }
0x40: {  	[sflag:s25] =	ssyncadd.s32 $0xFFFFC000  }
0x41: {  	[spmem:s9] =	stream.linear.scatter [tilespmem:s24], [sflag:$0x5], $0x4000, $0x38;
	[tilespmem:$0x1C200] =	vst v63  }
0x42: {  	_ =	swait.ge [sflag:s25], $0x4000  }
0x43: {  	[sflag:s25] =	ssyncset.done $0x0  }
0x44: {  	[sflag:s25] =	ssyncadd.s32 $0xFFFFC000  }
0x45: {  	s18 =	simm.s32 $0x0;
	[bflag:$0x0] =	sbarrier.arrive $0xFFFF  }
0x46: {  	[tilespmem:s26], [sflag:$0x5] =	stream.linear.gather [hbm4b:s10+s18], $0x80, $0x38;
	[tilespmem:$0x1C200] =	vst v63  }
0x47: {  	_ =	swait.ge [sflag:s25], $0x80  }
0x48: {  	[sflag:s25] =	ssyncset.done $0x0  }
0x49: {  	[sflag:s25] =	ssyncadd.s32 $0xFFFFFF80  }
0x4a: {  	[tilespmem:s28], [sflag:$0x5] =	stream.linear.gather [hbm4b:s11+s18], $0x80, $0x38;
	[tilespmem:$0x1C200] =	vst v63  }
0x4b: {  	_ =	swait.ge [sflag:s25], $0x80  }
0x4c: {  	[sflag:s25] =	ssyncset.done $0x0  }
0x4d: {  	[sflag:s25] =	ssyncadd.s32 $0xFFFFFF80  }
0x4e: {  	[tilespmem:s24], [sflag:$0x1] =	stream.indirect.gather [hbm4b:s1+s29], $0x80, s26, s29, $0xb8;
	[tilespmem:$0x1C200] =	vst v63  }
0x4f: {  	s17 =	sadd.s32 $0x0, s23  }
0x50: {  	[tilespmem:s30], [sflag:$0x4] =	stream.linear.gather [hbm4b:s17+s3], $0x80, $0x38;
	[tilespmem:$0x1C200] =	vst v63  }
0x51: {  	s18 =	sadd.s32 $0x0, s22  }
0x52: {  	[tilespmem:s31], [sflag:$0x4] =	stream.linear.gather [hbm4b:s18+s3], $0x80, $0x38;
	[tilespmem:$0x1C200] =	vst v63  }
0x53: {  	_ =	swait.ge [sflag:s0], $0x4000  }
0x54: {  	[sflag:s0] =	ssyncset.done $0x0  }
0x55: {  	[sflag:s0] =	ssyncadd.s32 $0xFFFFC000  }
0x56: {  	_ =	swait.ge [sflag:s4], $0x80  }
0x57: {  	[sflag:s4] =	ssyncset.done $0x0  }
0x58: {  	[sflag:s4] =	ssyncadd.s32 $0xFFFFFF80  }
0x59: {  	_ =	swait.ge [sflag:s4], $0x80  }
0x5a: {  	[sflag:s4] =	ssyncset.done $0x0  }
0x5b: {  	[sflag:s4] =	ssyncadd.s32 $0xFFFFFF80  }
0x5c: {  	[tilespmem:s12], [sflag:$0x2] =	stream.indirect.gather [hbm4b:s1+s29], $0x80, s30, s29, $0xb8;
	[tilespmem:$0x1C200] =	vst v63  }
0x5d: {  	_ = 	snop  }
0x5e: {  	[spmem:s2] =	stream.indirect.scatter.add.f32 [tilespmem:s24], [sflag:$0x5], $0x80, s28, s29, $0xb8;
	[tilespmem:$0x1C200] =	vst v63  }
0x5f: {  	_ =	swait.ge [sflag:s25], $0x4000  }
0x60: {  	[sflag:s25] =	ssyncset.done $0x0  }
0x61: {  	s17 =	sadd.s32 $0x0, s21;
	[sflag:s25] =	ssyncadd.s32 $0xFFFFC000  }
0x62: {  	[tilespmem:s26], [sflag:$0x3] =	stream.linear.gather [hbm4b:s17+s3], $0x80, $0x38;
	[tilespmem:$0x1C200] =	vst v63  }
0x63: {  	s18 =	sadd.s32 $0x0, s20  }
0x64: {  	[tilespmem:s28], [sflag:$0x3] =	stream.linear.gather [hbm4b:s18+s3], $0x80, $0x38;
	[tilespmem:$0x1C200] =	vst v63  }
0x65: {  	_ =	swait.ge [sflag:s13], $0x4000  }
0x66: {  	[sflag:s13] =	ssyncset.done $0x0  }
0x67: {  	[sflag:s13] =	ssyncadd.s32 $0xFFFFC000  }
0x68: {  	_ =	swait.ge [sflag:s14], $0x80  }
0x69: {  	[sflag:s14] =	ssyncset.done $0x0  }
0x6a: {  	[sflag:s14] =	ssyncadd.s32 $0xFFFFFF80  }
0x6b: {  	_ =	swait.ge [sflag:s14], $0x80  }
0x6c: {  	[sflag:s14] =	ssyncset.done $0x0  }
0x6d: {  	[sflag:s14] =	ssyncadd.s32 $0xFFFFFF80  }
0x6e: {  	[tilespmem:s24], [sflag:$0x1] =	stream.indirect.gather [hbm4b:s1+s29], $0x80, s26, s29, $0xb8;
	[tilespmem:$0x1C200] =	vst v63  }
0x6f: {  	_ = 	snop  }
0x70: {  	[spmem:s2] =	stream.indirect.scatter.add.f32 [tilespmem:s12], [sflag:$0x5], $0x80, s31, s29, $0xb8;
	[tilespmem:$0x1C200] =	vst v63  }
0x71: {  	_ =	swait.ge [sflag:s25], $0x4000  }
0x72: {  	s16 =	simm.s32 $0x20;
	[sflag:s25] =	ssyncset.done $0x0  }
.LBB2_4:
0x73: {  	p0 =	sne.s32 s16, $0x4C0  }
0x74: {  	[sflag:s25] =	ssyncadd.s32 $0xFFFFC000;
	s17 =	smov.u32 s16;
	s16 =	sadd.s32 $0x20, s16  }
0x75: {  	s18 =	sadd.s32 s17, s23  }
0x76: {  	[tilespmem:s30], [sflag:$0x4] =	stream.linear.gather [hbm4b:s18+s3], $0x80, $0x38;
	[tilespmem:$0x1C200] =	vst v63  }
0x77: {  	s18 =	sadd.s32 s17, s22  }
0x78: {  	[tilespmem:s31], [sflag:$0x4] =	stream.linear.gather [hbm4b:s18+s3], $0x80, $0x38;
	[tilespmem:$0x1C200] =	vst v63  }
0x79: {  	_ =	swait.ge [sflag:s0], $0x4000  }
0x7a: {  	[sflag:s0] =	ssyncset.done $0x0  }
0x7b: {  	[sflag:s0] =	ssyncadd.s32 $0xFFFFC000  }
0x7c: {  	_ =	swait.ge [sflag:s4], $0x80  }
0x7d: {  	[sflag:s4] =	ssyncset.done $0x0  }
0x7e: {  	[sflag:s4] =	ssyncadd.s32 $0xFFFFFF80  }
0x7f: {  	_ =	swait.ge [sflag:s4], $0x80  }
0x80: {  	[sflag:s4] =	ssyncset.done $0x0  }
0x81: {  	[sflag:s4] =	ssyncadd.s32 $0xFFFFFF80  }
0x82: {  	[tilespmem:s12], [sflag:$0x2] =	stream.indirect.gather [hbm4b:s1+s29], $0x80, s30, s29, $0xb8;
	[tilespmem:$0x1C200] =	vst v63  }
0x83: {  	_ = 	snop  }
0x84: {  	[spmem:s2] =	stream.indirect.scatter.add.f32 [tilespmem:s24], [sflag:$0x5], $0x80, s28, s29, $0xb8;
	[tilespmem:$0x1C200] =	vst v63  }
0x85: {  	_ =	swait.ge [sflag:s25], $0x4000  }
0x86: {  	[sflag:s25] =	ssyncset.done $0x0  }
0x87: {  	s18 =	sadd.s32 s17, s21;
	[sflag:s25] =	ssyncadd.s32 $0xFFFFC000  }
0x88: {  	[tilespmem:s26], [sflag:$0x3] =	stream.linear.gather [hbm4b:s18+s3], $0x80, $0x38;
	[tilespmem:$0x1C200] =	vst v63  }
0x89: {  	s17 =	sadd.s32 s17, s20  }
0x8a: {  	[tilespmem:s28], [sflag:$0x3] =	stream.linear.gather [hbm4b:s17+s3], $0x80, $0x38;
	[tilespmem:$0x1C200] =	vst v63  }
0x8b: {  	_ =	swait.ge [sflag:s13], $0x4000  }
0x8c: {  	[sflag:s13] =	ssyncset.done $0x0  }
0x8d: {  	[sflag:s13] =	ssyncadd.s32 $0xFFFFC000  }
0x8e: {  	_ =	swait.ge [sflag:s14], $0x80  }
0x8f: {  	[sflag:s14] =	ssyncset.done $0x0  }
0x90: {  	[sflag:s14] =	ssyncadd.s32 $0xFFFFFF80  }
0x91: {  	_ =	swait.ge [sflag:s14], $0x80  }
0x92: {  	[sflag:s14] =	ssyncset.done $0x0  }
0x93: {  	[sflag:s14] =	ssyncadd.s32 $0xFFFFFF80  }
0x94: {  	[tilespmem:s24], [sflag:$0x1] =	stream.indirect.gather [hbm4b:s1+s29], $0x80, s26, s29, $0xb8;
	[tilespmem:$0x1C200] =	vst v63  }
.Ltmp1:
0x95: {  	_ = 	snop;
	(pc) =	sbr.rel @p0 .LBB2_4-.Ltmp1, $4  }
0x96: {  	_ = 	snop  }
0x97: {  	[spmem:s2] =	stream.indirect.scatter.add.f32 [tilespmem:s12], [sflag:$0x5], $0x80, s31, s29, $0xb8;
	[tilespmem:$0x1C200] =	vst v63  }
0x98: {  	_ =	swait.ge [sflag:s25], $0x4000  }
0x99: {  	[sflag:s25] =	ssyncset.done $0x0  }
0x9a: {  	[sflag:s25] =	ssyncadd.s32 $0xFFFFC000;
	s16 =	rddreg [dreg:$0xa]  }
0x9b: {  	[tilespmem:s30], [sflag:$0x4] =	stream.linear.gather [hbm4b:s16+s3], $0x80, $0x38;
	[tilespmem:$0x1C200] =	vst v63  }
0x9c: {  	_ = 	snop  }
0x9d: {  	[tilespmem:s31], [sflag:$0x4] =	stream.linear.gather [hbm4b:s19+s3], $0x80, $0x38;
	[tilespmem:$0x1C200] =	vst v63  }
0x9e: {  	_ =	swait.ge [sflag:s0], $0x4000  }
0x9f: {  	[sflag:s0] =	ssyncset.done $0x0  }
0xa0: {  	[sflag:s0] =	ssyncadd.s32 $0xFFFFC000  }
0xa1: {  	_ =	swait.ge [sflag:s4], $0x80  }
0xa2: {  	[sflag:s4] =	ssyncset.done $0x0  }
0xa3: {  	[sflag:s4] =	ssyncadd.s32 $0xFFFFFF80  }
0xa4: {  	_ =	swait.ge [sflag:s4], $0x80  }
0xa5: {  	[sflag:s4] =	ssyncset.done $0x0  }
0xa6: {  	[sflag:s4] =	ssyncadd.s32 $0xFFFFFF80  }
0xa7: {  	[tilespmem:s12], [sflag:$0x2] =	stream.indirect.gather [hbm4b:s1+s29], $0x80, s30, s29, $0xb8;
	[tilespmem:$0x1C200] =	vst v63  }
0xa8: {  	_ = 	snop  }
0xa9: {  	[spmem:s2] =	stream.indirect.scatter.add.f32 [tilespmem:s24], [sflag:$0x5], $0x80, s28, s29, $0xb8;
	[tilespmem:$0x1C200] =	vst v63  }
0xaa: {  	_ =	swait.ge [sflag:s25], $0x4000  }
0xab: {  	[sflag:s25] =	ssyncset.done $0x0  }
0xac: {  	[sflag:s25] =	ssyncadd.s32 $0xFFFFC000  }
0xad: {  	[tilespmem:s26], [sflag:$0x3] =	stream.linear.gather [hbm4b:s10+s3], $0x80, $0x38;
	[tilespmem:$0x1C200] =	vst v63  }
0xae: {  	_ = 	snop  }
0xaf: {  	[tilespmem:s28], [sflag:$0x3] =	stream.linear.gather [hbm4b:s11+s3], $0x80, $0x38;
	[tilespmem:$0x1C200] =	vst v63  }
0xb0: {  	_ =	swait.ge [sflag:s13], $0x4000  }
0xb1: {  	[sflag:s13] =	ssyncset.done $0x0  }
0xb2: {  	[sflag:s13] =	ssyncadd.s32 $0xFFFFC000  }
0xb3: {  	_ =	swait.ge [sflag:s14], $0x80  }
0xb4: {  	[sflag:s14] =	ssyncset.done $0x0  }
0xb5: {  	[sflag:s14] =	ssyncadd.s32 $0xFFFFFF80  }
0xb6: {  	_ =	swait.ge [sflag:s14], $0x80  }
0xb7: {  	[sflag:s14] =	ssyncset.done $0x0  }
0xb8: {  	[sflag:s14] =	ssyncadd.s32 $0xFFFFFF80  }
0xb9: {  	[tilespmem:s24], [sflag:$0x1] =	stream.indirect.gather [hbm4b:s1+s29], $0x80, s26, s29, $0xb8;
	[tilespmem:$0x1C200] =	vst v63  }
0xba: {  	_ = 	snop  }
0xbb: {  	[spmem:s2] =	stream.indirect.scatter.add.f32 [tilespmem:s12], [sflag:$0x5], $0x80, s31, s29, $0xb8;
	[tilespmem:$0x1C200] =	vst v63  }
0xbc: {  	_ =	swait.ge [sflag:s25], $0x4000  }
0xbd: {  	[sflag:s25] =	ssyncset.done $0x0  }
0xbe: {  	[sflag:s25] =	ssyncadd.s32 $0xFFFFC000  }
0xbf: {  	_ =	swait.ge [sflag:s0], $0x4000  }
0xc0: {  	[sflag:s0] =	ssyncset.done $0x0  }
0xc1: {  	[sflag:s0] =	ssyncadd.s32 $0xFFFFC000  }
0xc2: {  	[bflag:$0x0] =	sbarrier.arrive $0xFFFF  }
0xc3: {  	[tilespmem:s24], [sflag:$0x5] =	stream.linear.gather [spmem:s5], $0x4000, $0x38;
	[tilespmem:$0x1C200] =	vst v63  }
0xc4: {  	_ =	swait.ge [sflag:s25], $0x4000  }
0xc5: {  	[sflag:s25] =	ssyncset.done $0x0  }
0xc6: {  	s17 =	rddreg [dreg:$0x4];
	[sflag:s25] =	ssyncadd.s32 $0xFFFFC000  }
0xc7: {  	[hbm4b:s17+s3] =	stream.linear.scatter [tilespmem:s24], [sflag:$0x5], $0x4000, $0x38;
	[tilespmem:$0x1C200] =	vst v63  }
0xc8: {  	_ =	swait.ge [sflag:s25], $0x4000  }
0xc9: {  	[sflag:s25] =	ssyncset.done $0x0  }
0xca: {  	[sflag:s25] =	ssyncadd.s32 $0xFFFFC000  }
0xcb: {  	[tilespmem:s24], [sflag:$0x5] =	stream.linear.gather [spmem:s6], $0x4000, $0x38;
	[tilespmem:$0x1C200] =	vst v63  }
0xcc: {  	_ =	swait.ge [sflag:s25], $0x4000  }
0xcd: {  	[sflag:s25] =	ssyncset.done $0x0  }
0xce: {  	s18 =	rddreg [dreg:$0x5];
	[sflag:s25] =	ssyncadd.s32 $0xFFFFC000  }
0xcf: {  	[hbm4b:s18+s3] =	stream.linear.scatter [tilespmem:s24], [sflag:$0x5], $0x4000, $0x38;
	[tilespmem:$0x1C200] =	vst v63  }
0xd0: {  	_ =	swait.ge [sflag:s25], $0x4000  }
0xd1: {  	[sflag:s25] =	ssyncset.done $0x0  }
0xd2: {  	[sflag:s25] =	ssyncadd.s32 $0xFFFFC000  }
0xd3: {  	[tilespmem:s24], [sflag:$0x5] =	stream.linear.gather [spmem:s7], $0x4000, $0x38;
	[tilespmem:$0x1C200] =	vst v63  }
0xd4: {  	_ =	swait.ge [sflag:s25], $0x4000  }
0xd5: {  	[sflag:s25] =	ssyncset.done $0x0  }
0xd6: {  	s17 =	rddreg [dreg:$0x6];
	[sflag:s25] =	ssyncadd.s32 $0xFFFFC000  }
0xd7: {  	[hbm4b:s17+s3] =	stream.linear.scatter [tilespmem:s24], [sflag:$0x5], $0x4000, $0x38;
	[tilespmem:$0x1C200] =	vst v63  }
0xd8: {  	_ =	swait.ge [sflag:s25], $0x4000  }
0xd9: {  	[sflag:s25] =	ssyncset.done $0x0  }
0xda: {  	[sflag:s25] =	ssyncadd.s32 $0xFFFFC000  }
0xdb: {  	[tilespmem:s24], [sflag:$0x5] =	stream.linear.gather [spmem:s8], $0x4000, $0x38;
	[tilespmem:$0x1C200] =	vst v63  }
0xdc: {  	_ =	swait.ge [sflag:s25], $0x4000  }
0xdd: {  	[sflag:s25] =	ssyncset.done $0x0  }
0xde: {  	s18 =	rddreg [dreg:$0x7];
	[sflag:s25] =	ssyncadd.s32 $0xFFFFC000  }
0xdf: {  	[hbm4b:s18+s3] =	stream.linear.scatter [tilespmem:s24], [sflag:$0x5], $0x4000, $0x38;
	[tilespmem:$0x1C200] =	vst v63  }
0xe0: {  	_ =	swait.ge [sflag:s25], $0x4000  }
0xe1: {  	[sflag:s25] =	ssyncset.done $0x0  }
0xe2: {  	[sflag:s25] =	ssyncadd.s32 $0xFFFFC000  }
0xe3: {  	[tilespmem:s24], [sflag:$0x5] =	stream.linear.gather [spmem:s9], $0x4000, $0x38;
	[tilespmem:$0x1C200] =	vst v63  }
0xe4: {  	_ =	swait.ge [sflag:s25], $0x4000  }
0xe5: {  	[sflag:s25] =	ssyncset.done $0x0  }
0xe6: {  	s17 =	rddreg [dreg:$0x8];
	[sflag:s25] =	ssyncadd.s32 $0xFFFFC000  }
0xe7: {  	[hbm4b:s17+s3] =	stream.linear.scatter [tilespmem:s24], [sflag:$0x5], $0x4000, $0x38;
	[tilespmem:$0x1C200] =	vst v63  }
0xe8: {  	_ =	swait.ge [sflag:s25], $0x4000  }
0xe9: {  	s15 =	sadd.s32 $0x1, s15;
	s18 =	rddreg [dreg:$0x9]  }
0xea: {  	p0 =	sne.s32 s15, s18  }
.Ltmp2:
0xeb: {  	_ = 	snop;
	(pc) =	sbr.rel @p0 .LBB2_1-.Ltmp2, $3  }
0xec: {  	_ =	sdelay $0x1  }
0xed: {  	[sflag:s25] =	ssyncset.done $0x0  }
0xee: {  	[sflag:s25] =	ssyncadd.s32 $0xFFFFC000  }
0xef: {  	_ =	sfence.sel $0x180000  }
0xf0: {  	[bflag:$0x0] =	sbarrier.arrive $0xFFFF  }
0xf1: {  	_ =	strace $0x9000004A  }
0xf2: {  	s0 =	stileid.u32;
	[bflag:$0x2] =	sbarrier.arrive $0xFFFF  }
0xf3: {  	p0 =	sne.s32 s0, $0x0;
	s0 =	rddreg [dreg:$0x3]  }
0xf4: {  	s0 =	sadd.s32 @!p0 $0x100000, s0  }
0xf5: {  	[sflag:s0] =	ssyncadd.tile.s32 @!p0 $0x1;
	_ =	shalt  }
.Lfunc_end2:
_tile_overlayer_lowered:
.L_overlay_start_2:
0xf6: {  	(tag) =	ssettag $0x2  }
0xf7: {  	s0 =	rddreg [dreg:$0x0];
	s2 =	stileid.u32  }
0xf8: {  	s1 =	rddreg [dreg:$0x1];
	p0 =	sne.s32 s2, $0x0  }
0xf9: {  	s3 =	rddreg [dreg:$0x2];
	[bflag:$0x3] =	sbarrier.arrive $0xFFFF;
	s2 =	simm.s32 @!p0 $0x1C05  }
0xfa: {  	[timem:s3], [sflag:s2] =	dma.local @!p0 [hbm:s0], s1  }
0xfb: {  	s0 =	simm.s32 @!p0 $0x5  }
0xfc: {  	_ =	swait.ge @!p0 [sflag:s0], s1  }
0xfd: {  	s1 =	ssub.s32 @!p0 $0x0, s1;
	[sflag:s0] =	ssyncset.done @!p0 $0x0  }
0xfe: {  	[sflag:s0] =	ssyncadd.s32 @!p0 s1  }
0xff: {  	[bflag:$0x3] =	sbarrier.arrive $0xFFFF  }
0x100: {  	_ =	shalt  }

// kernel: kernel.17.cloned.1.call-start
scs
__scs_entry_jumppad:
0x0: {  	(pc) =	sbr.rel $0x88, $3  }
0x1: {  	(tag) =	ssettag $0x0;
	lr =	simm.s32 $0x1  }
0x2: {  	[smem:$0x3F99] =	sst lr;
	_ =	strace $0xD0000000  }
0x3: {  	_ = 	snop  }
0x4: {  	_ = 	snop  }
0x5: {  	_ = 	snop  }
0x6: {  	_ = 	snop  }
0x7: {  	_ = 	snop  }
__scs_overlays_trampoline_lowered:
0x8: {  	[smem:$0x3FA8] =	sst s0  }
0x9: {  	[smem:$0x3FA9] =	sst s1  }
0xa: {  	[smem:$0x3FAA] =	sst s2  }
0xb: {  	[smem:$0x3FAB] =	sst s3  }
0xc: {  	[smem:$0x3FAC] =	sst s4  }
0xd: {  	[smem:$0x3FAD] =	sst s5  }
0xe: {  	[smem:$0x3FAE] =	sst s6  }
0xf: {  	[smem:$0x3FAF] =	sst s7  }
0x10: {  	[smem:$0x3FB0] =	sst s8  }
0x11: {  	[smem:$0x3FB1] =	sst s9;
	s0 =	simm.s32 @!p0 $0x0  }
0x12: {  	s1 =	sld [smem:$0x3F97];
	s0 =	simm.s32 @p0 $0x1  }
0x13: {  	[smem:$0x3FB2] =	sst s0;
	s0 =	simm.s32 @!p1 $0x0  }
0x14: {  	s2 =	sld [smem:$0x3F96];
	s0 =	simm.s32 @p1 $0x1  }
0x15: {  	[smem:$0x3FB3] =	sst s0;
	s0 =	simm.s32 @!p2 $0x0  }
0x16: {  	s3 =	sld [smem:$0x3FDB];
	s0 =	simm.s32 @p2 $0x1  }
0x17: {  	s4 =	simm.s32 $0x1BF5;
	[smem:$0x3FB5] =	sst s0  }
0x18: {  	s0 =	sld [smem:$0x3F98];
	_ =	swait.ge [sflag:s4], $0x0  }
0x19: {  	s7 =	sld [smem:$0x3F99]  }
0x1a: {  	s8 =	sadd.s32 $0xFFFFE003, lr  }
0x1b: {  	s9 =	sadd.s32 $0xFFFFFEF7, lr;
	s5 =	simm.s32 $0xFFFFFFFF;
	p2 =	slt.u32 s8, $0xFFFFF086  }
0x1c: {  	p1 =	slt.u32 s9, $0xF7A;
	s5 =	simm.s32 @!p2 $0x0  }
0x1d: {  	s5 =	simm.s32 @p1 $0x1;
	p0 =	seq.s32 s7, s2  }
0x1e: {  	s7 =	smul.u32 @!p0 $0xF7A, s2;
	p2 =	seq.s32 @!p0 s5, $0x0  }
0x1f: {  	s9 =	smul.u32 $0xF7A, s1;
	s8 =	simm.s32 @!p0 $0x1BF5;
	p2 =	por !p2, p0  }
0x20: {  	[sflag:s8] =	ssyncset.s32 @!p0 $0xFFFFF086;
	s6 =	sadd.s32 @!p0 s3, s7;
	s7 =	simm.s32 @!p0 $0x108  }
0x21: {  	s3 =	sadd.s32 s3, s9;
	s6 =	sadd.s32 @!p0 $0x88, s6;
	s7 =	simm.s32 @p2 $0x1082  }
0x22: {  	[simem:s7], [sflag:s8] =	dma.local @!p0 [hbm:s6], $0xF7A  }
0x23: {  	s9 =	sor.u32 $0xD0000000, s2;
	s6 =	simm.s32 $0x108;
	_ =	swait.ge @!p0 [sflag:s8], $0x0  }
0x24: {  	s3 =	sadd.s32 $0x88, s3;
	s6 =	simm.s32 @!p1 $0x1082;
	[sflag:s4] =	ssyncset.s32 $0xFFFFF086  }
0x25: {  	[simem:s6], [sflag:s4] =	dma.local [hbm:s3], $0xF7A  }
0x26: {  	[smem:$0x3F99] =	sst s1;
	(tag) =	ssettag s2;
	_ =	strace s9  }
0x27: {  	s1 =	sld [smem:$0x3FA9]  }
0x28: {  	s2 =	sld [smem:$0x3FAA]  }
0x29: {  	s4 =	sld [smem:$0x3FAC]  }
0x2a: {  	p0 =	seq.s32 s5, $0x0;
	s5 =	sld [smem:$0x3FAD]  }
0x2b: {  	s6 =	sld [smem:$0x3FAE]  }
0x2c: {  	s7 =	sld [smem:$0x3FAF]  }
0x2d: {  	s3 =	simm.s32 $0x108;
	s8 =	sld [smem:$0x3FB0]  }
0x2e: {  	s3 =	simm.s32 @!p0 $0x1082;
	s9 =	sld [smem:$0x3FB1]  }
0x2f: {  	lr =	sadd.s32 s0, s3;
	s0 =	sld [smem:$0x3FA8]  }
0x30: {  	s3 =	sld [smem:$0x3FAB]  }
0x31: {  	[smem:$0x3FB4] =	sst s10  }
0x32: {  	s10 =	sld [smem:$0x3FB2];
	_ =	sdelay $0x3  }
0x33: {  	p0 =	seq.s32 s10, $0x1;
	s10 =	sld [smem:$0x3FB4];
	_ =	sdelay $0x3  }
0x34: {  	[smem:$0x3FB4] =	sst s10  }
0x35: {  	s10 =	sld [smem:$0x3FB3];
	_ =	sdelay $0x3  }
0x36: {  	p1 =	seq.s32 s10, $0x1;
	s10 =	sld [smem:$0x3FB4];
	_ =	sdelay $0x3  }
0x37: {  	[smem:$0x3FB4] =	sst s10  }
0x38: {  	s10 =	sld [smem:$0x3FB5]  }
0x39: {  	_ = 	snop;
	(pc) =	sbr.ind lr, $3  }
0x3a: {  	_ = 	snop  }
0x3b: {  	_ = 	snop  }
0x3c: {  	p2 =	seq.s32 s10, $0x1;
	s10 =	sld [smem:$0x3FB4]  }
0x3d: {  	_ =	shalt  }
0x3e: {  	_ =	shalt  }
0x3f: {  	_ =	shalt  }
0x40: {  	_ =	shalt  }
0x41: {  	_ =	shalt  }
0x42: {  	_ =	shalt  }
0x43: {  	_ =	shalt  }
0x44: {  	_ =	shalt  }
0x45: {  	_ =	shalt  }
0x46: {  	_ =	shalt  }
0x47: {  	_ =	shalt  }
0x48: {  	_ =	shalt  }
0x49: {  	_ =	shalt  }
0x4a: {  	_ =	shalt  }
0x4b: {  	_ =	shalt  }
0x4c: {  	_ =	shalt  }
0x4d: {  	_ =	shalt  }
0x4e: {  	_ =	shalt  }
0x4f: {  	_ =	shalt  }
0x50: {  	_ =	shalt  }
0x51: {  	_ =	shalt  }
0x52: {  	_ =	shalt  }
0x53: {  	_ =	shalt  }
0x54: {  	_ =	shalt  }
0x55: {  	_ =	shalt  }
0x56: {  	_ =	shalt  }
0x57: {  	_ =	shalt  }
0x58: {  	_ =	shalt  }
0x59: {  	_ =	shalt  }
0x5a: {  	_ =	shalt  }
0x5b: {  	_ =	shalt  }
0x5c: {  	_ =	shalt  }
0x5d: {  	_ =	shalt  }
0x5e: {  	_ =	shalt  }
0x5f: {  	_ =	shalt  }
0x60: {  	_ =	shalt  }
0x61: {  	_ =	shalt  }
0x62: {  	_ =	shalt  }
0x63: {  	_ =	shalt  }
0x64: {  	_ =	shalt  }
0x65: {  	_ =	shalt  }
0x66: {  	_ =	shalt  }
0x67: {  	_ =	shalt  }
0x68: {  	_ =	shalt  }
0x69: {  	_ =	shalt  }
0x6a: {  	_ =	shalt  }
0x6b: {  	_ =	shalt  }
0x6c: {  	_ =	shalt  }
0x6d: {  	_ =	shalt  }
0x6e: {  	_ =	shalt  }
0x6f: {  	_ =	shalt  }
0x70: {  	_ =	shalt  }
0x71: {  	_ =	shalt  }
0x72: {  	_ =	shalt  }
0x73: {  	_ =	shalt  }
0x74: {  	_ =	shalt  }
0x75: {  	_ =	shalt  }
0x76: {  	_ =	shalt  }
0x77: {  	_ =	shalt  }
0x78: {  	_ =	shalt  }
0x79: {  	_ =	shalt  }
0x7a: {  	_ =	shalt  }
0x7b: {  	_ =	shalt  }
0x7c: {  	_ =	shalt  }
0x7d: {  	_ =	shalt  }
0x7e: {  	_ =	shalt  }
0x7f: {  	_ =	shalt  }
0x80: {  	_ =	shalt  }
0x81: {  	_ =	shalt  }
0x82: {  	_ =	shalt  }
0x83: {  	_ =	shalt  }
0x84: {  	_ =	shalt  }
0x85: {  	_ =	shalt  }
0x86: {  	_ =	shalt  }
0x87: {  	_ =	shalt  }
.Lfunc_end0:
.L_simem_size_0:
called_computation.2_lowered:
.L_overlay_start_0:
0x88: {  	s2 =	sld [smem:$0x3FD9]  }
0x89: {  	s3 =	sld [smem:$0x3FFE];
	_ =	sdelay $0x1  }
0x8a: {  	s1 =	srdreg.scid  }
0x8b: {  	s0 =	sand.u32 $0x1, s1  }
0x8c: {  	s17 =	sshll.u32 s0, $0xA;
	s2 =	sadd.s32 s3, s2  }
0x8d: {  	s2 =	sadd.s32 s2, s17  }
0x8e: {  	[smem:$0x3FC0] =	sst s2  }
0x8f: {  	_ = 	snop  }
0x90: {  	s2 =	sld [smem:$0x3FD0];
	(tm) =	ssettm $0x1  }
0x91: {  	s18 =	sld [smem:$0x3FFB];
	_ =	sdelay $0x3  }
0x92: {  	_ =	strace s18  }
0x93: {  	s3 =	sld [smem:$0x3FFC];
	_ =	sdelay $0x3  }
0x94: {  	_ =	strace s3  }
0x95: {  	s3 =	sld [smem:$0x3FFD];
	_ =	sdelay $0x3  }
0x96: {  	_ =	strace s3  }
0x97: {  	_ =	strace $0x8FFFFFFF  }
0x98: {  	s19 =	sld [smem:$0x3FDB];
	_ =	sdelay $0x1  }
0x99: {  	s4 =	simm.s32 $_scs_section_size  }
0x9a: {  	s5 =	simm.s32 $_size__tile_overlayer_lowered;
	s6 =	simm.s32 $_tile_overlayer_lowered  }
0x9b: {  	s22 =	simm.s32 $0x1BFF;
	s21 =	sshll.u32 s6, $0x1;
	s3 =	sadd.s32 s4, s19  }
0x9c: {  	s7 =	simm.s32 $0x0;
	s20 =	sshll.u32 s5, $0x1;
	s5 =	sadd.s32 s21, s3  }
0x9d: {  	[timem:s7], [sflag:s22] =	dma.local [hbm:s5], s20  }
0x9e: {  	_ =	swait.ge [sflag:s22], s20  }
0x9f: {  	s4 =	ssub.s32 $0x0, s20;
	[sflag:s22] =	ssyncset.done $0x0  }
0xa0: {  	[sflag:s22] =	ssyncadd.s32 s4;
	_ =	sdelay $0x1  }
0xa1: {  	s23 =	simm.s32 $0x1B8B  }
0xa2: {  	_ =	swait.ge [sflag:s23], $0x1  }
0xa3: {  	[sflag:s23] =	ssyncset.done $0x0  }
0xa4: {  	s25 =	simm.s32 $0x1B8E;
	s24 =	sld [smem:$0x3FFE];
	[sflag:s23] =	ssyncadd.s32 $0xFFFFFFFF  }
0xa5: {  	s26 =	simm.s32 $execute0_lowered;
	[smem:$0x3FD2] =	sst s25  }
0xa6: {  	s5 =	sshll.u32 s26, $0x1;
	_ =	strace $0x8000004C;
	[dreg:$0x1] =	wrdreg $0xFFFFFFFF  }
0xa7: {  	s28 =	simm.s32 $_size_execute0_lowered;
	s3 =	sadd.s32 s3, s5;
	[dreg:$0x0] =	wrdreg $0x0  }
0xa8: {  	s5 =	sshll.u32 s28, $0x1;
	[dreg:$0x2] =	wrdreg s3  }
0xa9: {  	[dreg:$0x3] =	wrdreg s5  }
0xaa: {  	[dreg:$0x4] =	wrdreg $0xC0  }
0xab: {  	_ =	task [dreg:s7], $0x5FFFF  }
0xac: {  	[dreg:$0x1] =	wrdreg $0xFFFFFFFF  }
0xad: {  	[dreg:$0x0] =	wrdreg $0x60  }
0xae: {  	[dreg:$0x2] =	wrdreg s2  }
0xaf: {  	[dreg:$0x3] =	wrdreg s24  }
0xb0: {  	[dreg:$0x4] =	wrdreg $0x0  }
0xb1: {  	[dreg:$0x5] =	wrdreg $0x9  }
0xb2: {  	_ =	task.clear_ibuf [dreg:s7], $0x6FFFF;
	_ =	strace $0x9000004C  }
0xb3: {  	s29 =	simm.s32 $0x9;
	_ =	strace $0x8000004E  }
0xb4: {  	_ =	swait.ge [sflag:s29], $0x1  }
0xb5: {  	[sflag:s29] =	ssyncadd.s32 $0xFFFFFFFF  }
0xb6: {  	_ =	strace $0x9000004E  }
0xb7: {  	_ =	sfence  }
0xb8: {  	s30 =	sld [smem:$0x0];
	_ =	sdelay $0x2  }
0xb9: {  	s31 =	sshll.u32 s1, $0xD;
	s1 =	sshrl.u32 s1, $0x2  }
0xba: {  	s3 =	sand.u32 $0x4000, s31;
	s1 =	sadd.s32 s1, s30  }
0xbb: {  	s0 =	sor.u32 s3, s0;
	s1 =	sshll.u32 s1, $0x11  }
0xbc: {  	s0 =	sor.u32 s1, s0  }
0xbd: {  	s0 =	sadd.s32 $0x8F2B, s0  }
0xbe: {  	[sflag:s0] =	ssyncadd.remote.s32 $0x1  }
0xbf: {  	_ =	sfence.sel $0xFFFF  }
0xc0: {  	[dreg:$0x0] =	wrdreg $0xFFFFFFFF;
	(pc) =	sbr.abs _section_cstart, $3  }
0xc1: {  	[dreg:$0x1] =	wrdreg $0xFFFFFFFF  }
0xc2: {  	_ =	task.clear_ibuf [dreg:s7], $0x2FFFF;
	_ =	strace $0x9FFFFFFF  }
0xc3: {  	(tm) =	ssettm $0x7FFFFFFF  }
tec
execute0_lowered:
.L_overlay_start_1:
0x0: {  	(tag) =	ssettag $0x1  }
0x1: {  	s1 =	rddreg [dreg:$0x0]  }
0x2: {  	s0 =	rddreg [dreg:$0x1]  }
0x3: {  	s2 =	rddreg [dreg:$0x2];
	s3 =	simm.s32 $0x0  }
0x4: {  	s4 =	srdreg.scid;
	s22 =	stileid.u32;
	s28 =	simm.s32 $0x1C080  }
0x5: {  	s29 =	simm.s32 $0x80;
	s30 =	simm.s32 $0x1C100;
	s31 =	simm.s32 $0x1C180  }
0x6: {  	[smem:$0x7FF] =	sst s3;
	s12 =	sadd.s32 $0xD400, s0;
	s11 =	smul.u32 $0x280, s22  }
0x7: {  	s4 =	sand.u32 $0x1, s4;
	s13 =	sadd.s32 $0x3400, s0;
	s18 =	smul.u32 $0x50000, s22  }
0x8: {  	s0 =	sadd.s32 $0x17400, s0;
	s26 =	smul.u32 $0x2800, s22;
	s5 =	ssub.s32 $0x2, s4  }
0x9: {  	_ =	strace $0x8000004D;
	s17 =	sshll.u32 s4, $0x4;
	s6 =	sshrl.u32 s5, $0x1  }
0xa: {  	s8 =	sor.u32 s22, s17;
	s15 =	sadd.s32 $0x80, s11;
	s16 =	sadd.s32 $0x100, s11  }
0xb: {  	s19 =	sshrl.u32 s18, $0x2;
	s17 =	sadd.s32 $0x180, s11;
	s18 =	sadd.s32 $0x200, s11  }
0xc: {  	s14 =	ssub.s32 s5, s6;
	s20 =	sshll.u32 s15, $0x7;
	s10 =	smul.u32 $0x2800, s8  }
0xd: {  	s7 =	sshll.u32 s16, $0x7;
	s5 =	sadd.s32 s19, s2;
	s19 =	smul.u32 $0x2800, s4  }
0xe: {  	s21 =	sshll.u32 s17, $0x7;
	s9 =	sshll.u32 s18, $0x7;
	s4 =	smul.u32 $0x28000, s4  }
0xf: {  	s6 =	sadd.s32 s20, s2;
	s7 =	sadd.s32 s7, s2;
	s8 =	sadd.s32 s21, s2  }
0x10: {  	s9 =	sadd.s32 s9, s2;
	s14 =	smax.u32 s14, $0x1;
	s20 =	sshrl.u32 s10, $0x3  }
0x11: {  	s21 =	sadd.s32 s11, s19;
	s15 =	sadd.s32 s19, s15;
	s23 =	sadd.s32 s19, s16  }
0x12: {  	s24 =	sadd.s32 s19, s17;
	s25 =	sadd.s32 s19, s18;
	s4 =	sadd.s32 s26, s4  }
0x13: {  	[dreg:$0x9] =	wrdreg s14;
	s14 =	simm.s32 $0x3;
	s10 =	sadd.s32 s12, s20  }
0x14: {  	s11 =	sadd.s32 s13, s20;
	s21 =	sshll.u32 s21, $0x4;
	s15 =	sshll.u32 s15, $0x4  }
0x15: {  	s16 =	sshll.u32 s24, $0x4;
	s22 =	sadd.s32 $0x4F0, s20;
	s24 =	sor.u32 $0x100, s4  }
0x16: {  	s4 =	sor.u32 $0x80, s4;
	s21 =	sadd.s32 s0, s21;
	s15 =	sadd.s32 s0, s15  }
0x17: {  	s19 =	sadd.s32 s0, s16;
	s26 =	sshrl.u32 s4, $0x3;
	[dreg:$0x4] =	wrdreg s21  }
0x18: {  	s4 =	simm.s32 $0x4;
	[dreg:$0x5] =	wrdreg s15;
	s15 =	sshll.u32 s23, $0x4  }
0x19: {  	[dreg:$0x7] =	wrdreg s19;
	s21 =	sshll.u32 s25, $0x4;
	s23 =	sadd.s32 s12, s22  }
0x1a: {  	s19 =	sadd.s32 s13, s22;
	s25 =	sshrl.u32 s24, $0x3;
	s22 =	sadd.s32 s26, s13  }
0x1b: {  	s24 =	simm.s32 $0x14000;
	s15 =	sadd.s32 s0, s15;
	s0 =	sadd.s32 s0, s21  }
0x1c: {  	[dreg:$0xa] =	wrdreg s23;
	s20 =	sadd.s32 s25, s13;
	s21 =	sadd.s32 s25, s12  }
0x1d: {  	s23 =	sadd.s32 s26, s12;
	s25 =	simm.s32 $0x5;
	s26 =	simm.s32 $0x1C000  }
0x1e: {  	s12 =	simm.s32 $0x18000;
	s13 =	simm.s32 $0x2;
	[dreg:$0x6] =	wrdreg s15  }
0x1f: {  	v0 =	vimm.f32 $0.0e+00;
	[dreg:$0x8] =	wrdreg s0;
	s0 =	simm.s32 $0x1;
	s15 =	simm.s32 $0x0  }
.LBB2_1:
0x20: {  	s16 =	simm.s32 $0x0;
	s17 =	simm.s32 $0x200  }
.LBB2_2:
0x21: {  	p0 =	sne.s32 s17, $0xFE00;
	[tilespmem:s16+$0x14070] =	vst v0  }
0x22: {  	[tilespmem:s16+$0x14000] =	vst v0  }
0x23: {  	[tilespmem:s16+$0x14010] =	vst v0  }
.Ltmp0:
0x24: {  	[tilespmem:s16+$0x14020] =	vst v0;
	(pc) =	sbr.rel @p0 .LBB2_2-.Ltmp0, $4  }
0x25: {  	[tilespmem:s16+$0x14030] =	vst v0  }
0x26: {  	[tilespmem:s16+$0x14040] =	vst v0  }
0x27: {  	[tilespmem:s16+$0x14050] =	vst v0  }
0x28: {  	[tilespmem:s16+$0x14060] =	vst v0;
	s16 =	sshra.s32 s17, $0x2;
	s17 =	sadd.s32 $0x200, s17  }
0x29: {  	[tilespmem:s16+$0x14070] =	vst v0  }
0x2a: {  	[tilespmem:s16+$0x14000] =	vst v0  }
0x2b: {  	[tilespmem:s16+$0x14010] =	vst v0  }
0x2c: {  	[tilespmem:s16+$0x14020] =	vst v0  }
0x2d: {  	[tilespmem:s16+$0x14030] =	vst v0  }
0x2e: {  	[tilespmem:s16+$0x14040] =	vst v0  }
0x2f: {  	[tilespmem:s16+$0x14050] =	vst v0  }
0x30: {  	[tilespmem:s16+$0x14060] =	vst v0  }
0x31: {  	[spmem:s5] =	stream.linear.scatter [tilespmem:s24], [sflag:$0x5], $0x4000, $0x38;
	[tilespmem:$0x1C200] =	vst v63  }
0x32: {  	_ =	swait.ge [sflag:s25], $0x4000  }
0x33: {  	[sflag:s25] =	ssyncset.done $0x0  }
0x34: {  	[sflag:s25] =	ssyncadd.s32 $0xFFFFC000  }
0x35: {  	[spmem:s6] =	stream.linear.scatter [tilespmem:s24], [sflag:$0x5], $0x4000, $0x38;
	[tilespmem:$0x1C200] =	vst v63  }
0x36: {  	_ =	swait.ge [sflag:s25], $0x4000  }
0x37: {  	[sflag:s25] =	ssyncset.done $0x0  }
0x38: {  	[sflag:s25] =	ssyncadd.s32 $0xFFFFC000  }
0x39: {  	[spmem:s7] =	stream.linear.scatter [tilespmem:s24], [sflag:$0x5], $0x4000, $0x38;
	[tilespmem:$0x1C200] =	vst v63  }
0x3a: {  	_ =	swait.ge [sflag:s25], $0x4000  }
0x3b: {  	[sflag:s25] =	ssyncset.done $0x0  }
0x3c: {  	[sflag:s25] =	ssyncadd.s32 $0xFFFFC000  }
0x3d: {  	[spmem:s8] =	stream.linear.scatter [tilespmem:s24], [sflag:$0x5], $0x4000, $0x38;
	[tilespmem:$0x1C200] =	vst v63  }
0x3e: {  	_ =	swait.ge [sflag:s25], $0x4000  }
0x3f: {  	[sflag:s25] =	ssyncset.done $0x0  }
0x40: {  	[sflag:s25] =	ssyncadd.s32 $0xFFFFC000  }
0x41: {  	[spmem:s9] =	stream.linear.scatter [tilespmem:s24], [sflag:$0x5], $0x4000, $0x38;
	[tilespmem:$0x1C200] =	vst v63  }
0x42: {  	_ =	swait.ge [sflag:s25], $0x4000  }
0x43: {  	[sflag:s25] =	ssyncset.done $0x0  }
0x44: {  	[sflag:s25] =	ssyncadd.s32 $0xFFFFC000  }
0x45: {  	s18 =	simm.s32 $0x0;
	[bflag:$0x0] =	sbarrier.arrive $0xFFFF  }
0x46: {  	[tilespmem:s26], [sflag:$0x5] =	stream.linear.gather [hbm4b:s10+s18], $0x80, $0x38;
	[tilespmem:$0x1C200] =	vst v63  }
0x47: {  	_ =	swait.ge [sflag:s25], $0x80  }
0x48: {  	[sflag:s25] =	ssyncset.done $0x0  }
0x49: {  	[sflag:s25] =	ssyncadd.s32 $0xFFFFFF80  }
0x4a: {  	[tilespmem:s28], [sflag:$0x5] =	stream.linear.gather [hbm4b:s11+s18], $0x80, $0x38;
	[tilespmem:$0x1C200] =	vst v63  }
0x4b: {  	_ =	swait.ge [sflag:s25], $0x80  }
0x4c: {  	[sflag:s25] =	ssyncset.done $0x0  }
0x4d: {  	[sflag:s25] =	ssyncadd.s32 $0xFFFFFF80  }
0x4e: {  	[tilespmem:s24], [sflag:$0x1] =	stream.indirect.gather [hbm4b:s1+s29], $0x80, s26, s29, $0xb8;
	[tilespmem:$0x1C200] =	vst v63  }
0x4f: {  	s17 =	sadd.s32 $0x0, s23  }
0x50: {  	[tilespmem:s30], [sflag:$0x4] =	stream.linear.gather [hbm4b:s17+s3], $0x80, $0x38;
	[tilespmem:$0x1C200] =	vst v63  }
0x51: {  	s18 =	sadd.s32 $0x0, s22  }
0x52: {  	[tilespmem:s31], [sflag:$0x4] =	stream.linear.gather [hbm4b:s18+s3], $0x80, $0x38;
	[tilespmem:$0x1C200] =	vst v63  }
0x53: {  	_ =	swait.ge [sflag:s0], $0x4000  }
0x54: {  	[sflag:s0] =	ssyncset.done $0x0  }
0x55: {  	[sflag:s0] =	ssyncadd.s32 $0xFFFFC000  }
0x56: {  	_ =	swait.ge [sflag:s4], $0x80  }
0x57: {  	[sflag:s4] =	ssyncset.done $0x0  }
0x58: {  	[sflag:s4] =	ssyncadd.s32 $0xFFFFFF80  }
0x59: {  	_ =	swait.ge [sflag:s4], $0x80  }
0x5a: {  	[sflag:s4] =	ssyncset.done $0x0  }
0x5b: {  	[sflag:s4] =	ssyncadd.s32 $0xFFFFFF80  }
0x5c: {  	[tilespmem:s12], [sflag:$0x2] =	stream.indirect.gather [hbm4b:s1+s29], $0x80, s30, s29, $0xb8;
	[tilespmem:$0x1C200] =	vst v63  }
0x5d: {  	_ = 	snop  }
0x5e: {  	[spmem:s2] =	stream.indirect.scatter.add.f32 [tilespmem:s24], [sflag:$0x5], $0x80, s28, s29, $0xb8;
	[tilespmem:$0x1C200] =	vst v63  }
0x5f: {  	_ =	swait.ge [sflag:s25], $0x4000  }
0x60: {  	[sflag:s25] =	ssyncset.done $0x0  }
0x61: {  	s17 =	sadd.s32 $0x0, s21;
	[sflag:s25] =	ssyncadd.s32 $0xFFFFC000  }
0x62: {  	[tilespmem:s26], [sflag:$0x3] =	stream.linear.gather [hbm4b:s17+s3], $0x80, $0x38;
	[tilespmem:$0x1C200] =	vst v63  }
0x63: {  	s18 =	sadd.s32 $0x0, s20  }
0x64: {  	[tilespmem:s28], [sflag:$0x3] =	stream.linear.gather [hbm4b:s18+s3], $0x80, $0x38;
	[tilespmem:$0x1C200] =	vst v63  }
0x65: {  	_ =	swait.ge [sflag:s13], $0x4000  }
0x66: {  	[sflag:s13] =	ssyncset.done $0x0  }
0x67: {  	[sflag:s13] =	ssyncadd.s32 $0xFFFFC000  }
0x68: {  	_ =	swait.ge [sflag:s14], $0x80  }
0x69: {  	[sflag:s14] =	ssyncset.done $0x0  }
0x6a: {  	[sflag:s14] =	ssyncadd.s32 $0xFFFFFF80  }
0x6b: {  	_ =	swait.ge [sflag:s14], $0x80  }
0x6c: {  	[sflag:s14] =	ssyncset.done $0x0  }
0x6d: {  	[sflag:s14] =	ssyncadd.s32 $0xFFFFFF80  }
0x6e: {  	[tilespmem:s24], [sflag:$0x1] =	stream.indirect.gather [hbm4b:s1+s29], $0x80, s26, s29, $0xb8;
	[tilespmem:$0x1C200] =	vst v63  }
0x6f: {  	_ = 	snop  }
0x70: {  	[spmem:s2] =	stream.indirect.scatter.add.f32 [tilespmem:s12], [sflag:$0x5], $0x80, s31, s29, $0xb8;
	[tilespmem:$0x1C200] =	vst v63  }
0x71: {  	_ =	swait.ge [sflag:s25], $0x4000  }
0x72: {  	s16 =	simm.s32 $0x20;
	[sflag:s25] =	ssyncset.done $0x0  }
.LBB2_4:
0x73: {  	p0 =	sne.s32 s16, $0x4C0  }
0x74: {  	[sflag:s25] =	ssyncadd.s32 $0xFFFFC000;
	s17 =	smov.u32 s16;
	s16 =	sadd.s32 $0x20, s16  }
0x75: {  	s18 =	sadd.s32 s17, s23  }
0x76: {  	[tilespmem:s30], [sflag:$0x4] =	stream.linear.gather [hbm4b:s18+s3], $0x80, $0x38;
	[tilespmem:$0x1C200] =	vst v63  }
0x77: {  	s18 =	sadd.s32 s17, s22  }
0x78: {  	[tilespmem:s31], [sflag:$0x4] =	stream.linear.gather [hbm4b:s18+s3], $0x80, $0x38;
	[tilespmem:$0x1C200] =	vst v63  }
0x79: {  	_ =	swait.ge [sflag:s0], $0x4000  }
0x7a: {  	[sflag:s0] =	ssyncset.done $0x0  }
0x7b: {  	[sflag:s0] =	ssyncadd.s32 $0xFFFFC000  }
0x7c: {  	_ =	swait.ge [sflag:s4], $0x80  }
0x7d: {  	[sflag:s4] =	ssyncset.done $0x0  }
0x7e: {  	[sflag:s4] =	ssyncadd.s32 $0xFFFFFF80  }
0x7f: {  	_ =	swait.ge [sflag:s4], $0x80  }
0x80: {  	[sflag:s4] =	ssyncset.done $0x0  }
0x81: {  	[sflag:s4] =	ssyncadd.s32 $0xFFFFFF80  }
0x82: {  	[tilespmem:s12], [sflag:$0x2] =	stream.indirect.gather [hbm4b:s1+s29], $0x80, s30, s29, $0xb8;
	[tilespmem:$0x1C200] =	vst v63  }
0x83: {  	_ = 	snop  }
0x84: {  	[spmem:s2] =	stream.indirect.scatter.add.f32 [tilespmem:s24], [sflag:$0x5], $0x80, s28, s29, $0xb8;
	[tilespmem:$0x1C200] =	vst v63  }
0x85: {  	_ =	swait.ge [sflag:s25], $0x4000  }
0x86: {  	[sflag:s25] =	ssyncset.done $0x0  }
0x87: {  	s18 =	sadd.s32 s17, s21;
	[sflag:s25] =	ssyncadd.s32 $0xFFFFC000  }
0x88: {  	[tilespmem:s26], [sflag:$0x3] =	stream.linear.gather [hbm4b:s18+s3], $0x80, $0x38;
	[tilespmem:$0x1C200] =	vst v63  }
0x89: {  	s17 =	sadd.s32 s17, s20  }
0x8a: {  	[tilespmem:s28], [sflag:$0x3] =	stream.linear.gather [hbm4b:s17+s3], $0x80, $0x38;
	[tilespmem:$0x1C200] =	vst v63  }
0x8b: {  	_ =	swait.ge [sflag:s13], $0x4000  }
0x8c: {  	[sflag:s13] =	ssyncset.done $0x0  }
0x8d: {  	[sflag:s13] =	ssyncadd.s32 $0xFFFFC000  }
0x8e: {  	_ =	swait.ge [sflag:s14], $0x80  }
0x8f: {  	[sflag:s14] =	ssyncset.done $0x0  }
0x90: {  	[sflag:s14] =	ssyncadd.s32 $0xFFFFFF80  }
0x91: {  	_ =	swait.ge [sflag:s14], $0x80  }
0x92: {  	[sflag:s14] =	ssyncset.done $0x0  }
0x93: {  	[sflag:s14] =	ssyncadd.s32 $0xFFFFFF80  }
0x94: {  	[tilespmem:s24], [sflag:$0x1] =	stream.indirect.gather [hbm4b:s1+s29], $0x80, s26, s29, $0xb8;
	[tilespmem:$0x1C200] =	vst v63  }
.Ltmp1:
0x95: {  	_ = 	snop;
	(pc) =	sbr.rel @p0 .LBB2_4-.Ltmp1, $4  }
0x96: {  	_ = 	snop  }
0x97: {  	[spmem:s2] =	stream.indirect.scatter.add.f32 [tilespmem:s12], [sflag:$0x5], $0x80, s31, s29, $0xb8;
	[tilespmem:$0x1C200] =	vst v63  }
0x98: {  	_ =	swait.ge [sflag:s25], $0x4000  }
0x99: {  	[sflag:s25] =	ssyncset.done $0x0  }
0x9a: {  	[sflag:s25] =	ssyncadd.s32 $0xFFFFC000;
	s16 =	rddreg [dreg:$0xa]  }
0x9b: {  	[tilespmem:s30], [sflag:$0x4] =	stream.linear.gather [hbm4b:s16+s3], $0x80, $0x38;
	[tilespmem:$0x1C200] =	vst v63  }
0x9c: {  	_ = 	snop  }
0x9d: {  	[tilespmem:s31], [sflag:$0x4] =	stream.linear.gather [hbm4b:s19+s3], $0x80, $0x38;
	[tilespmem:$0x1C200] =	vst v63  }
0x9e: {  	_ =	swait.ge [sflag:s0], $0x4000  }
0x9f: {  	[sflag:s0] =	ssyncset.done $0x0  }
0xa0: {  	[sflag:s0] =	ssyncadd.s32 $0xFFFFC000  }
0xa1: {  	_ =	swait.ge [sflag:s4], $0x80  }
0xa2: {  	[sflag:s4] =	ssyncset.done $0x0  }
0xa3: {  	[sflag:s4] =	ssyncadd.s32 $0xFFFFFF80  }
0xa4: {  	_ =	swait.ge [sflag:s4], $0x80  }
0xa5: {  	[sflag:s4] =	ssyncset.done $0x0  }
0xa6: {  	[sflag:s4] =	ssyncadd.s32 $0xFFFFFF80  }
0xa7: {  	[tilespmem:s12], [sflag:$0x2] =	stream.indirect.gather [hbm4b:s1+s29], $0x80, s30, s29, $0xb8;
	[tilespmem:$0x1C200] =	vst v63  }
0xa8: {  	_ = 	snop  }
0xa9: {  	[spmem:s2] =	stream.indirect.scatter.add.f32 [tilespmem:s24], [sflag:$0x5], $0x80, s28, s29, $0xb8;
	[tilespmem:$0x1C200] =	vst v63  }
0xaa: {  	_ =	swait.ge [sflag:s25], $0x4000  }
0xab: {  	[sflag:s25] =	ssyncset.done $0x0  }
0xac: {  	[sflag:s25] =	ssyncadd.s32 $0xFFFFC000  }
0xad: {  	[tilespmem:s26], [sflag:$0x3] =	stream.linear.gather [hbm4b:s10+s3], $0x80, $0x38;
	[tilespmem:$0x1C200] =	vst v63  }
0xae: {  	_ = 	snop  }
0xaf: {  	[tilespmem:s28], [sflag:$0x3] =	stream.linear.gather [hbm4b:s11+s3], $0x80, $0x38;
	[tilespmem:$0x1C200] =	vst v63  }
0xb0: {  	_ =	swait.ge [sflag:s13], $0x4000  }
0xb1: {  	[sflag:s13] =	ssyncset.done $0x0  }
0xb2: {  	[sflag:s13] =	ssyncadd.s32 $0xFFFFC000  }
0xb3: {  	_ =	swait.ge [sflag:s14], $0x80  }
0xb4: {  	[sflag:s14] =	ssyncset.done $0x0  }
0xb5: {  	[sflag:s14] =	ssyncadd.s32 $0xFFFFFF80  }
0xb6: {  	_ =	swait.ge [sflag:s14], $0x80  }
0xb7: {  	[sflag:s14] =	ssyncset.done $0x0  }
0xb8: {  	[sflag:s14] =	ssyncadd.s32 $0xFFFFFF80  }
0xb9: {  	[tilespmem:s24], [sflag:$0x1] =	stream.indirect.gather [hbm4b:s1+s29], $0x80, s26, s29, $0xb8;
	[tilespmem:$0x1C200] =	vst v63  }
0xba: {  	_ = 	snop  }
0xbb: {  	[spmem:s2] =	stream.indirect.scatter.add.f32 [tilespmem:s12], [sflag:$0x5], $0x80, s31, s29, $0xb8;
	[tilespmem:$0x1C200] =	vst v63  }
0xbc: {  	_ =	swait.ge [sflag:s25], $0x4000  }
0xbd: {  	[sflag:s25] =	ssyncset.done $0x0  }
0xbe: {  	[sflag:s25] =	ssyncadd.s32 $0xFFFFC000  }
0xbf: {  	_ =	swait.ge [sflag:s0], $0x4000  }
0xc0: {  	[sflag:s0] =	ssyncset.done $0x0  }
0xc1: {  	[sflag:s0] =	ssyncadd.s32 $0xFFFFC000  }
0xc2: {  	[bflag:$0x0] =	sbarrier.arrive $0xFFFF  }
0xc3: {  	[tilespmem:s24], [sflag:$0x5] =	stream.linear.gather [spmem:s5], $0x4000, $0x38;
	[tilespmem:$0x1C200] =	vst v63  }
0xc4: {  	_ =	swait.ge [sflag:s25], $0x4000  }
0xc5: {  	[sflag:s25] =	ssyncset.done $0x0  }
0xc6: {  	s17 =	rddreg [dreg:$0x4];
	[sflag:s25] =	ssyncadd.s32 $0xFFFFC000  }
0xc7: {  	[hbm4b:s17+s3] =	stream.linear.scatter [tilespmem:s24], [sflag:$0x5], $0x4000, $0x38;
	[tilespmem:$0x1C200] =	vst v63  }
0xc8: {  	_ =	swait.ge [sflag:s25], $0x4000  }
0xc9: {  	[sflag:s25] =	ssyncset.done $0x0  }
0xca: {  	[sflag:s25] =	ssyncadd.s32 $0xFFFFC000  }
0xcb: {  	[tilespmem:s24], [sflag:$0x5] =	stream.linear.gather [spmem:s6], $0x4000, $0x38;
	[tilespmem:$0x1C200] =	vst v63  }
0xcc: {  	_ =	swait.ge [sflag:s25], $0x4000  }
0xcd: {  	[sflag:s25] =	ssyncset.done $0x0  }
0xce: {  	s18 =	rddreg [dreg:$0x5];
	[sflag:s25] =	ssyncadd.s32 $0xFFFFC000  }
0xcf: {  	[hbm4b:s18+s3] =	stream.linear.scatter [tilespmem:s24], [sflag:$0x5], $0x4000, $0x38;
	[tilespmem:$0x1C200] =	vst v63  }
0xd0: {  	_ =	swait.ge [sflag:s25], $0x4000  }
0xd1: {  	[sflag:s25] =	ssyncset.done $0x0  }
0xd2: {  	[sflag:s25] =	ssyncadd.s32 $0xFFFFC000  }
0xd3: {  	[tilespmem:s24], [sflag:$0x5] =	stream.linear.gather [spmem:s7], $0x4000, $0x38;
	[tilespmem:$0x1C200] =	vst v63  }
0xd4: {  	_ =	swait.ge [sflag:s25], $0x4000  }
0xd5: {  	[sflag:s25] =	ssyncset.done $0x0  }
0xd6: {  	s17 =	rddreg [dreg:$0x6];
	[sflag:s25] =	ssyncadd.s32 $0xFFFFC000  }
0xd7: {  	[hbm4b:s17+s3] =	stream.linear.scatter [tilespmem:s24], [sflag:$0x5], $0x4000, $0x38;
	[tilespmem:$0x1C200] =	vst v63  }
0xd8: {  	_ =	swait.ge [sflag:s25], $0x4000  }
0xd9: {  	[sflag:s25] =	ssyncset.done $0x0  }
0xda: {  	[sflag:s25] =	ssyncadd.s32 $0xFFFFC000  }
0xdb: {  	[tilespmem:s24], [sflag:$0x5] =	stream.linear.gather [spmem:s8], $0x4000, $0x38;
	[tilespmem:$0x1C200] =	vst v63  }
0xdc: {  	_ =	swait.ge [sflag:s25], $0x4000  }
0xdd: {  	[sflag:s25] =	ssyncset.done $0x0  }
0xde: {  	s18 =	rddreg [dreg:$0x7];
	[sflag:s25] =	ssyncadd.s32 $0xFFFFC000  }
0xdf: {  	[hbm4b:s18+s3] =	stream.linear.scatter [tilespmem:s24], [sflag:$0x5], $0x4000, $0x38;
	[tilespmem:$0x1C200] =	vst v63  }
0xe0: {  	_ =	swait.ge [sflag:s25], $0x4000  }
0xe1: {  	[sflag:s25] =	ssyncset.done $0x0  }
0xe2: {  	[sflag:s25] =	ssyncadd.s32 $0xFFFFC000  }
0xe3: {  	[tilespmem:s24], [sflag:$0x5] =	stream.linear.gather [spmem:s9], $0x4000, $0x38;
	[tilespmem:$0x1C200] =	vst v63  }
0xe4: {  	_ =	swait.ge [sflag:s25], $0x4000  }
0xe5: {  	[sflag:s25] =	ssyncset.done $0x0  }
0xe6: {  	s17 =	rddreg [dreg:$0x8];
	[sflag:s25] =	ssyncadd.s32 $0xFFFFC000  }
0xe7: {  	[hbm4b:s17+s3] =	stream.linear.scatter [tilespmem:s24], [sflag:$0x5], $0x4000, $0x38;
	[tilespmem:$0x1C200] =	vst v63  }
0xe8: {  	_ =	swait.ge [sflag:s25], $0x4000  }
0xe9: {  	s15 =	sadd.s32 $0x1, s15;
	s18 =	rddreg [dreg:$0x9]  }
0xea: {  	p0 =	sne.s32 s15, s18  }
.Ltmp2:
0xeb: {  	_ = 	snop;
	(pc) =	sbr.rel @p0 .LBB2_1-.Ltmp2, $3  }
0xec: {  	_ =	sdelay $0x1  }
0xed: {  	[sflag:s25] =	ssyncset.done $0x0  }
0xee: {  	[sflag:s25] =	ssyncadd.s32 $0xFFFFC000  }
0xef: {  	_ =	sfence.sel $0x180000  }
0xf0: {  	[bflag:$0x0] =	sbarrier.arrive $0xFFFF  }
0xf1: {  	_ =	strace $0x9000004D  }
0xf2: {  	s0 =	stileid.u32;
	[bflag:$0x2] =	sbarrier.arrive $0xFFFF  }
0xf3: {  	p0 =	sne.s32 s0, $0x0;
	s0 =	rddreg [dreg:$0x3]  }
0xf4: {  	s0 =	sadd.s32 @!p0 $0x100000, s0  }
0xf5: {  	[sflag:s0] =	ssyncadd.tile.s32 @!p0 $0x1;
	_ =	shalt  }
.Lfunc_end2:
_tile_overlayer_lowered:
.L_overlay_start_2:
0xf6: {  	(tag) =	ssettag $0x2  }
0xf7: {  	s0 =	rddreg [dreg:$0x0];
	s2 =	stileid.u32  }
0xf8: {  	s1 =	rddreg [dreg:$0x1];
	p0 =	sne.s32 s2, $0x0  }
0xf9: {  	s3 =	rddreg [dreg:$0x2];
	[bflag:$0x3] =	sbarrier.arrive $0xFFFF;
	s2 =	simm.s32 @!p0 $0x1C05  }
0xfa: {  	[timem:s3], [sflag:s2] =	dma.local @!p0 [hbm:s0], s1  }
0xfb: {  	s0 =	simm.s32 @!p0 $0x5  }
0xfc: {  	_ =	swait.ge @!p0 [sflag:s0], s1  }
0xfd: {  	s1 =	ssub.s32 @!p0 $0x0, s1;
	[sflag:s0] =	ssyncset.done @!p0 $0x0  }
0xfe: {  	[sflag:s0] =	ssyncadd.s32 @!p0 s1  }
0xff: {  	[bflag:$0x3] =	sbarrier.arrive $0xFFFF  }
0x100: {  	_ =	shalt  }

// kernel: kernel.20.cloned.1.call-start
scs
__scs_entry_jumppad:
0x0: {  	(pc) =	sbr.rel $0x88, $3  }
0x1: {  	(tag) =	ssettag $0x0;
	lr =	simm.s32 $0x1  }
0x2: {  	[smem:$0x3F99] =	sst lr;
	_ =	strace $0xD0000000  }
0x3: {  	_ = 	snop  }
0x4: {  	_ = 	snop  }
0x5: {  	_ = 	snop  }
0x6: {  	_ = 	snop  }
0x7: {  	_ = 	snop  }
__scs_overlays_trampoline_lowered:
0x8: {  	[smem:$0x3FA8] =	sst s0  }
0x9: {  	[smem:$0x3FA9] =	sst s1  }
0xa: {  	[smem:$0x3FAA] =	sst s2  }
0xb: {  	[smem:$0x3FAB] =	sst s3  }
0xc: {  	[smem:$0x3FAC] =	sst s4  }
0xd: {  	[smem:$0x3FAD] =	sst s5  }
0xe: {  	[smem:$0x3FAE] =	sst s6  }
0xf: {  	[smem:$0x3FAF] =	sst s7  }
0x10: {  	[smem:$0x3FB0] =	sst s8  }
0x11: {  	[smem:$0x3FB1] =	sst s9;
	s0 =	simm.s32 @!p0 $0x0  }
0x12: {  	s1 =	sld [smem:$0x3F97];
	s0 =	simm.s32 @p0 $0x1  }
0x13: {  	[smem:$0x3FB2] =	sst s0;
	s0 =	simm.s32 @!p1 $0x0  }
0x14: {  	s2 =	sld [smem:$0x3F96];
	s0 =	simm.s32 @p1 $0x1  }
0x15: {  	[smem:$0x3FB3] =	sst s0;
	s0 =	simm.s32 @!p2 $0x0  }
0x16: {  	s3 =	sld [smem:$0x3FDB];
	s0 =	simm.s32 @p2 $0x1  }
0x17: {  	s4 =	simm.s32 $0x1BF5;
	[smem:$0x3FB5] =	sst s0  }
0x18: {  	s0 =	sld [smem:$0x3F98];
	_ =	swait.ge [sflag:s4], $0x0  }
0x19: {  	s7 =	sld [smem:$0x3F99]  }
0x1a: {  	s8 =	sadd.s32 $0xFFFFE003, lr  }
0x1b: {  	s9 =	sadd.s32 $0xFFFFFEF7, lr;
	s5 =	simm.s32 $0xFFFFFFFF;
	p2 =	slt.u32 s8, $0xFFFFF086  }
0x1c: {  	p1 =	slt.u32 s9, $0xF7A;
	s5 =	simm.s32 @!p2 $0x0  }
0x1d: {  	s5 =	simm.s32 @p1 $0x1;
	p0 =	seq.s32 s7, s2  }
0x1e: {  	s7 =	smul.u32 @!p0 $0xF7A, s2;
	p2 =	seq.s32 @!p0 s5, $0x0  }
0x1f: {  	s9 =	smul.u32 $0xF7A, s1;
	s8 =	simm.s32 @!p0 $0x1BF5;
	p2 =	por !p2, p0  }
0x20: {  	[sflag:s8] =	ssyncset.s32 @!p0 $0xFFFFF086;
	s6 =	sadd.s32 @!p0 s3, s7;
	s7 =	simm.s32 @!p0 $0x108  }
0x21: {  	s3 =	sadd.s32 s3, s9;
	s6 =	sadd.s32 @!p0 $0x88, s6;
	s7 =	simm.s32 @p2 $0x1082  }
0x22: {  	[simem:s7], [sflag:s8] =	dma.local @!p0 [hbm:s6], $0xF7A  }
0x23: {  	s9 =	sor.u32 $0xD0000000, s2;
	s6 =	simm.s32 $0x108;
	_ =	swait.ge @!p0 [sflag:s8], $0x0  }
0x24: {  	s3 =	sadd.s32 $0x88, s3;
	s6 =	simm.s32 @!p1 $0x1082;
	[sflag:s4] =	ssyncset.s32 $0xFFFFF086  }
0x25: {  	[simem:s6], [sflag:s4] =	dma.local [hbm:s3], $0xF7A  }
0x26: {  	[smem:$0x3F99] =	sst s1;
	(tag) =	ssettag s2;
	_ =	strace s9  }
0x27: {  	s1 =	sld [smem:$0x3FA9]  }
0x28: {  	s2 =	sld [smem:$0x3FAA]  }
0x29: {  	s4 =	sld [smem:$0x3FAC]  }
0x2a: {  	p0 =	seq.s32 s5, $0x0;
	s5 =	sld [smem:$0x3FAD]  }
0x2b: {  	s6 =	sld [smem:$0x3FAE]  }
0x2c: {  	s7 =	sld [smem:$0x3FAF]  }
0x2d: {  	s3 =	simm.s32 $0x108;
	s8 =	sld [smem:$0x3FB0]  }
0x2e: {  	s3 =	simm.s32 @!p0 $0x1082;
	s9 =	sld [smem:$0x3FB1]  }
0x2f: {  	lr =	sadd.s32 s0, s3;
	s0 =	sld [smem:$0x3FA8]  }
0x30: {  	s3 =	sld [smem:$0x3FAB]  }
0x31: {  	[smem:$0x3FB4] =	sst s10  }
0x32: {  	s10 =	sld [smem:$0x3FB2];
	_ =	sdelay $0x3  }
0x33: {  	p0 =	seq.s32 s10, $0x1;
	s10 =	sld [smem:$0x3FB4];
	_ =	sdelay $0x3  }
0x34: {  	[smem:$0x3FB4] =	sst s10  }
0x35: {  	s10 =	sld [smem:$0x3FB3];
	_ =	sdelay $0x3  }
0x36: {  	p1 =	seq.s32 s10, $0x1;
	s10 =	sld [smem:$0x3FB4];
	_ =	sdelay $0x3  }
0x37: {  	[smem:$0x3FB4] =	sst s10  }
0x38: {  	s10 =	sld [smem:$0x3FB5]  }
0x39: {  	_ = 	snop;
	(pc) =	sbr.ind lr, $3  }
0x3a: {  	_ = 	snop  }
0x3b: {  	_ = 	snop  }
0x3c: {  	p2 =	seq.s32 s10, $0x1;
	s10 =	sld [smem:$0x3FB4]  }
0x3d: {  	_ =	shalt  }
0x3e: {  	_ =	shalt  }
0x3f: {  	_ =	shalt  }
0x40: {  	_ =	shalt  }
0x41: {  	_ =	shalt  }
0x42: {  	_ =	shalt  }
0x43: {  	_ =	shalt  }
0x44: {  	_ =	shalt  }
0x45: {  	_ =	shalt  }
0x46: {  	_ =	shalt  }
0x47: {  	_ =	shalt  }
0x48: {  	_ =	shalt  }
0x49: {  	_ =	shalt  }
0x4a: {  	_ =	shalt  }
0x4b: {  	_ =	shalt  }
0x4c: {  	_ =	shalt  }
0x4d: {  	_ =	shalt  }
0x4e: {  	_ =	shalt  }
0x4f: {  	_ =	shalt  }
0x50: {  	_ =	shalt  }
0x51: {  	_ =	shalt  }
0x52: {  	_ =	shalt  }
0x53: {  	_ =	shalt  }
0x54: {  	_ =	shalt  }
0x55: {  	_ =	shalt  }
0x56: {  	_ =	shalt  }
0x57: {  	_ =	shalt  }
0x58: {  	_ =	shalt  }
0x59: {  	_ =	shalt  }
0x5a: {  	_ =	shalt  }
0x5b: {  	_ =	shalt  }
0x5c: {  	_ =	shalt  }
0x5d: {  	_ =	shalt  }
0x5e: {  	_ =	shalt  }
0x5f: {  	_ =	shalt  }
0x60: {  	_ =	shalt  }
0x61: {  	_ =	shalt  }
0x62: {  	_ =	shalt  }
0x63: {  	_ =	shalt  }
0x64: {  	_ =	shalt  }
0x65: {  	_ =	shalt  }
0x66: {  	_ =	shalt  }
0x67: {  	_ =	shalt  }
0x68: {  	_ =	shalt  }
0x69: {  	_ =	shalt  }
0x6a: {  	_ =	shalt  }
0x6b: {  	_ =	shalt  }
0x6c: {  	_ =	shalt  }
0x6d: {  	_ =	shalt  }
0x6e: {  	_ =	shalt  }
0x6f: {  	_ =	shalt  }
0x70: {  	_ =	shalt  }
0x71: {  	_ =	shalt  }
0x72: {  	_ =	shalt  }
0x73: {  	_ =	shalt  }
0x74: {  	_ =	shalt  }
0x75: {  	_ =	shalt  }
0x76: {  	_ =	shalt  }
0x77: {  	_ =	shalt  }
0x78: {  	_ =	shalt  }
0x79: {  	_ =	shalt  }
0x7a: {  	_ =	shalt  }
0x7b: {  	_ =	shalt  }
0x7c: {  	_ =	shalt  }
0x7d: {  	_ =	shalt  }
0x7e: {  	_ =	shalt  }
0x7f: {  	_ =	shalt  }
0x80: {  	_ =	shalt  }
0x81: {  	_ =	shalt  }
0x82: {  	_ =	shalt  }
0x83: {  	_ =	shalt  }
0x84: {  	_ =	shalt  }
0x85: {  	_ =	shalt  }
0x86: {  	_ =	shalt  }
0x87: {  	_ =	shalt  }
.Lfunc_end0:
.L_simem_size_0:
called_computation.3_lowered:
.L_overlay_start_0:
0x88: {  	s2 =	sld [smem:$0x3FD9]  }
0x89: {  	s3 =	sld [smem:$0x3FFE];
	_ =	sdelay $0x1  }
0x8a: {  	s1 =	srdreg.scid  }
0x8b: {  	s0 =	sand.u32 $0x1, s1  }
0x8c: {  	s17 =	sshll.u32 s0, $0xA;
	s2 =	sadd.s32 s3, s2  }
0x8d: {  	s2 =	sadd.s32 s2, s17  }
0x8e: {  	[smem:$0x3FC0] =	sst s2  }
0x8f: {  	_ = 	snop  }
0x90: {  	s2 =	sld [smem:$0x3FD0];
	(tm) =	ssettm $0x1  }
0x91: {  	s18 =	sld [smem:$0x3FFB];
	_ =	sdelay $0x3  }
0x92: {  	_ =	strace s18  }
0x93: {  	s3 =	sld [smem:$0x3FFC];
	_ =	sdelay $0x3  }
0x94: {  	_ =	strace s3  }
0x95: {  	s3 =	sld [smem:$0x3FFD];
	_ =	sdelay $0x3  }
0x96: {  	_ =	strace s3  }
0x97: {  	_ =	strace $0x8FFFFFFF  }
0x98: {  	s19 =	sld [smem:$0x3FDB];
	_ =	sdelay $0x1  }
0x99: {  	s4 =	simm.s32 $_scs_section_size  }
0x9a: {  	s5 =	simm.s32 $_size__tile_overlayer_lowered;
	s6 =	simm.s32 $_tile_overlayer_lowered  }
0x9b: {  	s22 =	simm.s32 $0x1BFF;
	s21 =	sshll.u32 s6, $0x1;
	s3 =	sadd.s32 s4, s19  }
0x9c: {  	s7 =	simm.s32 $0x0;
	s20 =	sshll.u32 s5, $0x1;
	s5 =	sadd.s32 s21, s3  }
0x9d: {  	[timem:s7], [sflag:s22] =	dma.local [hbm:s5], s20  }
0x9e: {  	_ =	swait.ge [sflag:s22], s20  }
0x9f: {  	s4 =	ssub.s32 $0x0, s20;
	[sflag:s22] =	ssyncset.done $0x0  }
0xa0: {  	[sflag:s22] =	ssyncadd.s32 s4;
	_ =	sdelay $0x1  }
0xa1: {  	s23 =	simm.s32 $0x1B8B  }
0xa2: {  	_ =	swait.ge [sflag:s23], $0x1  }
0xa3: {  	[sflag:s23] =	ssyncset.done $0x0  }
0xa4: {  	s25 =	simm.s32 $0x1B8E;
	s24 =	sld [smem:$0x3FFE];
	[sflag:s23] =	ssyncadd.s32 $0xFFFFFFFF  }
0xa5: {  	s26 =	simm.s32 $execute0_lowered;
	[smem:$0x3FD2] =	sst s25  }
0xa6: {  	s5 =	sshll.u32 s26, $0x1;
	_ =	strace $0x8000004F;
	[dreg:$0x1] =	wrdreg $0xFFFFFFFF  }
0xa7: {  	s28 =	simm.s32 $_size_execute0_lowered;
	s3 =	sadd.s32 s3, s5;
	[dreg:$0x0] =	wrdreg $0x0  }
0xa8: {  	s5 =	sshll.u32 s28, $0x1;
	[dreg:$0x2] =	wrdreg s3  }
0xa9: {  	[dreg:$0x3] =	wrdreg s5  }
0xaa: {  	[dreg:$0x4] =	wrdreg $0xC0  }
0xab: {  	_ =	task [dreg:s7], $0x5FFFF  }
0xac: {  	[dreg:$0x1] =	wrdreg $0xFFFFFFFF  }
0xad: {  	[dreg:$0x0] =	wrdreg $0x60  }
0xae: {  	[dreg:$0x2] =	wrdreg s2  }
0xaf: {  	[dreg:$0x3] =	wrdreg s24  }
0xb0: {  	[dreg:$0x4] =	wrdreg $0x0  }
0xb1: {  	[dreg:$0x5] =	wrdreg $0x9  }
0xb2: {  	_ =	task.clear_ibuf [dreg:s7], $0x6FFFF;
	_ =	strace $0x9000004F  }
0xb3: {  	s29 =	simm.s32 $0x9;
	_ =	strace $0x80000051  }
0xb4: {  	_ =	swait.ge [sflag:s29], $0x1  }
0xb5: {  	[sflag:s29] =	ssyncadd.s32 $0xFFFFFFFF  }
0xb6: {  	_ =	strace $0x90000051  }
0xb7: {  	_ =	sfence  }
0xb8: {  	s30 =	sld [smem:$0x0];
	_ =	sdelay $0x2  }
0xb9: {  	s31 =	sshll.u32 s1, $0xD;
	s1 =	sshrl.u32 s1, $0x2  }
0xba: {  	s3 =	sand.u32 $0x4000, s31;
	s1 =	sadd.s32 s1, s30  }
0xbb: {  	s0 =	sor.u32 s3, s0;
	s1 =	sshll.u32 s1, $0x11  }
0xbc: {  	s0 =	sor.u32 s1, s0  }
0xbd: {  	s0 =	sadd.s32 $0x8F2B, s0  }
0xbe: {  	[sflag:s0] =	ssyncadd.remote.s32 $0x1  }
0xbf: {  	_ =	sfence.sel $0xFFFF  }
0xc0: {  	[dreg:$0x0] =	wrdreg $0xFFFFFFFF;
	(pc) =	sbr.abs _section_cstart, $3  }
0xc1: {  	[dreg:$0x1] =	wrdreg $0xFFFFFFFF  }
0xc2: {  	_ =	task.clear_ibuf [dreg:s7], $0x2FFFF;
	_ =	strace $0x9FFFFFFF  }
0xc3: {  	(tm) =	ssettm $0x7FFFFFFF  }
tec
execute0_lowered:
.L_overlay_start_1:
0x0: {  	(tag) =	ssettag $0x1  }
0x1: {  	s1 =	rddreg [dreg:$0x0]  }
0x2: {  	s0 =	rddreg [dreg:$0x1]  }
0x3: {  	s2 =	rddreg [dreg:$0x2];
	s3 =	simm.s32 $0x0  }
0x4: {  	s4 =	srdreg.scid;
	s22 =	stileid.u32;
	s28 =	simm.s32 $0x1C080  }
0x5: {  	s29 =	simm.s32 $0x80;
	s30 =	simm.s32 $0x1C100;
	s31 =	simm.s32 $0x1C180  }
0x6: {  	[smem:$0x7FF] =	sst s3;
	s12 =	sadd.s32 $0xD400, s0;
	s11 =	smul.u32 $0x280, s22  }
0x7: {  	s4 =	sand.u32 $0x1, s4;
	s13 =	sadd.s32 $0x3400, s0;
	s18 =	smul.u32 $0x50000, s22  }
0x8: {  	s0 =	sadd.s32 $0x17400, s0;
	s26 =	smul.u32 $0x2800, s22;
	s5 =	ssub.s32 $0x2, s4  }
0x9: {  	_ =	strace $0x80000050;
	s17 =	sshll.u32 s4, $0x4;
	s6 =	sshrl.u32 s5, $0x1  }
0xa: {  	s8 =	sor.u32 s22, s17;
	s15 =	sadd.s32 $0x80, s11;
	s16 =	sadd.s32 $0x100, s11  }
0xb: {  	s19 =	sshrl.u32 s18, $0x2;
	s17 =	sadd.s32 $0x180, s11;
	s18 =	sadd.s32 $0x200, s11  }
0xc: {  	s14 =	ssub.s32 s5, s6;
	s20 =	sshll.u32 s15, $0x7;
	s10 =	smul.u32 $0x2800, s8  }
0xd: {  	s7 =	sshll.u32 s16, $0x7;
	s5 =	sadd.s32 s19, s2;
	s19 =	smul.u32 $0x2800, s4  }
0xe: {  	s21 =	sshll.u32 s17, $0x7;
	s9 =	sshll.u32 s18, $0x7;
	s4 =	smul.u32 $0x28000, s4  }
0xf: {  	s6 =	sadd.s32 s20, s2;
	s7 =	sadd.s32 s7, s2;
	s8 =	sadd.s32 s21, s2  }
0x10: {  	s9 =	sadd.s32 s9, s2;
	s14 =	smax.u32 s14, $0x1;
	s20 =	sshrl.u32 s10, $0x3  }
0x11: {  	s21 =	sadd.s32 s11, s19;
	s15 =	sadd.s32 s19, s15;
	s23 =	sadd.s32 s19, s16  }
0x12: {  	s24 =	sadd.s32 s19, s17;
	s25 =	sadd.s32 s19, s18;
	s4 =	sadd.s32 s26, s4  }
0x13: {  	[dreg:$0x9] =	wrdreg s14;
	s14 =	simm.s32 $0x3;
	s10 =	sadd.s32 s12, s20  }
0x14: {  	s11 =	sadd.s32 s13, s20;
	s21 =	sshll.u32 s21, $0x4;
	s15 =	sshll.u32 s15, $0x4  }
0x15: {  	s16 =	sshll.u32 s24, $0x4;
	s22 =	sadd.s32 $0x4F0, s20;
	s24 =	sor.u32 $0x100, s4  }
0x16: {  	s4 =	sor.u32 $0x80, s4;
	s21 =	sadd.s32 s0, s21;
	s15 =	sadd.s32 s0, s15  }
0x17: {  	s19 =	sadd.s32 s0, s16;
	s26 =	sshrl.u32 s4, $0x3;
	[dreg:$0x4] =	wrdreg s21  }
0x18: {  	s4 =	simm.s32 $0x4;
	[dreg:$0x5] =	wrdreg s15;
	s15 =	sshll.u32 s23, $0x4  }
0x19: {  	[dreg:$0x7] =	wrdreg s19;
	s21 =	sshll.u32 s25, $0x4;
	s23 =	sadd.s32 s12, s22  }
0x1a: {  	s19 =	sadd.s32 s13, s22;
	s25 =	sshrl.u32 s24, $0x3;
	s22 =	sadd.s32 s26, s13  }
0x1b: {  	s24 =	simm.s32 $0x14000;
	s15 =	sadd.s32 s0, s15;
	s0 =	sadd.s32 s0, s21  }
0x1c: {  	[dreg:$0xa] =	wrdreg s23;
	s20 =	sadd.s32 s25, s13;
	s21 =	sadd.s32 s25, s12  }
0x1d: {  	s23 =	sadd.s32 s26, s12;
	s25 =	simm.s32 $0x5;
	s26 =	simm.s32 $0x1C000  }
0x1e: {  	s12 =	simm.s32 $0x18000;
	s13 =	simm.s32 $0x2;
	[dreg:$0x6] =	wrdreg s15  }
0x1f: {  	v0 =	vimm.f32 $0.0e+00;
	[dreg:$0x8] =	wrdreg s0;
	s0 =	simm.s32 $0x1;
	s15 =	simm.s32 $0x0  }
.LBB2_1:
0x20: {  	s16 =	simm.s32 $0x0;
	s17 =	simm.s32 $0x200  }
.LBB2_2:
0x21: {  	p0 =	sne.s32 s17, $0xFE00;
	[tilespmem:s16+$0x14070] =	vst v0  }
0x22: {  	[tilespmem:s16+$0x14000] =	vst v0  }
0x23: {  	[tilespmem:s16+$0x14010] =	vst v0  }
.Ltmp0:
0x24: {  	[tilespmem:s16+$0x14020] =	vst v0;
	(pc) =	sbr.rel @p0 .LBB2_2-.Ltmp0, $4  }
0x25: {  	[tilespmem:s16+$0x14030] =	vst v0  }
0x26: {  	[tilespmem:s16+$0x14040] =	vst v0  }
0x27: {  	[tilespmem:s16+$0x14050] =	vst v0  }
0x28: {  	[tilespmem:s16+$0x14060] =	vst v0;
	s16 =	sshra.s32 s17, $0x2;
	s17 =	sadd.s32 $0x200, s17  }
0x29: {  	[tilespmem:s16+$0x14070] =	vst v0  }
0x2a: {  	[tilespmem:s16+$0x14000] =	vst v0  }
0x2b: {  	[tilespmem:s16+$0x14010] =	vst v0  }
0x2c: {  	[tilespmem:s16+$0x14020] =	vst v0  }
0x2d: {  	[tilespmem:s16+$0x14030] =	vst v0  }
0x2e: {  	[tilespmem:s16+$0x14040] =	vst v0  }
0x2f: {  	[tilespmem:s16+$0x14050] =	vst v0  }
0x30: {  	[tilespmem:s16+$0x14060] =	vst v0  }
0x31: {  	[spmem:s5] =	stream.linear.scatter [tilespmem:s24], [sflag:$0x5], $0x4000, $0x38;
	[tilespmem:$0x1C200] =	vst v63  }
0x32: {  	_ =	swait.ge [sflag:s25], $0x4000  }
0x33: {  	[sflag:s25] =	ssyncset.done $0x0  }
0x34: {  	[sflag:s25] =	ssyncadd.s32 $0xFFFFC000  }
0x35: {  	[spmem:s6] =	stream.linear.scatter [tilespmem:s24], [sflag:$0x5], $0x4000, $0x38;
	[tilespmem:$0x1C200] =	vst v63  }
0x36: {  	_ =	swait.ge [sflag:s25], $0x4000  }
0x37: {  	[sflag:s25] =	ssyncset.done $0x0  }
0x38: {  	[sflag:s25] =	ssyncadd.s32 $0xFFFFC000  }
0x39: {  	[spmem:s7] =	stream.linear.scatter [tilespmem:s24], [sflag:$0x5], $0x4000, $0x38;
	[tilespmem:$0x1C200] =	vst v63  }
0x3a: {  	_ =	swait.ge [sflag:s25], $0x4000  }
0x3b: {  	[sflag:s25] =	ssyncset.done $0x0  }
0x3c: {  	[sflag:s25] =	ssyncadd.s32 $0xFFFFC000  }
0x3d: {  	[spmem:s8] =	stream.linear.scatter [tilespmem:s24], [sflag:$0x5], $0x4000, $0x38;
	[tilespmem:$0x1C200] =	vst v63  }
0x3e: {  	_ =	swait.ge [sflag:s25], $0x4000  }
0x3f: {  	[sflag:s25] =	ssyncset.done $0x0  }
0x40: {  	[sflag:s25] =	ssyncadd.s32 $0xFFFFC000  }
0x41: {  	[spmem:s9] =	stream.linear.scatter [tilespmem:s24], [sflag:$0x5], $0x4000, $0x38;
	[tilespmem:$0x1C200] =	vst v63  }
0x42: {  	_ =	swait.ge [sflag:s25], $0x4000  }
0x43: {  	[sflag:s25] =	ssyncset.done $0x0  }
0x44: {  	[sflag:s25] =	ssyncadd.s32 $0xFFFFC000  }
0x45: {  	s18 =	simm.s32 $0x0;
	[bflag:$0x0] =	sbarrier.arrive $0xFFFF  }
0x46: {  	[tilespmem:s26], [sflag:$0x5] =	stream.linear.gather [hbm4b:s10+s18], $0x80, $0x38;
	[tilespmem:$0x1C200] =	vst v63  }
0x47: {  	_ =	swait.ge [sflag:s25], $0x80  }
0x48: {  	[sflag:s25] =	ssyncset.done $0x0  }
0x49: {  	[sflag:s25] =	ssyncadd.s32 $0xFFFFFF80  }
0x4a: {  	[tilespmem:s28], [sflag:$0x5] =	stream.linear.gather [hbm4b:s11+s18], $0x80, $0x38;
	[tilespmem:$0x1C200] =	vst v63  }
0x4b: {  	_ =	swait.ge [sflag:s25], $0x80  }
0x4c: {  	[sflag:s25] =	ssyncset.done $0x0  }
0x4d: {  	[sflag:s25] =	ssyncadd.s32 $0xFFFFFF80  }
0x4e: {  	[tilespmem:s24], [sflag:$0x1] =	stream.indirect.gather [hbm4b:s1+s29], $0x80, s26, s29, $0xb8;
	[tilespmem:$0x1C200] =	vst v63  }
0x4f: {  	s17 =	sadd.s32 $0x0, s23  }
0x50: {  	[tilespmem:s30], [sflag:$0x4] =	stream.linear.gather [hbm4b:s17+s3], $0x80, $0x38;
	[tilespmem:$0x1C200] =	vst v63  }
0x51: {  	s18 =	sadd.s32 $0x0, s22  }
0x52: {  	[tilespmem:s31], [sflag:$0x4] =	stream.linear.gather [hbm4b:s18+s3], $0x80, $0x38;
	[tilespmem:$0x1C200] =	vst v63  }
0x53: {  	_ =	swait.ge [sflag:s0], $0x4000  }
0x54: {  	[sflag:s0] =	ssyncset.done $0x0  }
0x55: {  	[sflag:s0] =	ssyncadd.s32 $0xFFFFC000  }
0x56: {  	_ =	swait.ge [sflag:s4], $0x80  }
0x57: {  	[sflag:s4] =	ssyncset.done $0x0  }
0x58: {  	[sflag:s4] =	ssyncadd.s32 $0xFFFFFF80  }
0x59: {  	_ =	swait.ge [sflag:s4], $0x80  }
0x5a: {  	[sflag:s4] =	ssyncset.done $0x0  }
0x5b: {  	[sflag:s4] =	ssyncadd.s32 $0xFFFFFF80  }
0x5c: {  	[tilespmem:s12], [sflag:$0x2] =	stream.indirect.gather [hbm4b:s1+s29], $0x80, s30, s29, $0xb8;
	[tilespmem:$0x1C200] =	vst v63  }
0x5d: {  	_ = 	snop  }
0x5e: {  	[spmem:s2] =	stream.indirect.scatter.add.f32 [tilespmem:s24], [sflag:$0x5], $0x80, s28, s29, $0xb8;
	[tilespmem:$0x1C200] =	vst v63  }
0x5f: {  	_ =	swait.ge [sflag:s25], $0x4000  }
0x60: {  	[sflag:s25] =	ssyncset.done $0x0  }
0x61: {  	s17 =	sadd.s32 $0x0, s21;
	[sflag:s25] =	ssyncadd.s32 $0xFFFFC000  }
0x62: {  	[tilespmem:s26], [sflag:$0x3] =	stream.linear.gather [hbm4b:s17+s3], $0x80, $0x38;
	[tilespmem:$0x1C200] =	vst v63  }
0x63: {  	s18 =	sadd.s32 $0x0, s20  }
0x64: {  	[tilespmem:s28], [sflag:$0x3] =	stream.linear.gather [hbm4b:s18+s3], $0x80, $0x38;
	[tilespmem:$0x1C200] =	vst v63  }
0x65: {  	_ =	swait.ge [sflag:s13], $0x4000  }
0x66: {  	[sflag:s13] =	ssyncset.done $0x0  }
0x67: {  	[sflag:s13] =	ssyncadd.s32 $0xFFFFC000  }
0x68: {  	_ =	swait.ge [sflag:s14], $0x80  }
0x69: {  	[sflag:s14] =	ssyncset.done $0x0  }
0x6a: {  	[sflag:s14] =	ssyncadd.s32 $0xFFFFFF80  }
0x6b: {  	_ =	swait.ge [sflag:s14], $0x80  }
0x6c: {  	[sflag:s14] =	ssyncset.done $0x0  }
0x6d: {  	[sflag:s14] =	ssyncadd.s32 $0xFFFFFF80  }
0x6e: {  	[tilespmem:s24], [sflag:$0x1] =	stream.indirect.gather [hbm4b:s1+s29], $0x80, s26, s29, $0xb8;
	[tilespmem:$0x1C200] =	vst v63  }
0x6f: {  	_ = 	snop  }
0x70: {  	[spmem:s2] =	stream.indirect.scatter.add.f32 [tilespmem:s12], [sflag:$0x5], $0x80, s31, s29, $0xb8;
	[tilespmem:$0x1C200] =	vst v63  }
0x71: {  	_ =	swait.ge [sflag:s25], $0x4000  }
0x72: {  	s16 =	simm.s32 $0x20;
	[sflag:s25] =	ssyncset.done $0x0  }
.LBB2_4:
0x73: {  	p0 =	sne.s32 s16, $0x4C0  }
0x74: {  	[sflag:s25] =	ssyncadd.s32 $0xFFFFC000;
	s17 =	smov.u32 s16;
	s16 =	sadd.s32 $0x20, s16  }
0x75: {  	s18 =	sadd.s32 s17, s23  }
0x76: {  	[tilespmem:s30], [sflag:$0x4] =	stream.linear.gather [hbm4b:s18+s3], $0x80, $0x38;
	[tilespmem:$0x1C200] =	vst v63  }
0x77: {  	s18 =	sadd.s32 s17, s22  }
0x78: {  	[tilespmem:s31], [sflag:$0x4] =	stream.linear.gather [hbm4b:s18+s3], $0x80, $0x38;
	[tilespmem:$0x1C200] =	vst v63  }
0x79: {  	_ =	swait.ge [sflag:s0], $0x4000  }
0x7a: {  	[sflag:s0] =	ssyncset.done $0x0  }
0x7b: {  	[sflag:s0] =	ssyncadd.s32 $0xFFFFC000  }
0x7c: {  	_ =	swait.ge [sflag:s4], $0x80  }
0x7d: {  	[sflag:s4] =	ssyncset.done $0x0  }
0x7e: {  	[sflag:s4] =	ssyncadd.s32 $0xFFFFFF80  }
0x7f: {  	_ =	swait.ge [sflag:s4], $0x80  }
0x80: {  	[sflag:s4] =	ssyncset.done $0x0  }
0x81: {  	[sflag:s4] =	ssyncadd.s32 $0xFFFFFF80  }
0x82: {  	[tilespmem:s12], [sflag:$0x2] =	stream.indirect.gather [hbm4b:s1+s29], $0x80, s30, s29, $0xb8;
	[tilespmem:$0x1C200] =	vst v63  }
0x83: {  	_ = 	snop  }
0x84: {  	[spmem:s2] =	stream.indirect.scatter.add.f32 [tilespmem:s24], [sflag:$0x5], $0x80, s28, s29, $0xb8;
	[tilespmem:$0x1C200] =	vst v63  }
0x85: {  	_ =	swait.ge [sflag:s25], $0x4000  }
0x86: {  	[sflag:s25] =	ssyncset.done $0x0  }
0x87: {  	s18 =	sadd.s32 s17, s21;
	[sflag:s25] =	ssyncadd.s32 $0xFFFFC000  }
0x88: {  	[tilespmem:s26], [sflag:$0x3] =	stream.linear.gather [hbm4b:s18+s3], $0x80, $0x38;
	[tilespmem:$0x1C200] =	vst v63  }
0x89: {  	s17 =	sadd.s32 s17, s20  }
0x8a: {  	[tilespmem:s28], [sflag:$0x3] =	stream.linear.gather [hbm4b:s17+s3], $0x80, $0x38;
	[tilespmem:$0x1C200] =	vst v63  }
0x8b: {  	_ =	swait.ge [sflag:s13], $0x4000  }
0x8c: {  	[sflag:s13] =	ssyncset.done $0x0  }
0x8d: {  	[sflag:s13] =	ssyncadd.s32 $0xFFFFC000  }
0x8e: {  	_ =	swait.ge [sflag:s14], $0x80  }
0x8f: {  	[sflag:s14] =	ssyncset.done $0x0  }
0x90: {  	[sflag:s14] =	ssyncadd.s32 $0xFFFFFF80  }
0x91: {  	_ =	swait.ge [sflag:s14], $0x80  }
0x92: {  	[sflag:s14] =	ssyncset.done $0x0  }
0x93: {  	[sflag:s14] =	ssyncadd.s32 $0xFFFFFF80  }
0x94: {  	[tilespmem:s24], [sflag:$0x1] =	stream.indirect.gather [hbm4b:s1+s29], $0x80, s26, s29, $0xb8;
	[tilespmem:$0x1C200] =	vst v63  }
.Ltmp1:
0x95: {  	_ = 	snop;
	(pc) =	sbr.rel @p0 .LBB2_4-.Ltmp1, $4  }
0x96: {  	_ = 	snop  }
0x97: {  	[spmem:s2] =	stream.indirect.scatter.add.f32 [tilespmem:s12], [sflag:$0x5], $0x80, s31, s29, $0xb8;
	[tilespmem:$0x1C200] =	vst v63  }
0x98: {  	_ =	swait.ge [sflag:s25], $0x4000  }
0x99: {  	[sflag:s25] =	ssyncset.done $0x0  }
0x9a: {  	[sflag:s25] =	ssyncadd.s32 $0xFFFFC000;
	s16 =	rddreg [dreg:$0xa]  }
0x9b: {  	[tilespmem:s30], [sflag:$0x4] =	stream.linear.gather [hbm4b:s16+s3], $0x80, $0x38;
	[tilespmem:$0x1C200] =	vst v63  }
0x9c: {  	_ = 	snop  }
0x9d: {  	[tilespmem:s31], [sflag:$0x4] =	stream.linear.gather [hbm4b:s19+s3], $0x80, $0x38;
	[tilespmem:$0x1C200] =	vst v63  }
0x9e: {  	_ =	swait.ge [sflag:s0], $0x4000  }
0x9f: {  	[sflag:s0] =	ssyncset.done $0x0  }
0xa0: {  	[sflag:s0] =	ssyncadd.s32 $0xFFFFC000  }
0xa1: {  	_ =	swait.ge [sflag:s4], $0x80  }
0xa2: {  	[sflag:s4] =	ssyncset.done $0x0  }
0xa3: {  	[sflag:s4] =	ssyncadd.s32 $0xFFFFFF80  }
0xa4: {  	_ =	swait.ge [sflag:s4], $0x80  }
0xa5: {  	[sflag:s4] =	ssyncset.done $0x0  }
0xa6: {  	[sflag:s4] =	ssyncadd.s32 $0xFFFFFF80  }
0xa7: {  	[tilespmem:s12], [sflag:$0x2] =	stream.indirect.gather [hbm4b:s1+s29], $0x80, s30, s29, $0xb8;
	[tilespmem:$0x1C200] =	vst v63  }
0xa8: {  	_ = 	snop  }
0xa9: {  	[spmem:s2] =	stream.indirect.scatter.add.f32 [tilespmem:s24], [sflag:$0x5], $0x80, s28, s29, $0xb8;
	[tilespmem:$0x1C200] =	vst v63  }
0xaa: {  	_ =	swait.ge [sflag:s25], $0x4000  }
0xab: {  	[sflag:s25] =	ssyncset.done $0x0  }
0xac: {  	[sflag:s25] =	ssyncadd.s32 $0xFFFFC000  }
0xad: {  	[tilespmem:s26], [sflag:$0x3] =	stream.linear.gather [hbm4b:s10+s3], $0x80, $0x38;
	[tilespmem:$0x1C200] =	vst v63  }
0xae: {  	_ = 	snop  }
0xaf: {  	[tilespmem:s28], [sflag:$0x3] =	stream.linear.gather [hbm4b:s11+s3], $0x80, $0x38;
	[tilespmem:$0x1C200] =	vst v63  }
0xb0: {  	_ =	swait.ge [sflag:s13], $0x4000  }
0xb1: {  	[sflag:s13] =	ssyncset.done $0x0  }
0xb2: {  	[sflag:s13] =	ssyncadd.s32 $0xFFFFC000  }
0xb3: {  	_ =	swait.ge [sflag:s14], $0x80  }
0xb4: {  	[sflag:s14] =	ssyncset.done $0x0  }
0xb5: {  	[sflag:s14] =	ssyncadd.s32 $0xFFFFFF80  }
0xb6: {  	_ =	swait.ge [sflag:s14], $0x80  }
0xb7: {  	[sflag:s14] =	ssyncset.done $0x0  }
0xb8: {  	[sflag:s14] =	ssyncadd.s32 $0xFFFFFF80  }
0xb9: {  	[tilespmem:s24], [sflag:$0x1] =	stream.indirect.gather [hbm4b:s1+s29], $0x80, s26, s29, $0xb8;
	[tilespmem:$0x1C200] =	vst v63  }
0xba: {  	_ = 	snop  }
0xbb: {  	[spmem:s2] =	stream.indirect.scatter.add.f32 [tilespmem:s12], [sflag:$0x5], $0x80, s31, s29, $0xb8;
	[tilespmem:$0x1C200] =	vst v63  }
0xbc: {  	_ =	swait.ge [sflag:s25], $0x4000  }
0xbd: {  	[sflag:s25] =	ssyncset.done $0x0  }
0xbe: {  	[sflag:s25] =	ssyncadd.s32 $0xFFFFC000  }
0xbf: {  	_ =	swait.ge [sflag:s0], $0x4000  }
0xc0: {  	[sflag:s0] =	ssyncset.done $0x0  }
0xc1: {  	[sflag:s0] =	ssyncadd.s32 $0xFFFFC000  }
0xc2: {  	[bflag:$0x0] =	sbarrier.arrive $0xFFFF  }
0xc3: {  	[tilespmem:s24], [sflag:$0x5] =	stream.linear.gather [spmem:s5], $0x4000, $0x38;
	[tilespmem:$0x1C200] =	vst v63  }
0xc4: {  	_ =	swait.ge [sflag:s25], $0x4000  }
0xc5: {  	[sflag:s25] =	ssyncset.done $0x0  }
0xc6: {  	s17 =	rddreg [dreg:$0x4];
	[sflag:s25] =	ssyncadd.s32 $0xFFFFC000  }
0xc7: {  	[hbm4b:s17+s3] =	stream.linear.scatter [tilespmem:s24], [sflag:$0x5], $0x4000, $0x38;
	[tilespmem:$0x1C200] =	vst v63  }
0xc8: {  	_ =	swait.ge [sflag:s25], $0x4000  }
0xc9: {  	[sflag:s25] =	ssyncset.done $0x0  }
0xca: {  	[sflag:s25] =	ssyncadd.s32 $0xFFFFC000  }
0xcb: {  	[tilespmem:s24], [sflag:$0x5] =	stream.linear.gather [spmem:s6], $0x4000, $0x38;
	[tilespmem:$0x1C200] =	vst v63  }
0xcc: {  	_ =	swait.ge [sflag:s25], $0x4000  }
0xcd: {  	[sflag:s25] =	ssyncset.done $0x0  }
0xce: {  	s18 =	rddreg [dreg:$0x5];
	[sflag:s25] =	ssyncadd.s32 $0xFFFFC000  }
0xcf: {  	[hbm4b:s18+s3] =	stream.linear.scatter [tilespmem:s24], [sflag:$0x5], $0x4000, $0x38;
	[tilespmem:$0x1C200] =	vst v63  }
0xd0: {  	_ =	swait.ge [sflag:s25], $0x4000  }
0xd1: {  	[sflag:s25] =	ssyncset.done $0x0  }
0xd2: {  	[sflag:s25] =	ssyncadd.s32 $0xFFFFC000  }
0xd3: {  	[tilespmem:s24], [sflag:$0x5] =	stream.linear.gather [spmem:s7], $0x4000, $0x38;
	[tilespmem:$0x1C200] =	vst v63  }
0xd4: {  	_ =	swait.ge [sflag:s25], $0x4000  }
0xd5: {  	[sflag:s25] =	ssyncset.done $0x0  }
0xd6: {  	s17 =	rddreg [dreg:$0x6];
	[sflag:s25] =	ssyncadd.s32 $0xFFFFC000  }
0xd7: {  	[hbm4b:s17+s3] =	stream.linear.scatter [tilespmem:s24], [sflag:$0x5], $0x4000, $0x38;
	[tilespmem:$0x1C200] =	vst v63  }
0xd8: {  	_ =	swait.ge [sflag:s25], $0x4000  }
0xd9: {  	[sflag:s25] =	ssyncset.done $0x0  }
0xda: {  	[sflag:s25] =	ssyncadd.s32 $0xFFFFC000  }
0xdb: {  	[tilespmem:s24], [sflag:$0x5] =	stream.linear.gather [spmem:s8], $0x4000, $0x38;
	[tilespmem:$0x1C200] =	vst v63  }
0xdc: {  	_ =	swait.ge [sflag:s25], $0x4000  }
0xdd: {  	[sflag:s25] =	ssyncset.done $0x0  }
0xde: {  	s18 =	rddreg [dreg:$0x7];
	[sflag:s25] =	ssyncadd.s32 $0xFFFFC000  }
0xdf: {  	[hbm4b:s18+s3] =	stream.linear.scatter [tilespmem:s24], [sflag:$0x5], $0x4000, $0x38;
	[tilespmem:$0x1C200] =	vst v63  }
0xe0: {  	_ =	swait.ge [sflag:s25], $0x4000  }
0xe1: {  	[sflag:s25] =	ssyncset.done $0x0  }
0xe2: {  	[sflag:s25] =	ssyncadd.s32 $0xFFFFC000  }
0xe3: {  	[tilespmem:s24], [sflag:$0x5] =	stream.linear.gather [spmem:s9], $0x4000, $0x38;
	[tilespmem:$0x1C200] =	vst v63  }
0xe4: {  	_ =	swait.ge [sflag:s25], $0x4000  }
0xe5: {  	[sflag:s25] =	ssyncset.done $0x0  }
0xe6: {  	s17 =	rddreg [dreg:$0x8];
	[sflag:s25] =	ssyncadd.s32 $0xFFFFC000  }
0xe7: {  	[hbm4b:s17+s3] =	stream.linear.scatter [tilespmem:s24], [sflag:$0x5], $0x4000, $0x38;
	[tilespmem:$0x1C200] =	vst v63  }
0xe8: {  	_ =	swait.ge [sflag:s25], $0x4000  }
0xe9: {  	s15 =	sadd.s32 $0x1, s15;
	s18 =	rddreg [dreg:$0x9]  }
0xea: {  	p0 =	sne.s32 s15, s18  }
.Ltmp2:
0xeb: {  	_ = 	snop;
	(pc) =	sbr.rel @p0 .LBB2_1-.Ltmp2, $3  }
0xec: {  	_ =	sdelay $0x1  }
0xed: {  	[sflag:s25] =	ssyncset.done $0x0  }
0xee: {  	[sflag:s25] =	ssyncadd.s32 $0xFFFFC000  }
0xef: {  	_ =	sfence.sel $0x180000  }
0xf0: {  	[bflag:$0x0] =	sbarrier.arrive $0xFFFF  }
0xf1: {  	_ =	strace $0x90000050  }
0xf2: {  	s0 =	stileid.u32;
	[bflag:$0x2] =	sbarrier.arrive $0xFFFF  }
0xf3: {  	p0 =	sne.s32 s0, $0x0;
	s0 =	rddreg [dreg:$0x3]  }
0xf4: {  	s0 =	sadd.s32 @!p0 $0x100000, s0  }
0xf5: {  	[sflag:s0] =	ssyncadd.tile.s32 @!p0 $0x1;
	_ =	shalt  }
.Lfunc_end2:
_tile_overlayer_lowered:
.L_overlay_start_2:
0xf6: {  	(tag) =	ssettag $0x2  }
0xf7: {  	s0 =	rddreg [dreg:$0x0];
	s2 =	stileid.u32  }
0xf8: {  	s1 =	rddreg [dreg:$0x1];
	p0 =	sne.s32 s2, $0x0  }
0xf9: {  	s3 =	rddreg [dreg:$0x2];
	[bflag:$0x3] =	sbarrier.arrive $0xFFFF;
	s2 =	simm.s32 @!p0 $0x1C05  }
0xfa: {  	[timem:s3], [sflag:s2] =	dma.local @!p0 [hbm:s0], s1  }
0xfb: {  	s0 =	simm.s32 @!p0 $0x5  }
0xfc: {  	_ =	swait.ge @!p0 [sflag:s0], s1  }
0xfd: {  	s1 =	ssub.s32 @!p0 $0x0, s1;
	[sflag:s0] =	ssyncset.done @!p0 $0x0  }
0xfe: {  	[sflag:s0] =	ssyncadd.s32 @!p0 s1  }
0xff: {  	[bflag:$0x3] =	sbarrier.arrive $0xFFFF  }
0x100: {  	_ =	shalt  }

</sc_bundles>
